<compile_context>
chip_gen: v7x
topology: tpu7x:2x2x1
jax: 0.10.2.dev20260603
libtpu: 0.0.44.dev20260713+nightly
codegen_flags: <defaults>
</compile_context>

<pallas_src>
import functools

import jax
import jax.numpy as jnp
from jax import lax
from jax.experimental import pallas as pl
from jax.experimental.pallas import tpu as pltpu
from jax.experimental.pallas import tpu_sc as plsc

_NEG = -1e9


def _tc_body(hs_ref, embs_ref, ids_ref, logits_ref,
             Wq_ref, bq_ref, Wk_ref, bk_ref, Wv_ref, bv_ref,
             Wqp_ref, c0_ref, Wcp_ref,
             base_ref, vals_ref, idx_ref, A_ref):
    b = pl.program_id(0)
    T, d = hs_ref.shape[1], hs_ref.shape[2]
    n_ret, S = embs_ref.shape[1], embs_ref.shape[2]
    f32 = jnp.float32
    dot = lambda x, y: lax.dot_general(
        x, y, (((1,), (0,)), ((), ())), preferred_element_type=f32)
    cT = lambda x, y: lax.dot_general(
        x, y, (((1,), (1,)), ((), ())), preferred_element_type=f32)

    @pl.when(b == 0)
    def _():
        A_ref[...] = cT(Wq_ref[...], Wk_ref[...])

    hs = hs_ref[0]
    bq = bq_ref[...]
    bk = bk_ref[...]
    bv = bv_ref[...]
    Wqp = Wqp_ref[...]
    Wcp = Wcp_ref[...]

    qbk = cT(bk, Wq_ref[...])
    kbq = cT(bq, Wk_ref[...])
    wvc = cT(Wcp, Wv_ref[...])
    t4 = jnp.sum(bq * bk)
    gate_c = c0_ref[0, 0] + jnp.sum(bv * Wcp)

    U = dot(hs, A_ref[...])
    ct = cT(hs, qbk)
    hq = cT(hs, Wqp)
    scale = f32(1.0) / jnp.sqrt(f32(d))
    inv_r = f32(1.0 / n_ret)

    ids_row = ids_ref[0]
    psum = jnp.zeros((T, 1), f32)
    for r in range(n_ret):
        embs_r = embs_ref[0, r]
        ids_r = ids_row[:, r * S:(r + 1) * S]
        scores = (cT(U, embs_r) + ct + cT(kbq, embs_r) + t4) * scale
        scores = jnp.where(ids_r == 0, _NEG, scores)
        m = jnp.max(scores, axis=1, keepdims=True)
        e = jnp.exp(scores - m)
        attn = e / jnp.sum(e, axis=1, keepdims=True)
        vc = cT(wvc, embs_r)
        p = jax.nn.sigmoid(hq + cT(attn, vc) + gate_c)
        psum = psum + p
        v_r = (p * inv_r) * attn
        vals_ref[0, :, 2 * r] = v_r[:, :S // 2]
        vals_ref[0, :, 2 * r + 1] = v_r[:, S // 2:]
        V = base_ref.shape[2]
        tt = lax.broadcasted_iota(jnp.int32, (T, S), 0)
        full_idx = (b % 2) * (T * V) + tt * V + ids_r
        idx_ref[0, :, 2 * r] = full_idx[:, :S // 2]
        idx_ref[0, :, 2 * r + 1] = full_idx[:, S // 2:]

    g = f32(1.0) - psum * inv_r

    lg = logits_ref[0]
    lm = jnp.max(lg, axis=1, keepdims=True)
    le = jnp.exp(lg - lm)
    base_ref[0] = (g / jnp.sum(le, axis=1, keepdims=True)) * le


def _tc_call(hs, embs, ids32, logits, Wq, bq2, Wk, bk2, Wv, bv2, Wqp2, c0, Wcp2):
    bsz, T, d = hs.shape
    n_ret, S = embs.shape[1], embs.shape[2]
    V = logits.shape[2]
    f32 = jnp.float32
    nk = 2 * n_ret
    full = lambda shp: pl.BlockSpec(shp, lambda b: (0,) * len(shp))
    return pl.pallas_call(
        _tc_body,
        grid=(bsz,),
        in_specs=[
            pl.BlockSpec((1, T, d), lambda b: (b, 0, 0)),
            pl.BlockSpec((1, n_ret, S, d), lambda b: (b, 0, 0, 0)),
            pl.BlockSpec((1, 1, n_ret * S), lambda b: (b, 0, 0)),
            pl.BlockSpec((1, T, V), lambda b: (b, 0, 0)),
            full((d, d)), full((1, d)),
            full((d, d)), full((1, d)),
            full((d, d)), full((1, d)),
            full((1, d)), full((1, 1)), full((1, d)),
        ],
        out_specs=[
            pl.BlockSpec((1, T, V), lambda b: (b, 0, 0)),
            pl.BlockSpec((1, T, nk, S // 2), lambda b: (b, 0, 0, 0)),
            pl.BlockSpec((1, T, nk, S // 2), lambda b: (b, 0, 0, 0)),
        ],
        out_shape=[
            jax.ShapeDtypeStruct((bsz, T, V), f32),
            jax.ShapeDtypeStruct((bsz, T, nk, S // 2), f32),
            jax.ShapeDtypeStruct((bsz, T, nk, S // 2), jnp.int32),
        ],
        scratch_shapes=[pltpu.VMEM((d, d), f32)],
    )(hs, embs, ids32, logits, Wq, bq2, Wk, bk2, Wv, bv2, Wqp2, c0, Wcp2)


def _sc_scatter(base3, idx4, vals4, bsz, T, V):
    NG, L = vals4.shape
    NGB = NG // bsz
    bpc = bsz // 2
    mesh = plsc.VectorSubcoreMesh(core_axis_name="c", subcore_axis_name="s")

    @functools.partial(
        pl.kernel,
        out_type=jax.ShapeDtypeStruct((bsz, T, V), jnp.float32),
        mesh=mesh,
        scratch_types=[
            pltpu.VMEM_SHARED((2 * T * V,), jnp.float32),
            pltpu.VMEM((T, L), jnp.int32),
            pltpu.VMEM((T, L), jnp.float32),
            pltpu.SemaphoreType.DMA,
        ],
        name="sc_scatter",
    )
    def sc_fn(base_hbm, idx_hbm, vals_hbm, out_hbm, spmem, idx_v, vals_v,
              sem):
        c = lax.axis_index("c")
        s = lax.axis_index("s")
        bbp = s // 8
        q = s % 8
        for p in range(2):
            b = c * bpc + p * 2 + bbp
            grow = b * NGB + q * T
            ds = [pltpu.async_copy(
                      base_hbm.at[b, 2 * q + i],
                      spmem.at[pl.ds((bbp * T + 2 * q + i) * V, V)], sem)
                  for i in range(2)]
            ds.append(pltpu.async_copy(idx_hbm.at[pl.ds(grow, T)], idx_v,
                                       sem))
            ds.append(pltpu.async_copy(vals_hbm.at[pl.ds(grow, T)], vals_v,
                                       sem))
            for dd in ds:
                dd.wait()
            ds = [pltpu.async_copy(vals_v.at[g], spmem.at[idx_v.at[g]],
                                   sem, add=True)
                  for g in range(T)]
            for dd in ds:
                dd.wait()
            ds = [pltpu.async_copy(
                      spmem.at[pl.ds((bbp * T + 2 * q + i) * V, V)],
                      out_hbm.at[b, 2 * q + i], sem)
                  for i in range(2)]
            for dd in ds:
                dd.wait()

    return sc_fn(base3, idx4, vals4)


def kernel(hidden_states, ret_text_embs, ret_input_ids, logits,
           Wq_attn, bq_attn, Wk_attn, bk_attn, Wv_attn, bv_attn,
           Wq_ptr, bq_ptr, Wc_ptr, bc_ptr):
    bsz, n_ret, S = ret_input_ids.shape
    T = hidden_states.shape[1]
    d = hidden_states.shape[2]
    V = logits.shape[-1]
    f32 = jnp.float32

    ids32 = ret_input_ids.astype(jnp.int32).reshape(bsz, 1, n_ret * S)
    bq2 = bq_attn.astype(f32).reshape(1, d)
    bk2 = bk_attn.astype(f32).reshape(1, d)
    bv2 = bv_attn.astype(f32).reshape(1, d)
    Wqp2 = Wq_ptr.astype(f32).reshape(1, d)
    Wcp2 = Wc_ptr.astype(f32).reshape(1, d)
    c0 = (bq_ptr + bc_ptr).astype(f32).reshape(1, 1)

    base, vals, sidx = _tc_call(
        hidden_states.astype(f32), ret_text_embs.astype(f32), ids32,
        logits.astype(f32), Wq_attn.astype(f32), bq2, Wk_attn.astype(f32),
        bk2, Wv_attn.astype(f32), bv2, Wqp2, c0, Wcp2)

    NG = vals.shape[1] * vals.shape[2]
    L = vals.shape[3]
    return _sc_scatter(base, sidx.reshape(bsz * NG, L),
                       vals.reshape(bsz * NG, L), bsz, T, V)

# --- scband reference (transcript-rebuilt; emitter-appended) ---
"""Pipeline reference for scband-pointer-17540646437187 (READ-ONLY COPY).

The authoritative reference and input builder live on the scoring server;
editing this copy changes nothing except your own understanding.
"""

import jax, jax.numpy as jnp
import numpy as np

PAD = 0
COPY_SCALE = 1.0


def setup_inputs(seed: int = 0) -> dict:
    key = jax.random.key(seed)
    ks = jax.random.split(key, 16)
    d = 512
    V = 32128
    inp = {}
    inp['hidden_states'] = jax.random.normal(ks[0], (8, 16, d), dtype=jnp.float32)
    inp['ret_text_embs'] = jax.random.normal(ks[1], (8, 4, 200, d), dtype=jnp.float32)
    inp['ret_input_ids'] = jax.random.randint(ks[2], (8, 4, 200), 0, V, dtype=jnp.int64)
    inp['logits'] = jax.random.normal(ks[3], (8, 16, V), dtype=jnp.float32)
    # ScaledDotProductAttention projection params (num_heads=1)
    inp['Wq_attn'] = jax.random.normal(ks[4], (d, d), dtype=jnp.float32) * 0.02
    inp['bq_attn'] = jnp.zeros((d,), dtype=jnp.float32)
    inp['Wk_attn'] = jax.random.normal(ks[5], (d, d), dtype=jnp.float32) * 0.02
    inp['bk_attn'] = jnp.zeros((d,), dtype=jnp.float32)
    inp['Wv_attn'] = jax.random.normal(ks[6], (d, d), dtype=jnp.float32) * 0.02
    inp['bv_attn'] = jnp.zeros((d,), dtype=jnp.float32)
    # Pointer gate params: Wq: Linear(d, 1), Wc: Linear(d, 1)
    inp['Wq_ptr'] = jax.random.normal(ks[7], (d, 1), dtype=jnp.float32) * 0.02
    inp['bq_ptr'] = jnp.zeros((1,), dtype=jnp.float32)
    inp['Wc_ptr'] = jax.random.normal(ks[8], (d, 1), dtype=jnp.float32) * 0.02
    inp['bc_ptr'] = jnp.zeros((1,), dtype=jnp.float32)
    return inp


def reference(hidden_states, ret_text_embs, ret_input_ids, logits,
              Wq_attn, bq_attn, Wk_attn, bk_attn, Wv_attn, bv_attn,
              Wq_ptr, bq_ptr, Wc_ptr, bc_ptr):
    bsz, n_ret, seq_len = ret_input_ids.shape
    T = hidden_states.shape[1]
    d = hidden_states.shape[2]
    V = logits.shape[-1]
    BN = bsz * n_ret

    # hidden_states.unsqueeze(1).repeat(1, n_ret, 1, 1).view(BN, T, d)
    hs = jnp.broadcast_to(hidden_states[:, None, :, :], (bsz, n_ret, T, d)).reshape(BN, T, d)
    embs = ret_text_embs.reshape(BN, seq_len, d)
    ids = ret_input_ids.reshape(BN, 1, seq_len)
    attn_mask = (ids == PAD)  # [BN, 1, S]

    # ScaledDotProductAttention (single head, eval mode so dropout is identity)
    q = hs @ Wq_attn + bq_attn          # [BN, T, d]
    k = embs @ Wk_attn + bk_attn        # [BN, S, d]
    v = embs @ Wv_attn + bv_attn        # [BN, S, d]
    scores = jnp.einsum('btd,bsd->bts', q, k) / jnp.sqrt(jnp.float32(d))  # [BN, T, S]
    scores = scores[:, None, :, :]      # [BN, 1(head), T, S]
    scores = jnp.where(attn_mask[:, :, None, :], jnp.float32(-1e9), scores)
    attention_probs = jax.nn.softmax(scores, axis=-1)  # [BN, 1, T, S]
    context = jnp.einsum('bhts,bsd->bhtd', attention_probs, v).reshape(BN, T, d)

    # copy gate
    p_copy = COPY_SCALE * jax.nn.sigmoid(hs @ Wq_ptr + bq_ptr + context @ Wc_ptr + bc_ptr)  # [BN, T, 1]
    p_copy = p_copy.reshape(bsz, n_ret, T, 1)

    # ret_input_ids.repeat(1, T, 1).view(bsz, n_ret, T, seq_len)
    ids_rep = jnp.broadcast_to(ids, (BN, T, seq_len)).reshape(bsz, n_ret, T, seq_len)
    ret_probs = p_copy * attention_probs.mean(axis=1).reshape(bsz, n_ret, T, seq_len)

    base = (1.0 - p_copy) * jnp.broadcast_to(
        jax.nn.softmax(logits, axis=-1)[:, None, :, :], (bsz, n_ret, T, V))

    # scatter_add_(dim=3, index=ids_rep, src=ret_probs)
    N = bsz * n_ret * T
    flat = base.reshape(N, V)
    idx = ids_rep.reshape(N, seq_len)
    src = ret_probs.reshape(N, seq_len)
    flat = flat.at[jnp.arange(N)[:, None], idx].add(src)

    probs = flat.reshape(bsz, n_ret, T, V).mean(axis=1)  # [bsz, T, V]; torch squeeze(1) is a no-op here
    return probs

if __name__ == "__main__":
    import jax
    _d = setup_inputs()
    print(jax.jit(kernel)(*tuple(_d.values())))

</pallas_src>

<mosaic_0001>
#map = affine_map<(d0, d1) -> (0, 0, 0)>
#map1 = affine_map<(d0, d1) -> (0, 0)>
module attributes {stable_mosaic.version = 14 : i64} {
  func.func @sc_scatter(%arg0: i32, %arg1: i32, %arg2: memref<8x16x32128xf32, #tpu.memory_space<hbm>>, %arg3: memref<1024x100xi32, #tpu.memory_space<hbm>>, %arg4: memref<1024x100xf32, #tpu.memory_space<hbm>>, %arg5: memref<8x16x32128xf32, #tpu.memory_space<hbm>>, %arg6: memref<1028096xf32, #tpu.memory_space<vmem_shared>>, %arg7: memref<16x100xi32, #tpu.memory_space<vmem>>, %arg8: memref<16x100xf32, #tpu.memory_space<vmem>>, %arg9: memref<!tpu.dma_semaphore, #tpu.memory_space<semaphore_mem>>) attributes {dimension_semantics = [#tpu.dimension_semantics<core_parallel>, #tpu.dimension_semantics<subcore_parallel>], iteration_bounds = array<i64: 2, 16>, scalar_prefetch = 0 : i64, scratch_operands = 4 : i64, tpu.core_type = #tpu.core_type<sc_vector_subcore>, window_params = [{transform_indices = #map}, {transform_indices = #map1}, {transform_indices = #map1}, {transform_indices = #map}]} {
    %jit3A = arith.constant 8 : i32
    %div3A = arith.divsi %arg1, %jit3A : i32
    %sign3A = arith.constant 0 : i32
    %sign3A_0 = arith.cmpi sgt, %arg1, %sign3A : i32
    %sign3A_1 = arith.extui %sign3A_0 : i1 to i32
    %sign3A_2 = arith.constant 0 : i32
    %sign3A_3 = arith.cmpi slt, %arg1, %sign3A_2 : i32
    %sign3A_4 = arith.extui %sign3A_3 : i1 to i32
    %sign3A_5 = arith.subi %sign3A_1, %sign3A_4 : i32
    %sign3A_6 = arith.constant 0 : i32
    %sign3A_7 = arith.cmpi sgt, %jit3A, %sign3A_6 : i32
    %sign3A_8 = arith.extui %sign3A_7 : i1 to i32
    %sign3A_9 = arith.constant 0 : i32
    %sign3A_10 = arith.cmpi slt, %jit3A, %sign3A_9 : i32
    %sign3A_11 = arith.extui %sign3A_10 : i1 to i32
    %sign3A_12 = arith.subi %sign3A_8, %sign3A_11 : i32
    %ne3A = arith.cmpi ne, %sign3A_5, %sign3A_12 : i32
    %rem3A = arith.remsi %arg1, %jit3A : i32
    %ne3A_13 = arith.constant 0 : i32
    %ne3A_14 = arith.cmpi ne, %rem3A, %ne3A_13 : i32
    %and3A = arith.andi %ne3A, %ne3A_14 : i1
    %sub3A = arith.constant 1 : i32
    %sub3A_15 = arith.subi %div3A, %sub3A : i32
    %select_n3A = arith.select %and3A, %sub3A_15, %div3A : i32
    %jit3A_16 = arith.constant 8 : i32
    %eq3A = arith.constant 0 : i32
    %eq3A_17 = arith.cmpi eq, %jit3A_16, %eq3A : i32
    %jit3A_18 = arith.constant 1 : i32
    %select_n3A_19 = arith.select %eq3A_17, %jit3A_18, %jit3A_16 : i32
    %rem3A_20 = arith.remsi %arg1, %select_n3A_19 : i32
    %ne3A_21 = arith.constant 0 : i32
    %ne3A_22 = arith.cmpi ne, %rem3A_20, %ne3A_21 : i32
    %lt3A = arith.constant 0 : i32
    %lt3A_23 = arith.cmpi slt, %rem3A_20, %lt3A : i32
    %lt3A_24 = arith.constant 0 : i32
    %lt3A_25 = arith.cmpi slt, %select_n3A_19, %lt3A_24 : i32
    %ne3A_26 = arith.xori %lt3A_23, %lt3A_25 : i1
    %and3A_27 = arith.andi %ne3A_26, %ne3A_22 : i1
    %add3A = arith.addi %rem3A_20, %select_n3A_19 : i32
    %select_n3A_28 = arith.select %and3A_27, %add3A, %rem3A_20 : i32
    %mul3A = arith.constant 4 : i32
    %mul3A_29 = arith.muli %arg0, %mul3A : i32
    %add3A_30 = arith.constant 0 : i32
    %add3A_31 = arith.addi %mul3A_29, %add3A_30 : i32
    %add3A_32 = arith.addi %add3A_31, %select_n3A : i32
    %mul3A_33 = arith.constant 128 : i32
    %mul3A_34 = arith.muli %add3A_32, %mul3A_33 : i32
    %mul3A_35 = arith.constant 16 : i32
    %mul3A_36 = arith.muli %select_n3A_28, %mul3A_35 : i32
    %add3A_37 = arith.addi %mul3A_34, %mul3A_36 : i32
    %mul3A_38 = arith.constant 2 : i32
    %mul3A_39 = arith.muli %mul3A_38, %select_n3A_28 : i32
    %add3A_40 = arith.constant 0 : i32
    %add3A_41 = arith.addi %mul3A_39, %add3A_40 : i32
    %mul3A_42 = arith.constant 16 : i32
    %mul3A_43 = arith.muli %select_n3A, %mul3A_42 : i32
    %mul3A_44 = arith.constant 2 : i32
    %mul3A_45 = arith.muli %mul3A_44, %select_n3A_28 : i32
    %add3A_46 = arith.addi %mul3A_43, %mul3A_45 : i32
    %add3A_47 = arith.constant 0 : i32
    %add3A_48 = arith.addi %add3A_46, %add3A_47 : i32
    %mul3A_49 = arith.constant 32128 : i32
    %mul3A_50 = arith.muli %add3A_48, %mul3A_49 : i32
    %dma_start3A = tpu.memref_slice %arg6[%mul3A_50] : memref<1028096xf32, #tpu.memory_space<vmem_shared>> -> memref<32128xf32, #tpu.memory_space<vmem_shared>>
    %dma_start3A_51 = arith.constant 0 : i32
    %dma_start3A_52 = tpu.memref_slice %arg2[%add3A_32, %add3A_41, %dma_start3A_51] : memref<8x16x32128xf32, #tpu.memory_space<hbm>> -> memref<1x1x32128xf32, #tpu.memory_space<hbm>>
    %dma_start3A_53 = tpu.memref_squeeze %dma_start3A_52 : memref<1x1x32128xf32, #tpu.memory_space<hbm>> -> memref<32128xf32, #tpu.memory_space<hbm>>
    tpu.enqueue_dma source(%dma_start3A_53 : memref<32128xf32, #tpu.memory_space<hbm>>) target(%dma_start3A : memref<32128xf32, #tpu.memory_space<vmem_shared>>) target_semaphore(%arg9 : memref<!tpu.dma_semaphore, #tpu.memory_space<semaphore_mem>>)
    %mul3A_54 = arith.constant 2 : i32
    %mul3A_55 = arith.muli %mul3A_54, %select_n3A_28 : i32
    %add3A_56 = arith.constant 1 : i32
    %add3A_57 = arith.addi %mul3A_55, %add3A_56 : i32
    %mul3A_58 = arith.constant 16 : i32
    %mul3A_59 = arith.muli %select_n3A, %mul3A_58 : i32
    %mul3A_60 = arith.constant 2 : i32
    %mul3A_61 = arith.muli %mul3A_60, %select_n3A_28 : i32
    %add3A_62 = arith.addi %mul3A_59, %mul3A_61 : i32
    %add3A_63 = arith.constant 1 : i32
    %add3A_64 = arith.addi %add3A_62, %add3A_63 : i32
    %mul3A_65 = arith.constant 32128 : i32
    %mul3A_66 = arith.muli %add3A_64, %mul3A_65 : i32
    %dma_start3A_67 = tpu.memref_slice %arg6[%mul3A_66] : memref<1028096xf32, #tpu.memory_space<vmem_shared>> -> memref<32128xf32, #tpu.memory_space<vmem_shared>>
    %dma_start3A_68 = arith.constant 0 : i32
    %dma_start3A_69 = tpu.memref_slice %arg2[%add3A_32, %add3A_57, %dma_start3A_68] : memref<8x16x32128xf32, #tpu.memory_space<hbm>> -> memref<1x1x32128xf32, #tpu.memory_space<hbm>>
    %dma_start3A_70 = tpu.memref_squeeze %dma_start3A_69 : memref<1x1x32128xf32, #tpu.memory_space<hbm>> -> memref<32128xf32, #tpu.memory_space<hbm>>
    tpu.enqueue_dma source(%dma_start3A_70 : memref<32128xf32, #tpu.memory_space<hbm>>) target(%dma_start3A_67 : memref<32128xf32, #tpu.memory_space<vmem_shared>>) target_semaphore(%arg9 : memref<!tpu.dma_semaphore, #tpu.memory_space<semaphore_mem>>)
    %dma_start3A_71 = arith.constant 0 : i32
    %dma_start3A_72 = tpu.memref_slice %arg3[%add3A_37, %dma_start3A_71] : memref<1024x100xi32, #tpu.memory_space<hbm>> -> memref<16x100xi32, #tpu.memory_space<hbm>>
    %dma_start3A_73 = arith.constant 0 : i32
    %dma_start3A_74 = tpu.memref_slice %arg3[%add3A_37, %dma_start3A_73] : memref<1024x100xi32, #tpu.memory_space<hbm>> -> memref<16x100xi32, #tpu.memory_space<hbm>>
    tpu.enqueue_dma source(%dma_start3A_74 : memref<16x100xi32, #tpu.memory_space<hbm>>) target(%arg7 : memref<16x100xi32, #tpu.memory_space<vmem>>) target_semaphore(%arg9 : memref<!tpu.dma_semaphore, #tpu.memory_space<semaphore_mem>>)
    %dma_start3A_75 = arith.constant 0 : i32
    %dma_start3A_76 = tpu.memref_slice %arg4[%add3A_37, %dma_start3A_75] : memref<1024x100xf32, #tpu.memory_space<hbm>> -> memref<16x100xf32, #tpu.memory_space<hbm>>
    %dma_start3A_77 = arith.constant 0 : i32
    %dma_start3A_78 = tpu.memref_slice %arg4[%add3A_37, %dma_start3A_77] : memref<1024x100xf32, #tpu.memory_space<hbm>> -> memref<16x100xf32, #tpu.memory_space<hbm>>
    tpu.enqueue_dma source(%dma_start3A_78 : memref<16x100xf32, #tpu.memory_space<hbm>>) target(%arg8 : memref<16x100xf32, #tpu.memory_space<vmem>>) target_semaphore(%arg9 : memref<!tpu.dma_semaphore, #tpu.memory_space<semaphore_mem>>)
    %dma_wait3A = tpu.memref_slice %arg6[%mul3A_50] : memref<1028096xf32, #tpu.memory_space<vmem_shared>> -> memref<32128xf32, #tpu.memory_space<vmem_shared>>
    %dma_wait3A_79 = arith.constant 0 : i32
    %dma_wait3A_80 = tpu.memref_slice %arg2[%add3A_32, %add3A_41, %dma_wait3A_79] : memref<8x16x32128xf32, #tpu.memory_space<hbm>> -> memref<1x1x32128xf32, #tpu.memory_space<hbm>>
    %dma_wait3A_81 = tpu.memref_squeeze %dma_wait3A_80 : memref<1x1x32128xf32, #tpu.memory_space<hbm>> -> memref<32128xf32, #tpu.memory_space<hbm>>
    tpu.wait_dma2 semaphore(%arg9 : memref<!tpu.dma_semaphore, #tpu.memory_space<semaphore_mem>>) src(%dma_wait3A_81 : memref<32128xf32, #tpu.memory_space<hbm>>) dst(%dma_wait3A : memref<32128xf32, #tpu.memory_space<vmem_shared>>)
    %dma_wait3A_82 = tpu.memref_slice %arg6[%mul3A_66] : memref<1028096xf32, #tpu.memory_space<vmem_shared>> -> memref<32128xf32, #tpu.memory_space<vmem_shared>>
    %dma_wait3A_83 = arith.constant 0 : i32
    %dma_wait3A_84 = tpu.memref_slice %arg2[%add3A_32, %add3A_57, %dma_wait3A_83] : memref<8x16x32128xf32, #tpu.memory_space<hbm>> -> memref<1x1x32128xf32, #tpu.memory_space<hbm>>
    %dma_wait3A_85 = tpu.memref_squeeze %dma_wait3A_84 : memref<1x1x32128xf32, #tpu.memory_space<hbm>> -> memref<32128xf32, #tpu.memory_space<hbm>>
    tpu.wait_dma2 semaphore(%arg9 : memref<!tpu.dma_semaphore, #tpu.memory_space<semaphore_mem>>) src(%dma_wait3A_85 : memref<32128xf32, #tpu.memory_space<hbm>>) dst(%dma_wait3A_82 : memref<32128xf32, #tpu.memory_space<vmem_shared>>)
    %dma_wait3A_86 = arith.constant 0 : i32
    %dma_wait3A_87 = tpu.memref_slice %arg3[%add3A_37, %dma_wait3A_86] : memref<1024x100xi32, #tpu.memory_space<hbm>> -> memref<16x100xi32, #tpu.memory_space<hbm>>
    %dma_wait3A_88 = arith.constant 0 : i32
    %dma_wait3A_89 = tpu.memref_slice %arg3[%add3A_37, %dma_wait3A_88] : memref<1024x100xi32, #tpu.memory_space<hbm>> -> memref<16x100xi32, #tpu.memory_space<hbm>>
    tpu.wait_dma2 semaphore(%arg9 : memref<!tpu.dma_semaphore, #tpu.memory_space<semaphore_mem>>) src(%dma_wait3A_89 : memref<16x100xi32, #tpu.memory_space<hbm>>) dst(%arg7 : memref<16x100xi32, #tpu.memory_space<vmem>>)
    %dma_wait3A_90 = arith.constant 0 : i32
    %dma_wait3A_91 = tpu.memref_slice %arg4[%add3A_37, %dma_wait3A_90] : memref<1024x100xf32, #tpu.memory_space<hbm>> -> memref<16x100xf32, #tpu.memory_space<hbm>>
    %dma_wait3A_92 = arith.constant 0 : i32
    %dma_wait3A_93 = tpu.memref_slice %arg4[%add3A_37, %dma_wait3A_92] : memref<1024x100xf32, #tpu.memory_space<hbm>> -> memref<16x100xf32, #tpu.memory_space<hbm>>
    tpu.wait_dma2 semaphore(%arg9 : memref<!tpu.dma_semaphore, #tpu.memory_space<semaphore_mem>>) src(%dma_wait3A_93 : memref<16x100xf32, #tpu.memory_space<hbm>>) dst(%arg8 : memref<16x100xf32, #tpu.memory_space<vmem>>)
    %dma_start3A_94 = arith.constant 0 : i32
    %dma_start3A_95 = arith.constant 0 : i32
    %dma_start3A_96 = arith.constant 0 : i32
    %dma_start3A_97 = tpu.memref_slice %arg8[%dma_start3A_94, %dma_start3A_96] : memref<16x100xf32, #tpu.memory_space<vmem>> -> memref<1x100xf32, #tpu.memory_space<vmem>>
    %dma_start3A_98 = tpu.memref_squeeze %dma_start3A_97 : memref<1x100xf32, #tpu.memory_space<vmem>> -> memref<100xf32, #tpu.memory_space<vmem>>
    %dma_start3A_99 = arith.constant 0 : i32
    %dma_start3A_100 = tpu.memref_slice %arg7[%dma_start3A_95, %dma_start3A_99] : memref<16x100xi32, #tpu.memory_space<vmem>> -> memref<1x100xi32, #tpu.memory_space<vmem>>
    %dma_start3A_101 = tpu.memref_squeeze %dma_start3A_100 : memref<1x100xi32, #tpu.memory_space<vmem>> -> memref<100xi32, #tpu.memory_space<vmem>>
    %dma_start3A_102 = arith.constant 0 : i32
    %dma_start3A_103 = tpu.memref_slice %arg6[%dma_start3A_102] : memref<1028096xf32, #tpu.memory_space<vmem_shared>> -> memref<1028096xf32, #tpu.memory_space<vmem_shared>>
    tpu.enqueue_indirect_dma source(%dma_start3A_98 : memref<100xf32, #tpu.memory_space<vmem>>) target(%dma_start3A_103 : memref<1028096xf32, #tpu.memory_space<vmem_shared>>) offsets(%dma_start3A_101 : memref<100xi32, #tpu.memory_space<vmem>>) semaphore(%arg9 : memref<!tpu.dma_semaphore, #tpu.memory_space<semaphore_mem>>) {add = true}
    %dma_start3A_104 = arith.constant 1 : i32
    %dma_start3A_105 = arith.constant 1 : i32
    %dma_start3A_106 = arith.constant 0 : i32
    %dma_start3A_107 = tpu.memref_slice %arg8[%dma_start3A_104, %dma_start3A_106] : memref<16x100xf32, #tpu.memory_space<vmem>> -> memref<1x100xf32, #tpu.memory_space<vmem>>
    %dma_start3A_108 = tpu.memref_squeeze %dma_start3A_107 : memref<1x100xf32, #tpu.memory_space<vmem>> -> memref<100xf32, #tpu.memory_space<vmem>>
    %dma_start3A_109 = arith.constant 0 : i32
    %dma_start3A_110 = tpu.memref_slice %arg7[%dma_start3A_105, %dma_start3A_109] : memref<16x100xi32, #tpu.memory_space<vmem>> -> memref<1x100xi32, #tpu.memory_space<vmem>>
    %dma_start3A_111 = tpu.memref_squeeze %dma_start3A_110 : memref<1x100xi32, #tpu.memory_space<vmem>> -> memref<100xi32, #tpu.memory_space<vmem>>
    %dma_start3A_112 = arith.constant 0 : i32
    %dma_start3A_113 = tpu.memref_slice %arg6[%dma_start3A_112] : memref<1028096xf32, #tpu.memory_space<vmem_shared>> -> memref<1028096xf32, #tpu.memory_space<vmem_shared>>
    tpu.enqueue_indirect_dma source(%dma_start3A_108 : memref<100xf32, #tpu.memory_space<vmem>>) target(%dma_start3A_113 : memref<1028096xf32, #tpu.memory_space<vmem_shared>>) offsets(%dma_start3A_111 : memref<100xi32, #tpu.memory_space<vmem>>) semaphore(%arg9 : memref<!tpu.dma_semaphore, #tpu.memory_space<semaphore_mem>>) {add = true}
    %dma_start3A_114 = arith.constant 2 : i32
    %dma_start3A_115 = arith.constant 2 : i32
    %dma_start3A_116 = arith.constant 0 : i32
    %dma_start3A_117 = tpu.memref_slice %arg8[%dma_start3A_114, %dma_start3A_116] : memref<16x100xf32, #tpu.memory_space<vmem>> -> memref<1x100xf32, #tpu.memory_space<vmem>>
    %dma_start3A_118 = tpu.memref_squeeze %dma_start3A_117 : memref<1x100xf32, #tpu.memory_space<vmem>> -> memref<100xf32, #tpu.memory_space<vmem>>
    %dma_start3A_119 = arith.constant 0 : i32
    %dma_start3A_120 = tpu.memref_slice %arg7[%dma_start3A_115, %dma_start3A_119] : memref<16x100xi32, #tpu.memory_space<vmem>> -> memref<1x100xi32, #tpu.memory_space<vmem>>
    %dma_start3A_121 = tpu.memref_squeeze %dma_start3A_120 : memref<1x100xi32, #tpu.memory_space<vmem>> -> memref<100xi32, #tpu.memory_space<vmem>>
    %dma_start3A_122 = arith.constant 0 : i32
    %dma_start3A_123 = tpu.memref_slice %arg6[%dma_start3A_122] : memref<1028096xf32, #tpu.memory_space<vmem_shared>> -> memref<1028096xf32, #tpu.memory_space<vmem_shared>>
    tpu.enqueue_indirect_dma source(%dma_start3A_118 : memref<100xf32, #tpu.memory_space<vmem>>) target(%dma_start3A_123 : memref<1028096xf32, #tpu.memory_space<vmem_shared>>) offsets(%dma_start3A_121 : memref<100xi32, #tpu.memory_space<vmem>>) semaphore(%arg9 : memref<!tpu.dma_semaphore, #tpu.memory_space<semaphore_mem>>) {add = true}
    %dma_start3A_124 = arith.constant 3 : i32
    %dma_start3A_125 = arith.constant 3 : i32
    %dma_start3A_126 = arith.constant 0 : i32
    %dma_start3A_127 = tpu.memref_slice %arg8[%dma_start3A_124, %dma_start3A_126] : memref<16x100xf32, #tpu.memory_space<vmem>> -> memref<1x100xf32, #tpu.memory_space<vmem>>
    %dma_start3A_128 = tpu.memref_squeeze %dma_start3A_127 : memref<1x100xf32, #tpu.memory_space<vmem>> -> memref<100xf32, #tpu.memory_space<vmem>>
    %dma_start3A_129 = arith.constant 0 : i32
    %dma_start3A_130 = tpu.memref_slice %arg7[%dma_start3A_125, %dma_start3A_129] : memref<16x100xi32, #tpu.memory_space<vmem>> -> memref<1x100xi32, #tpu.memory_space<vmem>>
    %dma_start3A_131 = tpu.memref_squeeze %dma_start3A_130 : memref<1x100xi32, #tpu.memory_space<vmem>> -> memref<100xi32, #tpu.memory_space<vmem>>
    %dma_start3A_132 = arith.constant 0 : i32
    %dma_start3A_133 = tpu.memref_slice %arg6[%dma_start3A_132] : memref<1028096xf32, #tpu.memory_space<vmem_shared>> -> memref<1028096xf32, #tpu.memory_space<vmem_shared>>
    tpu.enqueue_indirect_dma source(%dma_start3A_128 : memref<100xf32, #tpu.memory_space<vmem>>) target(%dma_start3A_133 : memref<1028096xf32, #tpu.memory_space<vmem_shared>>) offsets(%dma_start3A_131 : memref<100xi32, #tpu.memory_space<vmem>>) semaphore(%arg9 : memref<!tpu.dma_semaphore, #tpu.memory_space<semaphore_mem>>) {add = true}
    %dma_start3A_134 = arith.constant 4 : i32
    %dma_start3A_135 = arith.constant 4 : i32
    %dma_start3A_136 = arith.constant 0 : i32
    %dma_start3A_137 = tpu.memref_slice %arg8[%dma_start3A_134, %dma_start3A_136] : memref<16x100xf32, #tpu.memory_space<vmem>> -> memref<1x100xf32, #tpu.memory_space<vmem>>
    %dma_start3A_138 = tpu.memref_squeeze %dma_start3A_137 : memref<1x100xf32, #tpu.memory_space<vmem>> -> memref<100xf32, #tpu.memory_space<vmem>>
    %dma_start3A_139 = arith.constant 0 : i32
    %dma_start3A_140 = tpu.memref_slice %arg7[%dma_start3A_135, %dma_start3A_139] : memref<16x100xi32, #tpu.memory_space<vmem>> -> memref<1x100xi32, #tpu.memory_space<vmem>>
    %dma_start3A_141 = tpu.memref_squeeze %dma_start3A_140 : memref<1x100xi32, #tpu.memory_space<vmem>> -> memref<100xi32, #tpu.memory_space<vmem>>
    %dma_start3A_142 = arith.constant 0 : i32
    %dma_start3A_143 = tpu.memref_slice %arg6[%dma_start3A_142] : memref<1028096xf32, #tpu.memory_space<vmem_shared>> -> memref<1028096xf32, #tpu.memory_space<vmem_shared>>
    tpu.enqueue_indirect_dma source(%dma_start3A_138 : memref<100xf32, #tpu.memory_space<vmem>>) target(%dma_start3A_143 : memref<1028096xf32, #tpu.memory_space<vmem_shared>>) offsets(%dma_start3A_141 : memref<100xi32, #tpu.memory_space<vmem>>) semaphore(%arg9 : memref<!tpu.dma_semaphore, #tpu.memory_space<semaphore_mem>>) {add = true}
    %dma_start3A_144 = arith.constant 5 : i32
    %dma_start3A_145 = arith.constant 5 : i32
    %dma_start3A_146 = arith.constant 0 : i32
    %dma_start3A_147 = tpu.memref_slice %arg8[%dma_start3A_144, %dma_start3A_146] : memref<16x100xf32, #tpu.memory_space<vmem>> -> memref<1x100xf32, #tpu.memory_space<vmem>>
    %dma_start3A_148 = tpu.memref_squeeze %dma_start3A_147 : memref<1x100xf32, #tpu.memory_space<vmem>> -> memref<100xf32, #tpu.memory_space<vmem>>
    %dma_start3A_149 = arith.constant 0 : i32
    %dma_start3A_150 = tpu.memref_slice %arg7[%dma_start3A_145, %dma_start3A_149] : memref<16x100xi32, #tpu.memory_space<vmem>> -> memref<1x100xi32, #tpu.memory_space<vmem>>
    %dma_start3A_151 = tpu.memref_squeeze %dma_start3A_150 : memref<1x100xi32, #tpu.memory_space<vmem>> -> memref<100xi32, #tpu.memory_space<vmem>>
    %dma_start3A_152 = arith.constant 0 : i32
    %dma_start3A_153 = tpu.memref_slice %arg6[%dma_start3A_152] : memref<1028096xf32, #tpu.memory_space<vmem_shared>> -> memref<1028096xf32, #tpu.memory_space<vmem_shared>>
    tpu.enqueue_indirect_dma source(%dma_start3A_148 : memref<100xf32, #tpu.memory_space<vmem>>) target(%dma_start3A_153 : memref<1028096xf32, #tpu.memory_space<vmem_shared>>) offsets(%dma_start3A_151 : memref<100xi32, #tpu.memory_space<vmem>>) semaphore(%arg9 : memref<!tpu.dma_semaphore, #tpu.memory_space<semaphore_mem>>) {add = true}
    %dma_start3A_154 = arith.constant 6 : i32
    %dma_start3A_155 = arith.constant 6 : i32
    %dma_start3A_156 = arith.constant 0 : i32
    %dma_start3A_157 = tpu.memref_slice %arg8[%dma_start3A_154, %dma_start3A_156] : memref<16x100xf32, #tpu.memory_space<vmem>> -> memref<1x100xf32, #tpu.memory_space<vmem>>
    %dma_start3A_158 = tpu.memref_squeeze %dma_start3A_157 : memref<1x100xf32, #tpu.memory_space<vmem>> -> memref<100xf32, #tpu.memory_space<vmem>>
    %dma_start3A_159 = arith.constant 0 : i32
    %dma_start3A_160 = tpu.memref_slice %arg7[%dma_start3A_155, %dma_start3A_159] : memref<16x100xi32, #tpu.memory_space<vmem>> -> memref<1x100xi32, #tpu.memory_space<vmem>>
    %dma_start3A_161 = tpu.memref_squeeze %dma_start3A_160 : memref<1x100xi32, #tpu.memory_space<vmem>> -> memref<100xi32, #tpu.memory_space<vmem>>
    %dma_start3A_162 = arith.constant 0 : i32
    %dma_start3A_163 = tpu.memref_slice %arg6[%dma_start3A_162] : memref<1028096xf32, #tpu.memory_space<vmem_shared>> -> memref<1028096xf32, #tpu.memory_space<vmem_shared>>
    tpu.enqueue_indirect_dma source(%dma_start3A_158 : memref<100xf32, #tpu.memory_space<vmem>>) target(%dma_start3A_163 : memref<1028096xf32, #tpu.memory_space<vmem_shared>>) offsets(%dma_start3A_161 : memref<100xi32, #tpu.memory_space<vmem>>) semaphore(%arg9 : memref<!tpu.dma_semaphore, #tpu.memory_space<semaphore_mem>>) {add = true}
    %dma_start3A_164 = arith.constant 7 : i32
    %dma_start3A_165 = arith.constant 7 : i32
    %dma_start3A_166 = arith.constant 0 : i32
    %dma_start3A_167 = tpu.memref_slice %arg8[%dma_start3A_164, %dma_start3A_166] : memref<16x100xf32, #tpu.memory_space<vmem>> -> memref<1x100xf32, #tpu.memory_space<vmem>>
    %dma_start3A_168 = tpu.memref_squeeze %dma_start3A_167 : memref<1x100xf32, #tpu.memory_space<vmem>> -> memref<100xf32, #tpu.memory_space<vmem>>
    %dma_start3A_169 = arith.constant 0 : i32
    %dma_start3A_170 = tpu.memref_slice %arg7[%dma_start3A_165, %dma_start3A_169] : memref<16x100xi32, #tpu.memory_space<vmem>> -> memref<1x100xi32, #tpu.memory_space<vmem>>
    %dma_start3A_171 = tpu.memref_squeeze %dma_start3A_170 : memref<1x100xi32, #tpu.memory_space<vmem>> -> memref<100xi32, #tpu.memory_space<vmem>>
    %dma_start3A_172 = arith.constant 0 : i32
    %dma_start3A_173 = tpu.memref_slice %arg6[%dma_start3A_172] : memref<1028096xf32, #tpu.memory_space<vmem_shared>> -> memref<1028096xf32, #tpu.memory_space<vmem_shared>>
    tpu.enqueue_indirect_dma source(%dma_start3A_168 : memref<100xf32, #tpu.memory_space<vmem>>) target(%dma_start3A_173 : memref<1028096xf32, #tpu.memory_space<vmem_shared>>) offsets(%dma_start3A_171 : memref<100xi32, #tpu.memory_space<vmem>>) semaphore(%arg9 : memref<!tpu.dma_semaphore, #tpu.memory_space<semaphore_mem>>) {add = true}
    %dma_start3A_174 = arith.constant 8 : i32
    %dma_start3A_175 = arith.constant 8 : i32
    %dma_start3A_176 = arith.constant 0 : i32
    %dma_start3A_177 = tpu.memref_slice %arg8[%dma_start3A_174, %dma_start3A_176] : memref<16x100xf32, #tpu.memory_space<vmem>> -> memref<1x100xf32, #tpu.memory_space<vmem>>
    %dma_start3A_178 = tpu.memref_squeeze %dma_start3A_177 : memref<1x100xf32, #tpu.memory_space<vmem>> -> memref<100xf32, #tpu.memory_space<vmem>>
    %dma_start3A_179 = arith.constant 0 : i32
    %dma_start3A_180 = tpu.memref_slice %arg7[%dma_start3A_175, %dma_start3A_179] : memref<16x100xi32, #tpu.memory_space<vmem>> -> memref<1x100xi32, #tpu.memory_space<vmem>>
    %dma_start3A_181 = tpu.memref_squeeze %dma_start3A_180 : memref<1x100xi32, #tpu.memory_space<vmem>> -> memref<100xi32, #tpu.memory_space<vmem>>
    %dma_start3A_182 = arith.constant 0 : i32
    %dma_start3A_183 = tpu.memref_slice %arg6[%dma_start3A_182] : memref<1028096xf32, #tpu.memory_space<vmem_shared>> -> memref<1028096xf32, #tpu.memory_space<vmem_shared>>
    tpu.enqueue_indirect_dma source(%dma_start3A_178 : memref<100xf32, #tpu.memory_space<vmem>>) target(%dma_start3A_183 : memref<1028096xf32, #tpu.memory_space<vmem_shared>>) offsets(%dma_start3A_181 : memref<100xi32, #tpu.memory_space<vmem>>) semaphore(%arg9 : memref<!tpu.dma_semaphore, #tpu.memory_space<semaphore_mem>>) {add = true}
    %dma_start3A_184 = arith.constant 9 : i32
    %dma_start3A_185 = arith.constant 9 : i32
    %dma_start3A_186 = arith.constant 0 : i32
    %dma_start3A_187 = tpu.memref_slice %arg8[%dma_start3A_184, %dma_start3A_186] : memref<16x100xf32, #tpu.memory_space<vmem>> -> memref<1x100xf32, #tpu.memory_space<vmem>>
    %dma_start3A_188 = tpu.memref_squeeze %dma_start3A_187 : memref<1x100xf32, #tpu.memory_space<vmem>> -> memref<100xf32, #tpu.memory_space<vmem>>
    %dma_start3A_189 = arith.constant 0 : i32
    %dma_start3A_190 = tpu.memref_slice %arg7[%dma_start3A_185, %dma_start3A_189] : memref<16x100xi32, #tpu.memory_space<vmem>> -> memref<1x100xi32, #tpu.memory_space<vmem>>
    %dma_start3A_191 = tpu.memref_squeeze %dma_start3A_190 : memref<1x100xi32, #tpu.memory_space<vmem>> -> memref<100xi32, #tpu.memory_space<vmem>>
    %dma_start3A_192 = arith.constant 0 : i32
    %dma_start3A_193 = tpu.memref_slice %arg6[%dma_start3A_192] : memref<1028096xf32, #tpu.memory_space<vmem_shared>> -> memref<1028096xf32, #tpu.memory_space<vmem_shared>>
    tpu.enqueue_indirect_dma source(%dma_start3A_188 : memref<100xf32, #tpu.memory_space<vmem>>) target(%dma_start3A_193 : memref<1028096xf32, #tpu.memory_space<vmem_shared>>) offsets(%dma_start3A_191 : memref<100xi32, #tpu.memory_space<vmem>>) semaphore(%arg9 : memref<!tpu.dma_semaphore, #tpu.memory_space<semaphore_mem>>) {add = true}
    %dma_start3A_194 = arith.constant 10 : i32
    %dma_start3A_195 = arith.constant 10 : i32
    %dma_start3A_196 = arith.constant 0 : i32
    %dma_start3A_197 = tpu.memref_slice %arg8[%dma_start3A_194, %dma_start3A_196] : memref<16x100xf32, #tpu.memory_space<vmem>> -> memref<1x100xf32, #tpu.memory_space<vmem>>
    %dma_start3A_198 = tpu.memref_squeeze %dma_start3A_197 : memref<1x100xf32, #tpu.memory_space<vmem>> -> memref<100xf32, #tpu.memory_space<vmem>>
    %dma_start3A_199 = arith.constant 0 : i32
    %dma_start3A_200 = tpu.memref_slice %arg7[%dma_start3A_195, %dma_start3A_199] : memref<16x100xi32, #tpu.memory_space<vmem>> -> memref<1x100xi32, #tpu.memory_space<vmem>>
    %dma_start3A_201 = tpu.memref_squeeze %dma_start3A_200 : memref<1x100xi32, #tpu.memory_space<vmem>> -> memref<100xi32, #tpu.memory_space<vmem>>
    %dma_start3A_202 = arith.constant 0 : i32
    %dma_start3A_203 = tpu.memref_slice %arg6[%dma_start3A_202] : memref<1028096xf32, #tpu.memory_space<vmem_shared>> -> memref<1028096xf32, #tpu.memory_space<vmem_shared>>
    tpu.enqueue_indirect_dma source(%dma_start3A_198 : memref<100xf32, #tpu.memory_space<vmem>>) target(%dma_start3A_203 : memref<1028096xf32, #tpu.memory_space<vmem_shared>>) offsets(%dma_start3A_201 : memref<100xi32, #tpu.memory_space<vmem>>) semaphore(%arg9 : memref<!tpu.dma_semaphore, #tpu.memory_space<semaphore_mem>>) {add = true}
    %dma_start3A_204 = arith.constant 11 : i32
    %dma_start3A_205 = arith.constant 11 : i32
    %dma_start3A_206 = arith.constant 0 : i32
    %dma_start3A_207 = tpu.memref_slice %arg8[%dma_start3A_204, %dma_start3A_206] : memref<16x100xf32, #tpu.memory_space<vmem>> -> memref<1x100xf32, #tpu.memory_space<vmem>>
    %dma_start3A_208 = tpu.memref_squeeze %dma_start3A_207 : memref<1x100xf32, #tpu.memory_space<vmem>> -> memref<100xf32, #tpu.memory_space<vmem>>
    %dma_start3A_209 = arith.constant 0 : i32
    %dma_start3A_210 = tpu.memref_slice %arg7[%dma_start3A_205, %dma_start3A_209] : memref<16x100xi32, #tpu.memory_space<vmem>> -> memref<1x100xi32, #tpu.memory_space<vmem>>
    %dma_start3A_211 = tpu.memref_squeeze %dma_start3A_210 : memref<1x100xi32, #tpu.memory_space<vmem>> -> memref<100xi32, #tpu.memory_space<vmem>>
    %dma_start3A_212 = arith.constant 0 : i32
    %dma_start3A_213 = tpu.memref_slice %arg6[%dma_start3A_212] : memref<1028096xf32, #tpu.memory_space<vmem_shared>> -> memref<1028096xf32, #tpu.memory_space<vmem_shared>>
    tpu.enqueue_indirect_dma source(%dma_start3A_208 : memref<100xf32, #tpu.memory_space<vmem>>) target(%dma_start3A_213 : memref<1028096xf32, #tpu.memory_space<vmem_shared>>) offsets(%dma_start3A_211 : memref<100xi32, #tpu.memory_space<vmem>>) semaphore(%arg9 : memref<!tpu.dma_semaphore, #tpu.memory_space<semaphore_mem>>) {add = true}
    %dma_start3A_214 = arith.constant 12 : i32
    %dma_start3A_215 = arith.constant 12 : i32
    %dma_start3A_216 = arith.constant 0 : i32
    %dma_start3A_217 = tpu.memref_slice %arg8[%dma_start3A_214, %dma_start3A_216] : memref<16x100xf32, #tpu.memory_space<vmem>> -> memref<1x100xf32, #tpu.memory_space<vmem>>
    %dma_start3A_218 = tpu.memref_squeeze %dma_start3A_217 : memref<1x100xf32, #tpu.memory_space<vmem>> -> memref<100xf32, #tpu.memory_space<vmem>>
    %dma_start3A_219 = arith.constant 0 : i32
    %dma_start3A_220 = tpu.memref_slice %arg7[%dma_start3A_215, %dma_start3A_219] : memref<16x100xi32, #tpu.memory_space<vmem>> -> memref<1x100xi32, #tpu.memory_space<vmem>>
    %dma_start3A_221 = tpu.memref_squeeze %dma_start3A_220 : memref<1x100xi32, #tpu.memory_space<vmem>> -> memref<100xi32, #tpu.memory_space<vmem>>
    %dma_start3A_222 = arith.constant 0 : i32
    %dma_start3A_223 = tpu.memref_slice %arg6[%dma_start3A_222] : memref<1028096xf32, #tpu.memory_space<vmem_shared>> -> memref<1028096xf32, #tpu.memory_space<vmem_shared>>
    tpu.enqueue_indirect_dma source(%dma_start3A_218 : memref<100xf32, #tpu.memory_space<vmem>>) target(%dma_start3A_223 : memref<1028096xf32, #tpu.memory_space<vmem_shared>>) offsets(%dma_start3A_221 : memref<100xi32, #tpu.memory_space<vmem>>) semaphore(%arg9 : memref<!tpu.dma_semaphore, #tpu.memory_space<semaphore_mem>>) {add = true}
    %dma_start3A_224 = arith.constant 13 : i32
    %dma_start3A_225 = arith.constant 13 : i32
    %dma_start3A_226 = arith.constant 0 : i32
    %dma_start3A_227 = tpu.memref_slice %arg8[%dma_start3A_224, %dma_start3A_226] : memref<16x100xf32, #tpu.memory_space<vmem>> -> memref<1x100xf32, #tpu.memory_space<vmem>>
    %dma_start3A_228 = tpu.memref_squeeze %dma_start3A_227 : memref<1x100xf32, #tpu.memory_space<vmem>> -> memref<100xf32, #tpu.memory_space<vmem>>
    %dma_start3A_229 = arith.constant 0 : i32
    %dma_start3A_230 = tpu.memref_slice %arg7[%dma_start3A_225, %dma_start3A_229] : memref<16x100xi32, #tpu.memory_space<vmem>> -> memref<1x100xi32, #tpu.memory_space<vmem>>
    %dma_start3A_231 = tpu.memref_squeeze %dma_start3A_230 : memref<1x100xi32, #tpu.memory_space<vmem>> -> memref<100xi32, #tpu.memory_space<vmem>>
    %dma_start3A_232 = arith.constant 0 : i32
    %dma_start3A_233 = tpu.memref_slice %arg6[%dma_start3A_232] : memref<1028096xf32, #tpu.memory_space<vmem_shared>> -> memref<1028096xf32, #tpu.memory_space<vmem_shared>>
    tpu.enqueue_indirect_dma source(%dma_start3A_228 : memref<100xf32, #tpu.memory_space<vmem>>) target(%dma_start3A_233 : memref<1028096xf32, #tpu.memory_space<vmem_shared>>) offsets(%dma_start3A_231 : memref<100xi32, #tpu.memory_space<vmem>>) semaphore(%arg9 : memref<!tpu.dma_semaphore, #tpu.memory_space<semaphore_mem>>) {add = true}
    %dma_start3A_234 = arith.constant 14 : i32
    %dma_start3A_235 = arith.constant 14 : i32
    %dma_start3A_236 = arith.constant 0 : i32
    %dma_start3A_237 = tpu.memref_slice %arg8[%dma_start3A_234, %dma_start3A_236] : memref<16x100xf32, #tpu.memory_space<vmem>> -> memref<1x100xf32, #tpu.memory_space<vmem>>
    %dma_start3A_238 = tpu.memref_squeeze %dma_start3A_237 : memref<1x100xf32, #tpu.memory_space<vmem>> -> memref<100xf32, #tpu.memory_space<vmem>>
    %dma_start3A_239 = arith.constant 0 : i32
    %dma_start3A_240 = tpu.memref_slice %arg7[%dma_start3A_235, %dma_start3A_239] : memref<16x100xi32, #tpu.memory_space<vmem>> -> memref<1x100xi32, #tpu.memory_space<vmem>>
    %dma_start3A_241 = tpu.memref_squeeze %dma_start3A_240 : memref<1x100xi32, #tpu.memory_space<vmem>> -> memref<100xi32, #tpu.memory_space<vmem>>
    %dma_start3A_242 = arith.constant 0 : i32
    %dma_start3A_243 = tpu.memref_slice %arg6[%dma_start3A_242] : memref<1028096xf32, #tpu.memory_space<vmem_shared>> -> memref<1028096xf32, #tpu.memory_space<vmem_shared>>
    tpu.enqueue_indirect_dma source(%dma_start3A_238 : memref<100xf32, #tpu.memory_space<vmem>>) target(%dma_start3A_243 : memref<1028096xf32, #tpu.memory_space<vmem_shared>>) offsets(%dma_start3A_241 : memref<100xi32, #tpu.memory_space<vmem>>) semaphore(%arg9 : memref<!tpu.dma_semaphore, #tpu.memory_space<semaphore_mem>>) {add = true}
    %dma_start3A_244 = arith.constant 15 : i32
    %dma_start3A_245 = arith.constant 15 : i32
    %dma_start3A_246 = arith.constant 0 : i32
    %dma_start3A_247 = tpu.memref_slice %arg8[%dma_start3A_244, %dma_start3A_246] : memref<16x100xf32, #tpu.memory_space<vmem>> -> memref<1x100xf32, #tpu.memory_space<vmem>>
    %dma_start3A_248 = tpu.memref_squeeze %dma_start3A_247 : memref<1x100xf32, #tpu.memory_space<vmem>> -> memref<100xf32, #tpu.memory_space<vmem>>
    %dma_start3A_249 = arith.constant 0 : i32
    %dma_start3A_250 = tpu.memref_slice %arg7[%dma_start3A_245, %dma_start3A_249] : memref<16x100xi32, #tpu.memory_space<vmem>> -> memref<1x100xi32, #tpu.memory_space<vmem>>
    %dma_start3A_251 = tpu.memref_squeeze %dma_start3A_250 : memref<1x100xi32, #tpu.memory_space<vmem>> -> memref<100xi32, #tpu.memory_space<vmem>>
    %dma_start3A_252 = arith.constant 0 : i32
    %dma_start3A_253 = tpu.memref_slice %arg6[%dma_start3A_252] : memref<1028096xf32, #tpu.memory_space<vmem_shared>> -> memref<1028096xf32, #tpu.memory_space<vmem_shared>>
    tpu.enqueue_indirect_dma source(%dma_start3A_248 : memref<100xf32, #tpu.memory_space<vmem>>) target(%dma_start3A_253 : memref<1028096xf32, #tpu.memory_space<vmem_shared>>) offsets(%dma_start3A_251 : memref<100xi32, #tpu.memory_space<vmem>>) semaphore(%arg9 : memref<!tpu.dma_semaphore, #tpu.memory_space<semaphore_mem>>) {add = true}
    %dma_wait3A_254 = arith.constant 0 : i32
    %dma_wait3A_255 = arith.constant 0 : i32
    %dma_wait3A_256 = arith.constant 0 : i32
    %dma_wait3A_257 = tpu.memref_slice %arg8[%dma_wait3A_254, %dma_wait3A_256] : memref<16x100xf32, #tpu.memory_space<vmem>> -> memref<1x100xf32, #tpu.memory_space<vmem>>
    %dma_wait3A_258 = tpu.memref_squeeze %dma_wait3A_257 : memref<1x100xf32, #tpu.memory_space<vmem>> -> memref<100xf32, #tpu.memory_space<vmem>>
    %dma_wait3A_259 = arith.constant 0 : i32
    %dma_wait3A_260 = tpu.memref_slice %arg7[%dma_wait3A_255, %dma_wait3A_259] : memref<16x100xi32, #tpu.memory_space<vmem>> -> memref<1x100xi32, #tpu.memory_space<vmem>>
    %dma_wait3A_261 = tpu.memref_squeeze %dma_wait3A_260 : memref<1x100xi32, #tpu.memory_space<vmem>> -> memref<100xi32, #tpu.memory_space<vmem>>
    %dma_wait3A_262 = arith.constant 0 : i32
    %dma_wait3A_263 = tpu.memref_slice %arg6[%dma_wait3A_262] : memref<1028096xf32, #tpu.memory_space<vmem_shared>> -> memref<1028096xf32, #tpu.memory_space<vmem_shared>>
    tpu.wait_indirect_dma semaphore(%arg9 : memref<!tpu.dma_semaphore, #tpu.memory_space<semaphore_mem>>) src(%dma_wait3A_258 : memref<100xf32, #tpu.memory_space<vmem>>) dst(%dma_wait3A_263 : memref<1028096xf32, #tpu.memory_space<vmem_shared>>)
    %dma_wait3A_264 = arith.constant 1 : i32
    %dma_wait3A_265 = arith.constant 1 : i32
    %dma_wait3A_266 = arith.constant 0 : i32
    %dma_wait3A_267 = tpu.memref_slice %arg8[%dma_wait3A_264, %dma_wait3A_266] : memref<16x100xf32, #tpu.memory_space<vmem>> -> memref<1x100xf32, #tpu.memory_space<vmem>>
    %dma_wait3A_268 = tpu.memref_squeeze %dma_wait3A_267 : memref<1x100xf32, #tpu.memory_space<vmem>> -> memref<100xf32, #tpu.memory_space<vmem>>
    %dma_wait3A_269 = arith.constant 0 : i32
    %dma_wait3A_270 = tpu.memref_slice %arg7[%dma_wait3A_265, %dma_wait3A_269] : memref<16x100xi32, #tpu.memory_space<vmem>> -> memref<1x100xi32, #tpu.memory_space<vmem>>
    %dma_wait3A_271 = tpu.memref_squeeze %dma_wait3A_270 : memref<1x100xi32, #tpu.memory_space<vmem>> -> memref<100xi32, #tpu.memory_space<vmem>>
    %dma_wait3A_272 = arith.constant 0 : i32
    %dma_wait3A_273 = tpu.memref_slice %arg6[%dma_wait3A_272] : memref<1028096xf32, #tpu.memory_space<vmem_shared>> -> memref<1028096xf32, #tpu.memory_space<vmem_shared>>
    tpu.wait_indirect_dma semaphore(%arg9 : memref<!tpu.dma_semaphore, #tpu.memory_space<semaphore_mem>>) src(%dma_wait3A_268 : memref<100xf32, #tpu.memory_space<vmem>>) dst(%dma_wait3A_273 : memref<1028096xf32, #tpu.memory_space<vmem_shared>>)
    %dma_wait3A_274 = arith.constant 2 : i32
    %dma_wait3A_275 = arith.constant 2 : i32
    %dma_wait3A_276 = arith.constant 0 : i32
    %dma_wait3A_277 = tpu.memref_slice %arg8[%dma_wait3A_274, %dma_wait3A_276] : memref<16x100xf32, #tpu.memory_space<vmem>> -> memref<1x100xf32, #tpu.memory_space<vmem>>
    %dma_wait3A_278 = tpu.memref_squeeze %dma_wait3A_277 : memref<1x100xf32, #tpu.memory_space<vmem>> -> memref<100xf32, #tpu.memory_space<vmem>>
    %dma_wait3A_279 = arith.constant 0 : i32
    %dma_wait3A_280 = tpu.memref_slice %arg7[%dma_wait3A_275, %dma_wait3A_279] : memref<16x100xi32, #tpu.memory_space<vmem>> -> memref<1x100xi32, #tpu.memory_space<vmem>>
    %dma_wait3A_281 = tpu.memref_squeeze %dma_wait3A_280 : memref<1x100xi32, #tpu.memory_space<vmem>> -> memref<100xi32, #tpu.memory_space<vmem>>
    %dma_wait3A_282 = arith.constant 0 : i32
    %dma_wait3A_283 = tpu.memref_slice %arg6[%dma_wait3A_282] : memref<1028096xf32, #tpu.memory_space<vmem_shared>> -> memref<1028096xf32, #tpu.memory_space<vmem_shared>>
    tpu.wait_indirect_dma semaphore(%arg9 : memref<!tpu.dma_semaphore, #tpu.memory_space<semaphore_mem>>) src(%dma_wait3A_278 : memref<100xf32, #tpu.memory_space<vmem>>) dst(%dma_wait3A_283 : memref<1028096xf32, #tpu.memory_space<vmem_shared>>)
    %dma_wait3A_284 = arith.constant 3 : i32
    %dma_wait3A_285 = arith.constant 3 : i32
    %dma_wait3A_286 = arith.constant 0 : i32
    %dma_wait3A_287 = tpu.memref_slice %arg8[%dma_wait3A_284, %dma_wait3A_286] : memref<16x100xf32, #tpu.memory_space<vmem>> -> memref<1x100xf32, #tpu.memory_space<vmem>>
    %dma_wait3A_288 = tpu.memref_squeeze %dma_wait3A_287 : memref<1x100xf32, #tpu.memory_space<vmem>> -> memref<100xf32, #tpu.memory_space<vmem>>
    %dma_wait3A_289 = arith.constant 0 : i32
    %dma_wait3A_290 = tpu.memref_slice %arg7[%dma_wait3A_285, %dma_wait3A_289] : memref<16x100xi32, #tpu.memory_space<vmem>> -> memref<1x100xi32, #tpu.memory_space<vmem>>
    %dma_wait3A_291 = tpu.memref_squeeze %dma_wait3A_290 : memref<1x100xi32, #tpu.memory_space<vmem>> -> memref<100xi32, #tpu.memory_space<vmem>>
    %dma_wait3A_292 = arith.constant 0 : i32
    %dma_wait3A_293 = tpu.memref_slice %arg6[%dma_wait3A_292] : memref<1028096xf32, #tpu.memory_space<vmem_shared>> -> memref<1028096xf32, #tpu.memory_space<vmem_shared>>
    tpu.wait_indirect_dma semaphore(%arg9 : memref<!tpu.dma_semaphore, #tpu.memory_space<semaphore_mem>>) src(%dma_wait3A_288 : memref<100xf32, #tpu.memory_space<vmem>>) dst(%dma_wait3A_293 : memref<1028096xf32, #tpu.memory_space<vmem_shared>>)
    %dma_wait3A_294 = arith.constant 4 : i32
    %dma_wait3A_295 = arith.constant 4 : i32
    %dma_wait3A_296 = arith.constant 0 : i32
    %dma_wait3A_297 = tpu.memref_slice %arg8[%dma_wait3A_294, %dma_wait3A_296] : memref<16x100xf32, #tpu.memory_space<vmem>> -> memref<1x100xf32, #tpu.memory_space<vmem>>
    %dma_wait3A_298 = tpu.memref_squeeze %dma_wait3A_297 : memref<1x100xf32, #tpu.memory_space<vmem>> -> memref<100xf32, #tpu.memory_space<vmem>>
    %dma_wait3A_299 = arith.constant 0 : i32
    %dma_wait3A_300 = tpu.memref_slice %arg7[%dma_wait3A_295, %dma_wait3A_299] : memref<16x100xi32, #tpu.memory_space<vmem>> -> memref<1x100xi32, #tpu.memory_space<vmem>>
    %dma_wait3A_301 = tpu.memref_squeeze %dma_wait3A_300 : memref<1x100xi32, #tpu.memory_space<vmem>> -> memref<100xi32, #tpu.memory_space<vmem>>
    %dma_wait3A_302 = arith.constant 0 : i32
    %dma_wait3A_303 = tpu.memref_slice %arg6[%dma_wait3A_302] : memref<1028096xf32, #tpu.memory_space<vmem_shared>> -> memref<1028096xf32, #tpu.memory_space<vmem_shared>>
    tpu.wait_indirect_dma semaphore(%arg9 : memref<!tpu.dma_semaphore, #tpu.memory_space<semaphore_mem>>) src(%dma_wait3A_298 : memref<100xf32, #tpu.memory_space<vmem>>) dst(%dma_wait3A_303 : memref<1028096xf32, #tpu.memory_space<vmem_shared>>)
    %dma_wait3A_304 = arith.constant 5 : i32
    %dma_wait3A_305 = arith.constant 5 : i32
    %dma_wait3A_306 = arith.constant 0 : i32
    %dma_wait3A_307 = tpu.memref_slice %arg8[%dma_wait3A_304, %dma_wait3A_306] : memref<16x100xf32, #tpu.memory_space<vmem>> -> memref<1x100xf32, #tpu.memory_space<vmem>>
    %dma_wait3A_308 = tpu.memref_squeeze %dma_wait3A_307 : memref<1x100xf32, #tpu.memory_space<vmem>> -> memref<100xf32, #tpu.memory_space<vmem>>
    %dma_wait3A_309 = arith.constant 0 : i32
    %dma_wait3A_310 = tpu.memref_slice %arg7[%dma_wait3A_305, %dma_wait3A_309] : memref<16x100xi32, #tpu.memory_space<vmem>> -> memref<1x100xi32, #tpu.memory_space<vmem>>
    %dma_wait3A_311 = tpu.memref_squeeze %dma_wait3A_310 : memref<1x100xi32, #tpu.memory_space<vmem>> -> memref<100xi32, #tpu.memory_space<vmem>>
    %dma_wait3A_312 = arith.constant 0 : i32
    %dma_wait3A_313 = tpu.memref_slice %arg6[%dma_wait3A_312] : memref<1028096xf32, #tpu.memory_space<vmem_shared>> -> memref<1028096xf32, #tpu.memory_space<vmem_shared>>
    tpu.wait_indirect_dma semaphore(%arg9 : memref<!tpu.dma_semaphore, #tpu.memory_space<semaphore_mem>>) src(%dma_wait3A_308 : memref<100xf32, #tpu.memory_space<vmem>>) dst(%dma_wait3A_313 : memref<1028096xf32, #tpu.memory_space<vmem_shared>>)
    %dma_wait3A_314 = arith.constant 6 : i32
    %dma_wait3A_315 = arith.constant 6 : i32
    %dma_wait3A_316 = arith.constant 0 : i32
    %dma_wait3A_317 = tpu.memref_slice %arg8[%dma_wait3A_314, %dma_wait3A_316] : memref<16x100xf32, #tpu.memory_space<vmem>> -> memref<1x100xf32, #tpu.memory_space<vmem>>
    %dma_wait3A_318 = tpu.memref_squeeze %dma_wait3A_317 : memref<1x100xf32, #tpu.memory_space<vmem>> -> memref<100xf32, #tpu.memory_space<vmem>>
    %dma_wait3A_319 = arith.constant 0 : i32
    %dma_wait3A_320 = tpu.memref_slice %arg7[%dma_wait3A_315, %dma_wait3A_319] : memref<16x100xi32, #tpu.memory_space<vmem>> -> memref<1x100xi32, #tpu.memory_space<vmem>>
    %dma_wait3A_321 = tpu.memref_squeeze %dma_wait3A_320 : memref<1x100xi32, #tpu.memory_space<vmem>> -> memref<100xi32, #tpu.memory_space<vmem>>
    %dma_wait3A_322 = arith.constant 0 : i32
    %dma_wait3A_323 = tpu.memref_slice %arg6[%dma_wait3A_322] : memref<1028096xf32, #tpu.memory_space<vmem_shared>> -> memref<1028096xf32, #tpu.memory_space<vmem_shared>>
    tpu.wait_indirect_dma semaphore(%arg9 : memref<!tpu.dma_semaphore, #tpu.memory_space<semaphore_mem>>) src(%dma_wait3A_318 : memref<100xf32, #tpu.memory_space<vmem>>) dst(%dma_wait3A_323 : memref<1028096xf32, #tpu.memory_space<vmem_shared>>)
    %dma_wait3A_324 = arith.constant 7 : i32
    %dma_wait3A_325 = arith.constant 7 : i32
    %dma_wait3A_326 = arith.constant 0 : i32
    %dma_wait3A_327 = tpu.memref_slice %arg8[%dma_wait3A_324, %dma_wait3A_326] : memref<16x100xf32, #tpu.memory_space<vmem>> -> memref<1x100xf32, #tpu.memory_space<vmem>>
    %dma_wait3A_328 = tpu.memref_squeeze %dma_wait3A_327 : memref<1x100xf32, #tpu.memory_space<vmem>> -> memref<100xf32, #tpu.memory_space<vmem>>
    %dma_wait3A_329 = arith.constant 0 : i32
    %dma_wait3A_330 = tpu.memref_slice %arg7[%dma_wait3A_325, %dma_wait3A_329] : memref<16x100xi32, #tpu.memory_space<vmem>> -> memref<1x100xi32, #tpu.memory_space<vmem>>
    %dma_wait3A_331 = tpu.memref_squeeze %dma_wait3A_330 : memref<1x100xi32, #tpu.memory_space<vmem>> -> memref<100xi32, #tpu.memory_space<vmem>>
    %dma_wait3A_332 = arith.constant 0 : i32
    %dma_wait3A_333 = tpu.memref_slice %arg6[%dma_wait3A_332] : memref<1028096xf32, #tpu.memory_space<vmem_shared>> -> memref<1028096xf32, #tpu.memory_space<vmem_shared>>
    tpu.wait_indirect_dma semaphore(%arg9 : memref<!tpu.dma_semaphore, #tpu.memory_space<semaphore_mem>>) src(%dma_wait3A_328 : memref<100xf32, #tpu.memory_space<vmem>>) dst(%dma_wait3A_333 : memref<1028096xf32, #tpu.memory_space<vmem_shared>>)
    %dma_wait3A_334 = arith.constant 8 : i32
    %dma_wait3A_335 = arith.constant 8 : i32
    %dma_wait3A_336 = arith.constant 0 : i32
    %dma_wait3A_337 = tpu.memref_slice %arg8[%dma_wait3A_334, %dma_wait3A_336] : memref<16x100xf32, #tpu.memory_space<vmem>> -> memref<1x100xf32, #tpu.memory_space<vmem>>
    %dma_wait3A_338 = tpu.memref_squeeze %dma_wait3A_337 : memref<1x100xf32, #tpu.memory_space<vmem>> -> memref<100xf32, #tpu.memory_space<vmem>>
    %dma_wait3A_339 = arith.constant 0 : i32
    %dma_wait3A_340 = tpu.memref_slice %arg7[%dma_wait3A_335, %dma_wait3A_339] : memref<16x100xi32, #tpu.memory_space<vmem>> -> memref<1x100xi32, #tpu.memory_space<vmem>>
    %dma_wait3A_341 = tpu.memref_squeeze %dma_wait3A_340 : memref<1x100xi32, #tpu.memory_space<vmem>> -> memref<100xi32, #tpu.memory_space<vmem>>
    %dma_wait3A_342 = arith.constant 0 : i32
    %dma_wait3A_343 = tpu.memref_slice %arg6[%dma_wait3A_342] : memref<1028096xf32, #tpu.memory_space<vmem_shared>> -> memref<1028096xf32, #tpu.memory_space<vmem_shared>>
    tpu.wait_indirect_dma semaphore(%arg9 : memref<!tpu.dma_semaphore, #tpu.memory_space<semaphore_mem>>) src(%dma_wait3A_338 : memref<100xf32, #tpu.memory_space<vmem>>) dst(%dma_wait3A_343 : memref<1028096xf32, #tpu.memory_space<vmem_shared>>)
    %dma_wait3A_344 = arith.constant 9 : i32
    %dma_wait3A_345 = arith.constant 9 : i32
    %dma_wait3A_346 = arith.constant 0 : i32
    %dma_wait3A_347 = tpu.memref_slice %arg8[%dma_wait3A_344, %dma_wait3A_346] : memref<16x100xf32, #tpu.memory_space<vmem>> -> memref<1x100xf32, #tpu.memory_space<vmem>>
    %dma_wait3A_348 = tpu.memref_squeeze %dma_wait3A_347 : memref<1x100xf32, #tpu.memory_space<vmem>> -> memref<100xf32, #tpu.memory_space<vmem>>
    %dma_wait3A_349 = arith.constant 0 : i32
    %dma_wait3A_350 = tpu.memref_slice %arg7[%dma_wait3A_345, %dma_wait3A_349] : memref<16x100xi32, #tpu.memory_space<vmem>> -> memref<1x100xi32, #tpu.memory_space<vmem>>
    %dma_wait3A_351 = tpu.memref_squeeze %dma_wait3A_350 : memref<1x100xi32, #tpu.memory_space<vmem>> -> memref<100xi32, #tpu.memory_space<vmem>>
    %dma_wait3A_352 = arith.constant 0 : i32
    %dma_wait3A_353 = tpu.memref_slice %arg6[%dma_wait3A_352] : memref<1028096xf32, #tpu.memory_space<vmem_shared>> -> memref<1028096xf32, #tpu.memory_space<vmem_shared>>
    tpu.wait_indirect_dma semaphore(%arg9 : memref<!tpu.dma_semaphore, #tpu.memory_space<semaphore_mem>>) src(%dma_wait3A_348 : memref<100xf32, #tpu.memory_space<vmem>>) dst(%dma_wait3A_353 : memref<1028096xf32, #tpu.memory_space<vmem_shared>>)
    %dma_wait3A_354 = arith.constant 10 : i32
    %dma_wait3A_355 = arith.constant 10 : i32
    %dma_wait3A_356 = arith.constant 0 : i32
    %dma_wait3A_357 = tpu.memref_slice %arg8[%dma_wait3A_354, %dma_wait3A_356] : memref<16x100xf32, #tpu.memory_space<vmem>> -> memref<1x100xf32, #tpu.memory_space<vmem>>
    %dma_wait3A_358 = tpu.memref_squeeze %dma_wait3A_357 : memref<1x100xf32, #tpu.memory_space<vmem>> -> memref<100xf32, #tpu.memory_space<vmem>>
    %dma_wait3A_359 = arith.constant 0 : i32
    %dma_wait3A_360 = tpu.memref_slice %arg7[%dma_wait3A_355, %dma_wait3A_359] : memref<16x100xi32, #tpu.memory_space<vmem>> -> memref<1x100xi32, #tpu.memory_space<vmem>>
    %dma_wait3A_361 = tpu.memref_squeeze %dma_wait3A_360 : memref<1x100xi32, #tpu.memory_space<vmem>> -> memref<100xi32, #tpu.memory_space<vmem>>
    %dma_wait3A_362 = arith.constant 0 : i32
    %dma_wait3A_363 = tpu.memref_slice %arg6[%dma_wait3A_362] : memref<1028096xf32, #tpu.memory_space<vmem_shared>> -> memref<1028096xf32, #tpu.memory_space<vmem_shared>>
    tpu.wait_indirect_dma semaphore(%arg9 : memref<!tpu.dma_semaphore, #tpu.memory_space<semaphore_mem>>) src(%dma_wait3A_358 : memref<100xf32, #tpu.memory_space<vmem>>) dst(%dma_wait3A_363 : memref<1028096xf32, #tpu.memory_space<vmem_shared>>)
    %dma_wait3A_364 = arith.constant 11 : i32
    %dma_wait3A_365 = arith.constant 11 : i32
    %dma_wait3A_366 = arith.constant 0 : i32
    %dma_wait3A_367 = tpu.memref_slice %arg8[%dma_wait3A_364, %dma_wait3A_366] : memref<16x100xf32, #tpu.memory_space<vmem>> -> memref<1x100xf32, #tpu.memory_space<vmem>>
    %dma_wait3A_368 = tpu.memref_squeeze %dma_wait3A_367 : memref<1x100xf32, #tpu.memory_space<vmem>> -> memref<100xf32, #tpu.memory_space<vmem>>
    %dma_wait3A_369 = arith.constant 0 : i32
    %dma_wait3A_370 = tpu.memref_slice %arg7[%dma_wait3A_365, %dma_wait3A_369] : memref<16x100xi32, #tpu.memory_space<vmem>> -> memref<1x100xi32, #tpu.memory_space<vmem>>
    %dma_wait3A_371 = tpu.memref_squeeze %dma_wait3A_370 : memref<1x100xi32, #tpu.memory_space<vmem>> -> memref<100xi32, #tpu.memory_space<vmem>>
    %dma_wait3A_372 = arith.constant 0 : i32
    %dma_wait3A_373 = tpu.memref_slice %arg6[%dma_wait3A_372] : memref<1028096xf32, #tpu.memory_space<vmem_shared>> -> memref<1028096xf32, #tpu.memory_space<vmem_shared>>
    tpu.wait_indirect_dma semaphore(%arg9 : memref<!tpu.dma_semaphore, #tpu.memory_space<semaphore_mem>>) src(%dma_wait3A_368 : memref<100xf32, #tpu.memory_space<vmem>>) dst(%dma_wait3A_373 : memref<1028096xf32, #tpu.memory_space<vmem_shared>>)
    %dma_wait3A_374 = arith.constant 12 : i32
    %dma_wait3A_375 = arith.constant 12 : i32
    %dma_wait3A_376 = arith.constant 0 : i32
    %dma_wait3A_377 = tpu.memref_slice %arg8[%dma_wait3A_374, %dma_wait3A_376] : memref<16x100xf32, #tpu.memory_space<vmem>> -> memref<1x100xf32, #tpu.memory_space<vmem>>
    %dma_wait3A_378 = tpu.memref_squeeze %dma_wait3A_377 : memref<1x100xf32, #tpu.memory_space<vmem>> -> memref<100xf32, #tpu.memory_space<vmem>>
    %dma_wait3A_379 = arith.constant 0 : i32
    %dma_wait3A_380 = tpu.memref_slice %arg7[%dma_wait3A_375, %dma_wait3A_379] : memref<16x100xi32, #tpu.memory_space<vmem>> -> memref<1x100xi32, #tpu.memory_space<vmem>>
    %dma_wait3A_381 = tpu.memref_squeeze %dma_wait3A_380 : memref<1x100xi32, #tpu.memory_space<vmem>> -> memref<100xi32, #tpu.memory_space<vmem>>
    %dma_wait3A_382 = arith.constant 0 : i32
    %dma_wait3A_383 = tpu.memref_slice %arg6[%dma_wait3A_382] : memref<1028096xf32, #tpu.memory_space<vmem_shared>> -> memref<1028096xf32, #tpu.memory_space<vmem_shared>>
    tpu.wait_indirect_dma semaphore(%arg9 : memref<!tpu.dma_semaphore, #tpu.memory_space<semaphore_mem>>) src(%dma_wait3A_378 : memref<100xf32, #tpu.memory_space<vmem>>) dst(%dma_wait3A_383 : memref<1028096xf32, #tpu.memory_space<vmem_shared>>)
    %dma_wait3A_384 = arith.constant 13 : i32
    %dma_wait3A_385 = arith.constant 13 : i32
    %dma_wait3A_386 = arith.constant 0 : i32
    %dma_wait3A_387 = tpu.memref_slice %arg8[%dma_wait3A_384, %dma_wait3A_386] : memref<16x100xf32, #tpu.memory_space<vmem>> -> memref<1x100xf32, #tpu.memory_space<vmem>>
    %dma_wait3A_388 = tpu.memref_squeeze %dma_wait3A_387 : memref<1x100xf32, #tpu.memory_space<vmem>> -> memref<100xf32, #tpu.memory_space<vmem>>
    %dma_wait3A_389 = arith.constant 0 : i32
    %dma_wait3A_390 = tpu.memref_slice %arg7[%dma_wait3A_385, %dma_wait3A_389] : memref<16x100xi32, #tpu.memory_space<vmem>> -> memref<1x100xi32, #tpu.memory_space<vmem>>
    %dma_wait3A_391 = tpu.memref_squeeze %dma_wait3A_390 : memref<1x100xi32, #tpu.memory_space<vmem>> -> memref<100xi32, #tpu.memory_space<vmem>>
    %dma_wait3A_392 = arith.constant 0 : i32
    %dma_wait3A_393 = tpu.memref_slice %arg6[%dma_wait3A_392] : memref<1028096xf32, #tpu.memory_space<vmem_shared>> -> memref<1028096xf32, #tpu.memory_space<vmem_shared>>
    tpu.wait_indirect_dma semaphore(%arg9 : memref<!tpu.dma_semaphore, #tpu.memory_space<semaphore_mem>>) src(%dma_wait3A_388 : memref<100xf32, #tpu.memory_space<vmem>>) dst(%dma_wait3A_393 : memref<1028096xf32, #tpu.memory_space<vmem_shared>>)
    %dma_wait3A_394 = arith.constant 14 : i32
    %dma_wait3A_395 = arith.constant 14 : i32
    %dma_wait3A_396 = arith.constant 0 : i32
    %dma_wait3A_397 = tpu.memref_slice %arg8[%dma_wait3A_394, %dma_wait3A_396] : memref<16x100xf32, #tpu.memory_space<vmem>> -> memref<1x100xf32, #tpu.memory_space<vmem>>
    %dma_wait3A_398 = tpu.memref_squeeze %dma_wait3A_397 : memref<1x100xf32, #tpu.memory_space<vmem>> -> memref<100xf32, #tpu.memory_space<vmem>>
    %dma_wait3A_399 = arith.constant 0 : i32
    %dma_wait3A_400 = tpu.memref_slice %arg7[%dma_wait3A_395, %dma_wait3A_399] : memref<16x100xi32, #tpu.memory_space<vmem>> -> memref<1x100xi32, #tpu.memory_space<vmem>>
    %dma_wait3A_401 = tpu.memref_squeeze %dma_wait3A_400 : memref<1x100xi32, #tpu.memory_space<vmem>> -> memref<100xi32, #tpu.memory_space<vmem>>
    %dma_wait3A_402 = arith.constant 0 : i32
    %dma_wait3A_403 = tpu.memref_slice %arg6[%dma_wait3A_402] : memref<1028096xf32, #tpu.memory_space<vmem_shared>> -> memref<1028096xf32, #tpu.memory_space<vmem_shared>>
    tpu.wait_indirect_dma semaphore(%arg9 : memref<!tpu.dma_semaphore, #tpu.memory_space<semaphore_mem>>) src(%dma_wait3A_398 : memref<100xf32, #tpu.memory_space<vmem>>) dst(%dma_wait3A_403 : memref<1028096xf32, #tpu.memory_space<vmem_shared>>)
    %dma_wait3A_404 = arith.constant 15 : i32
    %dma_wait3A_405 = arith.constant 15 : i32
    %dma_wait3A_406 = arith.constant 0 : i32
    %dma_wait3A_407 = tpu.memref_slice %arg8[%dma_wait3A_404, %dma_wait3A_406] : memref<16x100xf32, #tpu.memory_space<vmem>> -> memref<1x100xf32, #tpu.memory_space<vmem>>
    %dma_wait3A_408 = tpu.memref_squeeze %dma_wait3A_407 : memref<1x100xf32, #tpu.memory_space<vmem>> -> memref<100xf32, #tpu.memory_space<vmem>>
    %dma_wait3A_409 = arith.constant 0 : i32
    %dma_wait3A_410 = tpu.memref_slice %arg7[%dma_wait3A_405, %dma_wait3A_409] : memref<16x100xi32, #tpu.memory_space<vmem>> -> memref<1x100xi32, #tpu.memory_space<vmem>>
    %dma_wait3A_411 = tpu.memref_squeeze %dma_wait3A_410 : memref<1x100xi32, #tpu.memory_space<vmem>> -> memref<100xi32, #tpu.memory_space<vmem>>
    %dma_wait3A_412 = arith.constant 0 : i32
    %dma_wait3A_413 = tpu.memref_slice %arg6[%dma_wait3A_412] : memref<1028096xf32, #tpu.memory_space<vmem_shared>> -> memref<1028096xf32, #tpu.memory_space<vmem_shared>>
    tpu.wait_indirect_dma semaphore(%arg9 : memref<!tpu.dma_semaphore, #tpu.memory_space<semaphore_mem>>) src(%dma_wait3A_408 : memref<100xf32, #tpu.memory_space<vmem>>) dst(%dma_wait3A_413 : memref<1028096xf32, #tpu.memory_space<vmem_shared>>)
    %mul3A_414 = arith.constant 16 : i32
    %mul3A_415 = arith.muli %select_n3A, %mul3A_414 : i32
    %mul3A_416 = arith.constant 2 : i32
    %mul3A_417 = arith.muli %mul3A_416, %select_n3A_28 : i32
    %add3A_418 = arith.addi %mul3A_415, %mul3A_417 : i32
    %add3A_419 = arith.constant 0 : i32
    %add3A_420 = arith.addi %add3A_418, %add3A_419 : i32
    %mul3A_421 = arith.constant 32128 : i32
    %mul3A_422 = arith.muli %add3A_420, %mul3A_421 : i32
    %mul3A_423 = arith.constant 2 : i32
    %mul3A_424 = arith.muli %mul3A_423, %select_n3A_28 : i32
    %add3A_425 = arith.constant 0 : i32
    %add3A_426 = arith.addi %mul3A_424, %add3A_425 : i32
    %dma_start3A_427 = arith.constant 0 : i32
    %dma_start3A_428 = tpu.memref_slice %arg5[%add3A_32, %add3A_426, %dma_start3A_427] : memref<8x16x32128xf32, #tpu.memory_space<hbm>> -> memref<1x1x32128xf32, #tpu.memory_space<hbm>>
    %dma_start3A_429 = tpu.memref_squeeze %dma_start3A_428 : memref<1x1x32128xf32, #tpu.memory_space<hbm>> -> memref<32128xf32, #tpu.memory_space<hbm>>
    %dma_start3A_430 = tpu.memref_slice %arg6[%mul3A_422] : memref<1028096xf32, #tpu.memory_space<vmem_shared>> -> memref<32128xf32, #tpu.memory_space<vmem_shared>>
    tpu.enqueue_dma source(%dma_start3A_430 : memref<32128xf32, #tpu.memory_space<vmem_shared>>) target(%dma_start3A_429 : memref<32128xf32, #tpu.memory_space<hbm>>) target_semaphore(%arg9 : memref<!tpu.dma_semaphore, #tpu.memory_space<semaphore_mem>>)
    %mul3A_431 = arith.constant 16 : i32
    %mul3A_432 = arith.muli %select_n3A, %mul3A_431 : i32
    %mul3A_433 = arith.constant 2 : i32
    %mul3A_434 = arith.muli %mul3A_433, %select_n3A_28 : i32
    %add3A_435 = arith.addi %mul3A_432, %mul3A_434 : i32
    %add3A_436 = arith.constant 1 : i32
    %add3A_437 = arith.addi %add3A_435, %add3A_436 : i32
    %mul3A_438 = arith.constant 32128 : i32
    %mul3A_439 = arith.muli %add3A_437, %mul3A_438 : i32
    %mul3A_440 = arith.constant 2 : i32
    %mul3A_441 = arith.muli %mul3A_440, %select_n3A_28 : i32
    %add3A_442 = arith.constant 1 : i32
    %add3A_443 = arith.addi %mul3A_441, %add3A_442 : i32
    %dma_start3A_444 = arith.constant 0 : i32
    %dma_start3A_445 = tpu.memref_slice %arg5[%add3A_32, %add3A_443, %dma_start3A_444] : memref<8x16x32128xf32, #tpu.memory_space<hbm>> -> memref<1x1x32128xf32, #tpu.memory_space<hbm>>
    %dma_start3A_446 = tpu.memref_squeeze %dma_start3A_445 : memref<1x1x32128xf32, #tpu.memory_space<hbm>> -> memref<32128xf32, #tpu.memory_space<hbm>>
    %dma_start3A_447 = tpu.memref_slice %arg6[%mul3A_439] : memref<1028096xf32, #tpu.memory_space<vmem_shared>> -> memref<32128xf32, #tpu.memory_space<vmem_shared>>
    tpu.enqueue_dma source(%dma_start3A_447 : memref<32128xf32, #tpu.memory_space<vmem_shared>>) target(%dma_start3A_446 : memref<32128xf32, #tpu.memory_space<hbm>>) target_semaphore(%arg9 : memref<!tpu.dma_semaphore, #tpu.memory_space<semaphore_mem>>)
    %dma_wait3A_448 = arith.constant 0 : i32
    %dma_wait3A_449 = tpu.memref_slice %arg5[%add3A_32, %add3A_426, %dma_wait3A_448] : memref<8x16x32128xf32, #tpu.memory_space<hbm>> -> memref<1x1x32128xf32, #tpu.memory_space<hbm>>
    %dma_wait3A_450 = tpu.memref_squeeze %dma_wait3A_449 : memref<1x1x32128xf32, #tpu.memory_space<hbm>> -> memref<32128xf32, #tpu.memory_space<hbm>>
    %dma_wait3A_451 = tpu.memref_slice %arg6[%mul3A_422] : memref<1028096xf32, #tpu.memory_space<vmem_shared>> -> memref<32128xf32, #tpu.memory_space<vmem_shared>>
    tpu.wait_dma2 semaphore(%arg9 : memref<!tpu.dma_semaphore, #tpu.memory_space<semaphore_mem>>) src(%dma_wait3A_451 : memref<32128xf32, #tpu.memory_space<vmem_shared>>) dst(%dma_wait3A_450 : memref<32128xf32, #tpu.memory_space<hbm>>)
    %dma_wait3A_452 = arith.constant 0 : i32
    %dma_wait3A_453 = tpu.memref_slice %arg5[%add3A_32, %add3A_443, %dma_wait3A_452] : memref<8x16x32128xf32, #tpu.memory_space<hbm>> -> memref<1x1x32128xf32, #tpu.memory_space<hbm>>
    %dma_wait3A_454 = tpu.memref_squeeze %dma_wait3A_453 : memref<1x1x32128xf32, #tpu.memory_space<hbm>> -> memref<32128xf32, #tpu.memory_space<hbm>>
    %dma_wait3A_455 = tpu.memref_slice %arg6[%mul3A_439] : memref<1028096xf32, #tpu.memory_space<vmem_shared>> -> memref<32128xf32, #tpu.memory_space<vmem_shared>>
    tpu.wait_dma2 semaphore(%arg9 : memref<!tpu.dma_semaphore, #tpu.memory_space<semaphore_mem>>) src(%dma_wait3A_455 : memref<32128xf32, #tpu.memory_space<vmem_shared>>) dst(%dma_wait3A_454 : memref<32128xf32, #tpu.memory_space<hbm>>)
    %mul3A_456 = arith.constant 4 : i32
    %mul3A_457 = arith.muli %arg0, %mul3A_456 : i32
    %add3A_458 = arith.constant 2 : i32
    %add3A_459 = arith.addi %mul3A_457, %add3A_458 : i32
    %add3A_460 = arith.addi %add3A_459, %select_n3A : i32
    %mul3A_461 = arith.constant 128 : i32
    %mul3A_462 = arith.muli %add3A_460, %mul3A_461 : i32
    %mul3A_463 = arith.constant 16 : i32
    %mul3A_464 = arith.muli %select_n3A_28, %mul3A_463 : i32
    %add3A_465 = arith.addi %mul3A_462, %mul3A_464 : i32
    %mul3A_466 = arith.constant 2 : i32
    %mul3A_467 = arith.muli %mul3A_466, %select_n3A_28 : i32
    %add3A_468 = arith.constant 0 : i32
    %add3A_469 = arith.addi %mul3A_467, %add3A_468 : i32
    %mul3A_470 = arith.constant 16 : i32
    %mul3A_471 = arith.muli %select_n3A, %mul3A_470 : i32
    %mul3A_472 = arith.constant 2 : i32
    %mul3A_473 = arith.muli %mul3A_472, %select_n3A_28 : i32
    %add3A_474 = arith.addi %mul3A_471, %mul3A_473 : i32
    %add3A_475 = arith.constant 0 : i32
    %add3A_476 = arith.addi %add3A_474, %add3A_475 : i32
    %mul3A_477 = arith.constant 32128 : i32
    %mul3A_478 = arith.muli %add3A_476, %mul3A_477 : i32
    %dma_start3A_479 = tpu.memref_slice %arg6[%mul3A_478] : memref<1028096xf32, #tpu.memory_space<vmem_shared>> -> memref<32128xf32, #tpu.memory_space<vmem_shared>>
    %dma_start3A_480 = arith.constant 0 : i32
    %dma_start3A_481 = tpu.memref_slice %arg2[%add3A_460, %add3A_469, %dma_start3A_480] : memref<8x16x32128xf32, #tpu.memory_space<hbm>> -> memref<1x1x32128xf32, #tpu.memory_space<hbm>>
    %dma_start3A_482 = tpu.memref_squeeze %dma_start3A_481 : memref<1x1x32128xf32, #tpu.memory_space<hbm>> -> memref<32128xf32, #tpu.memory_space<hbm>>
    tpu.enqueue_dma source(%dma_start3A_482 : memref<32128xf32, #tpu.memory_space<hbm>>) target(%dma_start3A_479 : memref<32128xf32, #tpu.memory_space<vmem_shared>>) target_semaphore(%arg9 : memref<!tpu.dma_semaphore, #tpu.memory_space<semaphore_mem>>)
    %mul3A_483 = arith.constant 2 : i32
    %mul3A_484 = arith.muli %mul3A_483, %select_n3A_28 : i32
    %add3A_485 = arith.constant 1 : i32
    %add3A_486 = arith.addi %mul3A_484, %add3A_485 : i32
    %mul3A_487 = arith.constant 16 : i32
    %mul3A_488 = arith.muli %select_n3A, %mul3A_487 : i32
    %mul3A_489 = arith.constant 2 : i32
    %mul3A_490 = arith.muli %mul3A_489, %select_n3A_28 : i32
    %add3A_491 = arith.addi %mul3A_488, %mul3A_490 : i32
    %add3A_492 = arith.constant 1 : i32
    %add3A_493 = arith.addi %add3A_491, %add3A_492 : i32
    %mul3A_494 = arith.constant 32128 : i32
    %mul3A_495 = arith.muli %add3A_493, %mul3A_494 : i32
    %dma_start3A_496 = tpu.memref_slice %arg6[%mul3A_495] : memref<1028096xf32, #tpu.memory_space<vmem_shared>> -> memref<32128xf32, #tpu.memory_space<vmem_shared>>
    %dma_start3A_497 = arith.constant 0 : i32
    %dma_start3A_498 = tpu.memref_slice %arg2[%add3A_460, %add3A_486, %dma_start3A_497] : memref<8x16x32128xf32, #tpu.memory_space<hbm>> -> memref<1x1x32128xf32, #tpu.memory_space<hbm>>
    %dma_start3A_499 = tpu.memref_squeeze %dma_start3A_498 : memref<1x1x32128xf32, #tpu.memory_space<hbm>> -> memref<32128xf32, #tpu.memory_space<hbm>>
    tpu.enqueue_dma source(%dma_start3A_499 : memref<32128xf32, #tpu.memory_space<hbm>>) target(%dma_start3A_496 : memref<32128xf32, #tpu.memory_space<vmem_shared>>) target_semaphore(%arg9 : memref<!tpu.dma_semaphore, #tpu.memory_space<semaphore_mem>>)
    %dma_start3A_500 = arith.constant 0 : i32
    %dma_start3A_501 = tpu.memref_slice %arg3[%add3A_465, %dma_start3A_500] : memref<1024x100xi32, #tpu.memory_space<hbm>> -> memref<16x100xi32, #tpu.memory_space<hbm>>
    %dma_start3A_502 = arith.constant 0 : i32
    %dma_start3A_503 = tpu.memref_slice %arg3[%add3A_465, %dma_start3A_502] : memref<1024x100xi32, #tpu.memory_space<hbm>> -> memref<16x100xi32, #tpu.memory_space<hbm>>
    tpu.enqueue_dma source(%dma_start3A_503 : memref<16x100xi32, #tpu.memory_space<hbm>>) target(%arg7 : memref<16x100xi32, #tpu.memory_space<vmem>>) target_semaphore(%arg9 : memref<!tpu.dma_semaphore, #tpu.memory_space<semaphore_mem>>)
    %dma_start3A_504 = arith.constant 0 : i32
    %dma_start3A_505 = tpu.memref_slice %arg4[%add3A_465, %dma_start3A_504] : memref<1024x100xf32, #tpu.memory_space<hbm>> -> memref<16x100xf32, #tpu.memory_space<hbm>>
    %dma_start3A_506 = arith.constant 0 : i32
    %dma_start3A_507 = tpu.memref_slice %arg4[%add3A_465, %dma_start3A_506] : memref<1024x100xf32, #tpu.memory_space<hbm>> -> memref<16x100xf32, #tpu.memory_space<hbm>>
    tpu.enqueue_dma source(%dma_start3A_507 : memref<16x100xf32, #tpu.memory_space<hbm>>) target(%arg8 : memref<16x100xf32, #tpu.memory_space<vmem>>) target_semaphore(%arg9 : memref<!tpu.dma_semaphore, #tpu.memory_space<semaphore_mem>>)
    %dma_wait3A_508 = tpu.memref_slice %arg6[%mul3A_478] : memref<1028096xf32, #tpu.memory_space<vmem_shared>> -> memref<32128xf32, #tpu.memory_space<vmem_shared>>
    %dma_wait3A_509 = arith.constant 0 : i32
    %dma_wait3A_510 = tpu.memref_slice %arg2[%add3A_460, %add3A_469, %dma_wait3A_509] : memref<8x16x32128xf32, #tpu.memory_space<hbm>> -> memref<1x1x32128xf32, #tpu.memory_space<hbm>>
    %dma_wait3A_511 = tpu.memref_squeeze %dma_wait3A_510 : memref<1x1x32128xf32, #tpu.memory_space<hbm>> -> memref<32128xf32, #tpu.memory_space<hbm>>
    tpu.wait_dma2 semaphore(%arg9 : memref<!tpu.dma_semaphore, #tpu.memory_space<semaphore_mem>>) src(%dma_wait3A_511 : memref<32128xf32, #tpu.memory_space<hbm>>) dst(%dma_wait3A_508 : memref<32128xf32, #tpu.memory_space<vmem_shared>>)
    %dma_wait3A_512 = tpu.memref_slice %arg6[%mul3A_495] : memref<1028096xf32, #tpu.memory_space<vmem_shared>> -> memref<32128xf32, #tpu.memory_space<vmem_shared>>
    %dma_wait3A_513 = arith.constant 0 : i32
    %dma_wait3A_514 = tpu.memref_slice %arg2[%add3A_460, %add3A_486, %dma_wait3A_513] : memref<8x16x32128xf32, #tpu.memory_space<hbm>> -> memref<1x1x32128xf32, #tpu.memory_space<hbm>>
    %dma_wait3A_515 = tpu.memref_squeeze %dma_wait3A_514 : memref<1x1x32128xf32, #tpu.memory_space<hbm>> -> memref<32128xf32, #tpu.memory_space<hbm>>
    tpu.wait_dma2 semaphore(%arg9 : memref<!tpu.dma_semaphore, #tpu.memory_space<semaphore_mem>>) src(%dma_wait3A_515 : memref<32128xf32, #tpu.memory_space<hbm>>) dst(%dma_wait3A_512 : memref<32128xf32, #tpu.memory_space<vmem_shared>>)
    %dma_wait3A_516 = arith.constant 0 : i32
    %dma_wait3A_517 = tpu.memref_slice %arg3[%add3A_465, %dma_wait3A_516] : memref<1024x100xi32, #tpu.memory_space<hbm>> -> memref<16x100xi32, #tpu.memory_space<hbm>>
    %dma_wait3A_518 = arith.constant 0 : i32
    %dma_wait3A_519 = tpu.memref_slice %arg3[%add3A_465, %dma_wait3A_518] : memref<1024x100xi32, #tpu.memory_space<hbm>> -> memref<16x100xi32, #tpu.memory_space<hbm>>
    tpu.wait_dma2 semaphore(%arg9 : memref<!tpu.dma_semaphore, #tpu.memory_space<semaphore_mem>>) src(%dma_wait3A_519 : memref<16x100xi32, #tpu.memory_space<hbm>>) dst(%arg7 : memref<16x100xi32, #tpu.memory_space<vmem>>)
    %dma_wait3A_520 = arith.constant 0 : i32
    %dma_wait3A_521 = tpu.memref_slice %arg4[%add3A_465, %dma_wait3A_520] : memref<1024x100xf32, #tpu.memory_space<hbm>> -> memref<16x100xf32, #tpu.memory_space<hbm>>
    %dma_wait3A_522 = arith.constant 0 : i32
    %dma_wait3A_523 = tpu.memref_slice %arg4[%add3A_465, %dma_wait3A_522] : memref<1024x100xf32, #tpu.memory_space<hbm>> -> memref<16x100xf32, #tpu.memory_space<hbm>>
    tpu.wait_dma2 semaphore(%arg9 : memref<!tpu.dma_semaphore, #tpu.memory_space<semaphore_mem>>) src(%dma_wait3A_523 : memref<16x100xf32, #tpu.memory_space<hbm>>) dst(%arg8 : memref<16x100xf32, #tpu.memory_space<vmem>>)
    %dma_start3A_524 = arith.constant 0 : i32
    %dma_start3A_525 = arith.constant 0 : i32
    %dma_start3A_526 = arith.constant 0 : i32
    %dma_start3A_527 = tpu.memref_slice %arg8[%dma_start3A_524, %dma_start3A_526] : memref<16x100xf32, #tpu.memory_space<vmem>> -> memref<1x100xf32, #tpu.memory_space<vmem>>
    %dma_start3A_528 = tpu.memref_squeeze %dma_start3A_527 : memref<1x100xf32, #tpu.memory_space<vmem>> -> memref<100xf32, #tpu.memory_space<vmem>>
    %dma_start3A_529 = arith.constant 0 : i32
    %dma_start3A_530 = tpu.memref_slice %arg7[%dma_start3A_525, %dma_start3A_529] : memref<16x100xi32, #tpu.memory_space<vmem>> -> memref<1x100xi32, #tpu.memory_space<vmem>>
    %dma_start3A_531 = tpu.memref_squeeze %dma_start3A_530 : memref<1x100xi32, #tpu.memory_space<vmem>> -> memref<100xi32, #tpu.memory_space<vmem>>
    %dma_start3A_532 = arith.constant 0 : i32
    %dma_start3A_533 = tpu.memref_slice %arg6[%dma_start3A_532] : memref<1028096xf32, #tpu.memory_space<vmem_shared>> -> memref<1028096xf32, #tpu.memory_space<vmem_shared>>
    tpu.enqueue_indirect_dma source(%dma_start3A_528 : memref<100xf32, #tpu.memory_space<vmem>>) target(%dma_start3A_533 : memref<1028096xf32, #tpu.memory_space<vmem_shared>>) offsets(%dma_start3A_531 : memref<100xi32, #tpu.memory_space<vmem>>) semaphore(%arg9 : memref<!tpu.dma_semaphore, #tpu.memory_space<semaphore_mem>>) {add = true}
    %dma_start3A_534 = arith.constant 1 : i32
    %dma_start3A_535 = arith.constant 1 : i32
    %dma_start3A_536 = arith.constant 0 : i32
    %dma_start3A_537 = tpu.memref_slice %arg8[%dma_start3A_534, %dma_start3A_536] : memref<16x100xf32, #tpu.memory_space<vmem>> -> memref<1x100xf32, #tpu.memory_space<vmem>>
    %dma_start3A_538 = tpu.memref_squeeze %dma_start3A_537 : memref<1x100xf32, #tpu.memory_space<vmem>> -> memref<100xf32, #tpu.memory_space<vmem>>
    %dma_start3A_539 = arith.constant 0 : i32
    %dma_start3A_540 = tpu.memref_slice %arg7[%dma_start3A_535, %dma_start3A_539] : memref<16x100xi32, #tpu.memory_space<vmem>> -> memref<1x100xi32, #tpu.memory_space<vmem>>
    %dma_start3A_541 = tpu.memref_squeeze %dma_start3A_540 : memref<1x100xi32, #tpu.memory_space<vmem>> -> memref<100xi32, #tpu.memory_space<vmem>>
    %dma_start3A_542 = arith.constant 0 : i32
    %dma_start3A_543 = tpu.memref_slice %arg6[%dma_start3A_542] : memref<1028096xf32, #tpu.memory_space<vmem_shared>> -> memref<1028096xf32, #tpu.memory_space<vmem_shared>>
    tpu.enqueue_indirect_dma source(%dma_start3A_538 : memref<100xf32, #tpu.memory_space<vmem>>) target(%dma_start3A_543 : memref<1028096xf32, #tpu.memory_space<vmem_shared>>) offsets(%dma_start3A_541 : memref<100xi32, #tpu.memory_space<vmem>>) semaphore(%arg9 : memref<!tpu.dma_semaphore, #tpu.memory_space<semaphore_mem>>) {add = true}
    %dma_start3A_544 = arith.constant 2 : i32
    %dma_start3A_545 = arith.constant 2 : i32
    %dma_start3A_546 = arith.constant 0 : i32
    %dma_start3A_547 = tpu.memref_slice %arg8[%dma_start3A_544, %dma_start3A_546] : memref<16x100xf32, #tpu.memory_space<vmem>> -> memref<1x100xf32, #tpu.memory_space<vmem>>
    %dma_start3A_548 = tpu.memref_squeeze %dma_start3A_547 : memref<1x100xf32, #tpu.memory_space<vmem>> -> memref<100xf32, #tpu.memory_space<vmem>>
    %dma_start3A_549 = arith.constant 0 : i32
    %dma_start3A_550 = tpu.memref_slice %arg7[%dma_start3A_545, %dma_start3A_549] : memref<16x100xi32, #tpu.memory_space<vmem>> -> memref<1x100xi32, #tpu.memory_space<vmem>>
    %dma_start3A_551 = tpu.memref_squeeze %dma_start3A_550 : memref<1x100xi32, #tpu.memory_space<vmem>> -> memref<100xi32, #tpu.memory_space<vmem>>
    %dma_start3A_552 = arith.constant 0 : i32
    %dma_start3A_553 = tpu.memref_slice %arg6[%dma_start3A_552] : memref<1028096xf32, #tpu.memory_space<vmem_shared>> -> memref<1028096xf32, #tpu.memory_space<vmem_shared>>
    tpu.enqueue_indirect_dma source(%dma_start3A_548 : memref<100xf32, #tpu.memory_space<vmem>>) target(%dma_start3A_553 : memref<1028096xf32, #tpu.memory_space<vmem_shared>>) offsets(%dma_start3A_551 : memref<100xi32, #tpu.memory_space<vmem>>) semaphore(%arg9 : memref<!tpu.dma_semaphore, #tpu.memory_space<semaphore_mem>>) {add = true}
    %dma_start3A_554 = arith.constant 3 : i32
    %dma_start3A_555 = arith.constant 3 : i32
    %dma_start3A_556 = arith.constant 0 : i32
    %dma_start3A_557 = tpu.memref_slice %arg8[%dma_start3A_554, %dma_start3A_556] : memref<16x100xf32, #tpu.memory_space<vmem>> -> memref<1x100xf32, #tpu.memory_space<vmem>>
    %dma_start3A_558 = tpu.memref_squeeze %dma_start3A_557 : memref<1x100xf32, #tpu.memory_space<vmem>> -> memref<100xf32, #tpu.memory_space<vmem>>
    %dma_start3A_559 = arith.constant 0 : i32
    %dma_start3A_560 = tpu.memref_slice %arg7[%dma_start3A_555, %dma_start3A_559] : memref<16x100xi32, #tpu.memory_space<vmem>> -> memref<1x100xi32, #tpu.memory_space<vmem>>
    %dma_start3A_561 = tpu.memref_squeeze %dma_start3A_560 : memref<1x100xi32, #tpu.memory_space<vmem>> -> memref<100xi32, #tpu.memory_space<vmem>>
    %dma_start3A_562 = arith.constant 0 : i32
    %dma_start3A_563 = tpu.memref_slice %arg6[%dma_start3A_562] : memref<1028096xf32, #tpu.memory_space<vmem_shared>> -> memref<1028096xf32, #tpu.memory_space<vmem_shared>>
    tpu.enqueue_indirect_dma source(%dma_start3A_558 : memref<100xf32, #tpu.memory_space<vmem>>) target(%dma_start3A_563 : memref<1028096xf32, #tpu.memory_space<vmem_shared>>) offsets(%dma_start3A_561 : memref<100xi32, #tpu.memory_space<vmem>>) semaphore(%arg9 : memref<!tpu.dma_semaphore, #tpu.memory_space<semaphore_mem>>) {add = true}
    %dma_start3A_564 = arith.constant 4 : i32
    %dma_start3A_565 = arith.constant 4 : i32
    %dma_start3A_566 = arith.constant 0 : i32
    %dma_start3A_567 = tpu.memref_slice %arg8[%dma_start3A_564, %dma_start3A_566] : memref<16x100xf32, #tpu.memory_space<vmem>> -> memref<1x100xf32, #tpu.memory_space<vmem>>
    %dma_start3A_568 = tpu.memref_squeeze %dma_start3A_567 : memref<1x100xf32, #tpu.memory_space<vmem>> -> memref<100xf32, #tpu.memory_space<vmem>>
    %dma_start3A_569 = arith.constant 0 : i32
    %dma_start3A_570 = tpu.memref_slice %arg7[%dma_start3A_565, %dma_start3A_569] : memref<16x100xi32, #tpu.memory_space<vmem>> -> memref<1x100xi32, #tpu.memory_space<vmem>>
    %dma_start3A_571 = tpu.memref_squeeze %dma_start3A_570 : memref<1x100xi32, #tpu.memory_space<vmem>> -> memref<100xi32, #tpu.memory_space<vmem>>
    %dma_start3A_572 = arith.constant 0 : i32
    %dma_start3A_573 = tpu.memref_slice %arg6[%dma_start3A_572] : memref<1028096xf32, #tpu.memory_space<vmem_shared>> -> memref<1028096xf32, #tpu.memory_space<vmem_shared>>
    tpu.enqueue_indirect_dma source(%dma_start3A_568 : memref<100xf32, #tpu.memory_space<vmem>>) target(%dma_start3A_573 : memref<1028096xf32, #tpu.memory_space<vmem_shared>>) offsets(%dma_start3A_571 : memref<100xi32, #tpu.memory_space<vmem>>) semaphore(%arg9 : memref<!tpu.dma_semaphore, #tpu.memory_space<semaphore_mem>>) {add = true}
    %dma_start3A_574 = arith.constant 5 : i32
    %dma_start3A_575 = arith.constant 5 : i32
    %dma_start3A_576 = arith.constant 0 : i32
    %dma_start3A_577 = tpu.memref_slice %arg8[%dma_start3A_574, %dma_start3A_576] : memref<16x100xf32, #tpu.memory_space<vmem>> -> memref<1x100xf32, #tpu.memory_space<vmem>>
    %dma_start3A_578 = tpu.memref_squeeze %dma_start3A_577 : memref<1x100xf32, #tpu.memory_space<vmem>> -> memref<100xf32, #tpu.memory_space<vmem>>
    %dma_start3A_579 = arith.constant 0 : i32
    %dma_start3A_580 = tpu.memref_slice %arg7[%dma_start3A_575, %dma_start3A_579] : memref<16x100xi32, #tpu.memory_space<vmem>> -> memref<1x100xi32, #tpu.memory_space<vmem>>
    %dma_start3A_581 = tpu.memref_squeeze %dma_start3A_580 : memref<1x100xi32, #tpu.memory_space<vmem>> -> memref<100xi32, #tpu.memory_space<vmem>>
    %dma_start3A_582 = arith.constant 0 : i32
    %dma_start3A_583 = tpu.memref_slice %arg6[%dma_start3A_582] : memref<1028096xf32, #tpu.memory_space<vmem_shared>> -> memref<1028096xf32, #tpu.memory_space<vmem_shared>>
    tpu.enqueue_indirect_dma source(%dma_start3A_578 : memref<100xf32, #tpu.memory_space<vmem>>) target(%dma_start3A_583 : memref<1028096xf32, #tpu.memory_space<vmem_shared>>) offsets(%dma_start3A_581 : memref<100xi32, #tpu.memory_space<vmem>>) semaphore(%arg9 : memref<!tpu.dma_semaphore, #tpu.memory_space<semaphore_mem>>) {add = true}
    %dma_start3A_584 = arith.constant 6 : i32
    %dma_start3A_585 = arith.constant 6 : i32
    %dma_start3A_586 = arith.constant 0 : i32
    %dma_start3A_587 = tpu.memref_slice %arg8[%dma_start3A_584, %dma_start3A_586] : memref<16x100xf32, #tpu.memory_space<vmem>> -> memref<1x100xf32, #tpu.memory_space<vmem>>
    %dma_start3A_588 = tpu.memref_squeeze %dma_start3A_587 : memref<1x100xf32, #tpu.memory_space<vmem>> -> memref<100xf32, #tpu.memory_space<vmem>>
    %dma_start3A_589 = arith.constant 0 : i32
    %dma_start3A_590 = tpu.memref_slice %arg7[%dma_start3A_585, %dma_start3A_589] : memref<16x100xi32, #tpu.memory_space<vmem>> -> memref<1x100xi32, #tpu.memory_space<vmem>>
    %dma_start3A_591 = tpu.memref_squeeze %dma_start3A_590 : memref<1x100xi32, #tpu.memory_space<vmem>> -> memref<100xi32, #tpu.memory_space<vmem>>
    %dma_start3A_592 = arith.constant 0 : i32
    %dma_start3A_593 = tpu.memref_slice %arg6[%dma_start3A_592] : memref<1028096xf32, #tpu.memory_space<vmem_shared>> -> memref<1028096xf32, #tpu.memory_space<vmem_shared>>
    tpu.enqueue_indirect_dma source(%dma_start3A_588 : memref<100xf32, #tpu.memory_space<vmem>>) target(%dma_start3A_593 : memref<1028096xf32, #tpu.memory_space<vmem_shared>>) offsets(%dma_start3A_591 : memref<100xi32, #tpu.memory_space<vmem>>) semaphore(%arg9 : memref<!tpu.dma_semaphore, #tpu.memory_space<semaphore_mem>>) {add = true}
    %dma_start3A_594 = arith.constant 7 : i32
    %dma_start3A_595 = arith.constant 7 : i32
    %dma_start3A_596 = arith.constant 0 : i32
    %dma_start3A_597 = tpu.memref_slice %arg8[%dma_start3A_594, %dma_start3A_596] : memref<16x100xf32, #tpu.memory_space<vmem>> -> memref<1x100xf32, #tpu.memory_space<vmem>>
    %dma_start3A_598 = tpu.memref_squeeze %dma_start3A_597 : memref<1x100xf32, #tpu.memory_space<vmem>> -> memref<100xf32, #tpu.memory_space<vmem>>
    %dma_start3A_599 = arith.constant 0 : i32
    %dma_start3A_600 = tpu.memref_slice %arg7[%dma_start3A_595, %dma_start3A_599] : memref<16x100xi32, #tpu.memory_space<vmem>> -> memref<1x100xi32, #tpu.memory_space<vmem>>
    %dma_start3A_601 = tpu.memref_squeeze %dma_start3A_600 : memref<1x100xi32, #tpu.memory_space<vmem>> -> memref<100xi32, #tpu.memory_space<vmem>>
    %dma_start3A_602 = arith.constant 0 : i32
    %dma_start3A_603 = tpu.memref_slice %arg6[%dma_start3A_602] : memref<1028096xf32, #tpu.memory_space<vmem_shared>> -> memref<1028096xf32, #tpu.memory_space<vmem_shared>>
    tpu.enqueue_indirect_dma source(%dma_start3A_598 : memref<100xf32, #tpu.memory_space<vmem>>) target(%dma_start3A_603 : memref<1028096xf32, #tpu.memory_space<vmem_shared>>) offsets(%dma_start3A_601 : memref<100xi32, #tpu.memory_space<vmem>>) semaphore(%arg9 : memref<!tpu.dma_semaphore, #tpu.memory_space<semaphore_mem>>) {add = true}
    %dma_start3A_604 = arith.constant 8 : i32
    %dma_start3A_605 = arith.constant 8 : i32
    %dma_start3A_606 = arith.constant 0 : i32
    %dma_start3A_607 = tpu.memref_slice %arg8[%dma_start3A_604, %dma_start3A_606] : memref<16x100xf32, #tpu.memory_space<vmem>> -> memref<1x100xf32, #tpu.memory_space<vmem>>
    %dma_start3A_608 = tpu.memref_squeeze %dma_start3A_607 : memref<1x100xf32, #tpu.memory_space<vmem>> -> memref<100xf32, #tpu.memory_space<vmem>>
    %dma_start3A_609 = arith.constant 0 : i32
    %dma_start3A_610 = tpu.memref_slice %arg7[%dma_start3A_605, %dma_start3A_609] : memref<16x100xi32, #tpu.memory_space<vmem>> -> memref<1x100xi32, #tpu.memory_space<vmem>>
    %dma_start3A_611 = tpu.memref_squeeze %dma_start3A_610 : memref<1x100xi32, #tpu.memory_space<vmem>> -> memref<100xi32, #tpu.memory_space<vmem>>
    %dma_start3A_612 = arith.constant 0 : i32
    %dma_start3A_613 = tpu.memref_slice %arg6[%dma_start3A_612] : memref<1028096xf32, #tpu.memory_space<vmem_shared>> -> memref<1028096xf32, #tpu.memory_space<vmem_shared>>
    tpu.enqueue_indirect_dma source(%dma_start3A_608 : memref<100xf32, #tpu.memory_space<vmem>>) target(%dma_start3A_613 : memref<1028096xf32, #tpu.memory_space<vmem_shared>>) offsets(%dma_start3A_611 : memref<100xi32, #tpu.memory_space<vmem>>) semaphore(%arg9 : memref<!tpu.dma_semaphore, #tpu.memory_space<semaphore_mem>>) {add = true}
    %dma_start3A_614 = arith.constant 9 : i32
    %dma_start3A_615 = arith.constant 9 : i32
    %dma_start3A_616 = arith.constant 0 : i32
    %dma_start3A_617 = tpu.memref_slice %arg8[%dma_start3A_614, %dma_start3A_616] : memref<16x100xf32, #tpu.memory_space<vmem>> -> memref<1x100xf32, #tpu.memory_space<vmem>>
    %dma_start3A_618 = tpu.memref_squeeze %dma_start3A_617 : memref<1x100xf32, #tpu.memory_space<vmem>> -> memref<100xf32, #tpu.memory_space<vmem>>
    %dma_start3A_619 = arith.constant 0 : i32
    %dma_start3A_620 = tpu.memref_slice %arg7[%dma_start3A_615, %dma_start3A_619] : memref<16x100xi32, #tpu.memory_space<vmem>> -> memref<1x100xi32, #tpu.memory_space<vmem>>
    %dma_start3A_621 = tpu.memref_squeeze %dma_start3A_620 : memref<1x100xi32, #tpu.memory_space<vmem>> -> memref<100xi32, #tpu.memory_space<vmem>>
    %dma_start3A_622 = arith.constant 0 : i32
    %dma_start3A_623 = tpu.memref_slice %arg6[%dma_start3A_622] : memref<1028096xf32, #tpu.memory_space<vmem_shared>> -> memref<1028096xf32, #tpu.memory_space<vmem_shared>>
    tpu.enqueue_indirect_dma source(%dma_start3A_618 : memref<100xf32, #tpu.memory_space<vmem>>) target(%dma_start3A_623 : memref<1028096xf32, #tpu.memory_space<vmem_shared>>) offsets(%dma_start3A_621 : memref<100xi32, #tpu.memory_space<vmem>>) semaphore(%arg9 : memref<!tpu.dma_semaphore, #tpu.memory_space<semaphore_mem>>) {add = true}
    %dma_start3A_624 = arith.constant 10 : i32
    %dma_start3A_625 = arith.constant 10 : i32
    %dma_start3A_626 = arith.constant 0 : i32
    %dma_start3A_627 = tpu.memref_slice %arg8[%dma_start3A_624, %dma_start3A_626] : memref<16x100xf32, #tpu.memory_space<vmem>> -> memref<1x100xf32, #tpu.memory_space<vmem>>
    %dma_start3A_628 = tpu.memref_squeeze %dma_start3A_627 : memref<1x100xf32, #tpu.memory_space<vmem>> -> memref<100xf32, #tpu.memory_space<vmem>>
    %dma_start3A_629 = arith.constant 0 : i32
    %dma_start3A_630 = tpu.memref_slice %arg7[%dma_start3A_625, %dma_start3A_629] : memref<16x100xi32, #tpu.memory_space<vmem>> -> memref<1x100xi32, #tpu.memory_space<vmem>>
    %dma_start3A_631 = tpu.memref_squeeze %dma_start3A_630 : memref<1x100xi32, #tpu.memory_space<vmem>> -> memref<100xi32, #tpu.memory_space<vmem>>
    %dma_start3A_632 = arith.constant 0 : i32
    %dma_start3A_633 = tpu.memref_slice %arg6[%dma_start3A_632] : memref<1028096xf32, #tpu.memory_space<vmem_shared>> -> memref<1028096xf32, #tpu.memory_space<vmem_shared>>
    tpu.enqueue_indirect_dma source(%dma_start3A_628 : memref<100xf32, #tpu.memory_space<vmem>>) target(%dma_start3A_633 : memref<1028096xf32, #tpu.memory_space<vmem_shared>>) offsets(%dma_start3A_631 : memref<100xi32, #tpu.memory_space<vmem>>) semaphore(%arg9 : memref<!tpu.dma_semaphore, #tpu.memory_space<semaphore_mem>>) {add = true}
    %dma_start3A_634 = arith.constant 11 : i32
    %dma_start3A_635 = arith.constant 11 : i32
    %dma_start3A_636 = arith.constant 0 : i32
    %dma_start3A_637 = tpu.memref_slice %arg8[%dma_start3A_634, %dma_start3A_636] : memref<16x100xf32, #tpu.memory_space<vmem>> -> memref<1x100xf32, #tpu.memory_space<vmem>>
    %dma_start3A_638 = tpu.memref_squeeze %dma_start3A_637 : memref<1x100xf32, #tpu.memory_space<vmem>> -> memref<100xf32, #tpu.memory_space<vmem>>
    %dma_start3A_639 = arith.constant 0 : i32
    %dma_start3A_640 = tpu.memref_slice %arg7[%dma_start3A_635, %dma_start3A_639] : memref<16x100xi32, #tpu.memory_space<vmem>> -> memref<1x100xi32, #tpu.memory_space<vmem>>
    %dma_start3A_641 = tpu.memref_squeeze %dma_start3A_640 : memref<1x100xi32, #tpu.memory_space<vmem>> -> memref<100xi32, #tpu.memory_space<vmem>>
    %dma_start3A_642 = arith.constant 0 : i32
    %dma_start3A_643 = tpu.memref_slice %arg6[%dma_start3A_642] : memref<1028096xf32, #tpu.memory_space<vmem_shared>> -> memref<1028096xf32, #tpu.memory_space<vmem_shared>>
    tpu.enqueue_indirect_dma source(%dma_start3A_638 : memref<100xf32, #tpu.memory_space<vmem>>) target(%dma_start3A_643 : memref<1028096xf32, #tpu.memory_space<vmem_shared>>) offsets(%dma_start3A_641 : memref<100xi32, #tpu.memory_space<vmem>>) semaphore(%arg9 : memref<!tpu.dma_semaphore, #tpu.memory_space<semaphore_mem>>) {add = true}
    %dma_start3A_644 = arith.constant 12 : i32
    %dma_start3A_645 = arith.constant 12 : i32
    %dma_start3A_646 = arith.constant 0 : i32
    %dma_start3A_647 = tpu.memref_slice %arg8[%dma_start3A_644, %dma_start3A_646] : memref<16x100xf32, #tpu.memory_space<vmem>> -> memref<1x100xf32, #tpu.memory_space<vmem>>
    %dma_start3A_648 = tpu.memref_squeeze %dma_start3A_647 : memref<1x100xf32, #tpu.memory_space<vmem>> -> memref<100xf32, #tpu.memory_space<vmem>>
    %dma_start3A_649 = arith.constant 0 : i32
    %dma_start3A_650 = tpu.memref_slice %arg7[%dma_start3A_645, %dma_start3A_649] : memref<16x100xi32, #tpu.memory_space<vmem>> -> memref<1x100xi32, #tpu.memory_space<vmem>>
    %dma_start3A_651 = tpu.memref_squeeze %dma_start3A_650 : memref<1x100xi32, #tpu.memory_space<vmem>> -> memref<100xi32, #tpu.memory_space<vmem>>
    %dma_start3A_652 = arith.constant 0 : i32
    %dma_start3A_653 = tpu.memref_slice %arg6[%dma_start3A_652] : memref<1028096xf32, #tpu.memory_space<vmem_shared>> -> memref<1028096xf32, #tpu.memory_space<vmem_shared>>
    tpu.enqueue_indirect_dma source(%dma_start3A_648 : memref<100xf32, #tpu.memory_space<vmem>>) target(%dma_start3A_653 : memref<1028096xf32, #tpu.memory_space<vmem_shared>>) offsets(%dma_start3A_651 : memref<100xi32, #tpu.memory_space<vmem>>) semaphore(%arg9 : memref<!tpu.dma_semaphore, #tpu.memory_space<semaphore_mem>>) {add = true}
    %dma_start3A_654 = arith.constant 13 : i32
    %dma_start3A_655 = arith.constant 13 : i32
    %dma_start3A_656 = arith.constant 0 : i32
    %dma_start3A_657 = tpu.memref_slice %arg8[%dma_start3A_654, %dma_start3A_656] : memref<16x100xf32, #tpu.memory_space<vmem>> -> memref<1x100xf32, #tpu.memory_space<vmem>>
    %dma_start3A_658 = tpu.memref_squeeze %dma_start3A_657 : memref<1x100xf32, #tpu.memory_space<vmem>> -> memref<100xf32, #tpu.memory_space<vmem>>
    %dma_start3A_659 = arith.constant 0 : i32
    %dma_start3A_660 = tpu.memref_slice %arg7[%dma_start3A_655, %dma_start3A_659] : memref<16x100xi32, #tpu.memory_space<vmem>> -> memref<1x100xi32, #tpu.memory_space<vmem>>
    %dma_start3A_661 = tpu.memref_squeeze %dma_start3A_660 : memref<1x100xi32, #tpu.memory_space<vmem>> -> memref<100xi32, #tpu.memory_space<vmem>>
    %dma_start3A_662 = arith.constant 0 : i32
    %dma_start3A_663 = tpu.memref_slice %arg6[%dma_start3A_662] : memref<1028096xf32, #tpu.memory_space<vmem_shared>> -> memref<1028096xf32, #tpu.memory_space<vmem_shared>>
    tpu.enqueue_indirect_dma source(%dma_start3A_658 : memref<100xf32, #tpu.memory_space<vmem>>) target(%dma_start3A_663 : memref<1028096xf32, #tpu.memory_space<vmem_shared>>) offsets(%dma_start3A_661 : memref<100xi32, #tpu.memory_space<vmem>>) semaphore(%arg9 : memref<!tpu.dma_semaphore, #tpu.memory_space<semaphore_mem>>) {add = true}
    %dma_start3A_664 = arith.constant 14 : i32
    %dma_start3A_665 = arith.constant 14 : i32
    %dma_start3A_666 = arith.constant 0 : i32
    %dma_start3A_667 = tpu.memref_slice %arg8[%dma_start3A_664, %dma_start3A_666] : memref<16x100xf32, #tpu.memory_space<vmem>> -> memref<1x100xf32, #tpu.memory_space<vmem>>
    %dma_start3A_668 = tpu.memref_squeeze %dma_start3A_667 : memref<1x100xf32, #tpu.memory_space<vmem>> -> memref<100xf32, #tpu.memory_space<vmem>>
    %dma_start3A_669 = arith.constant 0 : i32
    %dma_start3A_670 = tpu.memref_slice %arg7[%dma_start3A_665, %dma_start3A_669] : memref<16x100xi32, #tpu.memory_space<vmem>> -> memref<1x100xi32, #tpu.memory_space<vmem>>
    %dma_start3A_671 = tpu.memref_squeeze %dma_start3A_670 : memref<1x100xi32, #tpu.memory_space<vmem>> -> memref<100xi32, #tpu.memory_space<vmem>>
    %dma_start3A_672 = arith.constant 0 : i32
    %dma_start3A_673 = tpu.memref_slice %arg6[%dma_start3A_672] : memref<1028096xf32, #tpu.memory_space<vmem_shared>> -> memref<1028096xf32, #tpu.memory_space<vmem_shared>>
    tpu.enqueue_indirect_dma source(%dma_start3A_668 : memref<100xf32, #tpu.memory_space<vmem>>) target(%dma_start3A_673 : memref<1028096xf32, #tpu.memory_space<vmem_shared>>) offsets(%dma_start3A_671 : memref<100xi32, #tpu.memory_space<vmem>>) semaphore(%arg9 : memref<!tpu.dma_semaphore, #tpu.memory_space<semaphore_mem>>) {add = true}
    %dma_start3A_674 = arith.constant 15 : i32
    %dma_start3A_675 = arith.constant 15 : i32
    %dma_start3A_676 = arith.constant 0 : i32
    %dma_start3A_677 = tpu.memref_slice %arg8[%dma_start3A_674, %dma_start3A_676] : memref<16x100xf32, #tpu.memory_space<vmem>> -> memref<1x100xf32, #tpu.memory_space<vmem>>
    %dma_start3A_678 = tpu.memref_squeeze %dma_start3A_677 : memref<1x100xf32, #tpu.memory_space<vmem>> -> memref<100xf32, #tpu.memory_space<vmem>>
    %dma_start3A_679 = arith.constant 0 : i32
    %dma_start3A_680 = tpu.memref_slice %arg7[%dma_start3A_675, %dma_start3A_679] : memref<16x100xi32, #tpu.memory_space<vmem>> -> memref<1x100xi32, #tpu.memory_space<vmem>>
    %dma_start3A_681 = tpu.memref_squeeze %dma_start3A_680 : memref<1x100xi32, #tpu.memory_space<vmem>> -> memref<100xi32, #tpu.memory_space<vmem>>
    %dma_start3A_682 = arith.constant 0 : i32
    %dma_start3A_683 = tpu.memref_slice %arg6[%dma_start3A_682] : memref<1028096xf32, #tpu.memory_space<vmem_shared>> -> memref<1028096xf32, #tpu.memory_space<vmem_shared>>
    tpu.enqueue_indirect_dma source(%dma_start3A_678 : memref<100xf32, #tpu.memory_space<vmem>>) target(%dma_start3A_683 : memref<1028096xf32, #tpu.memory_space<vmem_shared>>) offsets(%dma_start3A_681 : memref<100xi32, #tpu.memory_space<vmem>>) semaphore(%arg9 : memref<!tpu.dma_semaphore, #tpu.memory_space<semaphore_mem>>) {add = true}
    %dma_wait3A_684 = arith.constant 0 : i32
    %dma_wait3A_685 = arith.constant 0 : i32
    %dma_wait3A_686 = arith.constant 0 : i32
    %dma_wait3A_687 = tpu.memref_slice %arg8[%dma_wait3A_684, %dma_wait3A_686] : memref<16x100xf32, #tpu.memory_space<vmem>> -> memref<1x100xf32, #tpu.memory_space<vmem>>
    %dma_wait3A_688 = tpu.memref_squeeze %dma_wait3A_687 : memref<1x100xf32, #tpu.memory_space<vmem>> -> memref<100xf32, #tpu.memory_space<vmem>>
    %dma_wait3A_689 = arith.constant 0 : i32
    %dma_wait3A_690 = tpu.memref_slice %arg7[%dma_wait3A_685, %dma_wait3A_689] : memref<16x100xi32, #tpu.memory_space<vmem>> -> memref<1x100xi32, #tpu.memory_space<vmem>>
    %dma_wait3A_691 = tpu.memref_squeeze %dma_wait3A_690 : memref<1x100xi32, #tpu.memory_space<vmem>> -> memref<100xi32, #tpu.memory_space<vmem>>
    %dma_wait3A_692 = arith.constant 0 : i32
    %dma_wait3A_693 = tpu.memref_slice %arg6[%dma_wait3A_692] : memref<1028096xf32, #tpu.memory_space<vmem_shared>> -> memref<1028096xf32, #tpu.memory_space<vmem_shared>>
    tpu.wait_indirect_dma semaphore(%arg9 : memref<!tpu.dma_semaphore, #tpu.memory_space<semaphore_mem>>) src(%dma_wait3A_688 : memref<100xf32, #tpu.memory_space<vmem>>) dst(%dma_wait3A_693 : memref<1028096xf32, #tpu.memory_space<vmem_shared>>)
    %dma_wait3A_694 = arith.constant 1 : i32
    %dma_wait3A_695 = arith.constant 1 : i32
    %dma_wait3A_696 = arith.constant 0 : i32
    %dma_wait3A_697 = tpu.memref_slice %arg8[%dma_wait3A_694, %dma_wait3A_696] : memref<16x100xf32, #tpu.memory_space<vmem>> -> memref<1x100xf32, #tpu.memory_space<vmem>>
    %dma_wait3A_698 = tpu.memref_squeeze %dma_wait3A_697 : memref<1x100xf32, #tpu.memory_space<vmem>> -> memref<100xf32, #tpu.memory_space<vmem>>
    %dma_wait3A_699 = arith.constant 0 : i32
    %dma_wait3A_700 = tpu.memref_slice %arg7[%dma_wait3A_695, %dma_wait3A_699] : memref<16x100xi32, #tpu.memory_space<vmem>> -> memref<1x100xi32, #tpu.memory_space<vmem>>
    %dma_wait3A_701 = tpu.memref_squeeze %dma_wait3A_700 : memref<1x100xi32, #tpu.memory_space<vmem>> -> memref<100xi32, #tpu.memory_space<vmem>>
    %dma_wait3A_702 = arith.constant 0 : i32
    %dma_wait3A_703 = tpu.memref_slice %arg6[%dma_wait3A_702] : memref<1028096xf32, #tpu.memory_space<vmem_shared>> -> memref<1028096xf32, #tpu.memory_space<vmem_shared>>
    tpu.wait_indirect_dma semaphore(%arg9 : memref<!tpu.dma_semaphore, #tpu.memory_space<semaphore_mem>>) src(%dma_wait3A_698 : memref<100xf32, #tpu.memory_space<vmem>>) dst(%dma_wait3A_703 : memref<1028096xf32, #tpu.memory_space<vmem_shared>>)
    %dma_wait3A_704 = arith.constant 2 : i32
    %dma_wait3A_705 = arith.constant 2 : i32
    %dma_wait3A_706 = arith.constant 0 : i32
    %dma_wait3A_707 = tpu.memref_slice %arg8[%dma_wait3A_704, %dma_wait3A_706] : memref<16x100xf32, #tpu.memory_space<vmem>> -> memref<1x100xf32, #tpu.memory_space<vmem>>
    %dma_wait3A_708 = tpu.memref_squeeze %dma_wait3A_707 : memref<1x100xf32, #tpu.memory_space<vmem>> -> memref<100xf32, #tpu.memory_space<vmem>>
    %dma_wait3A_709 = arith.constant 0 : i32
    %dma_wait3A_710 = tpu.memref_slice %arg7[%dma_wait3A_705, %dma_wait3A_709] : memref<16x100xi32, #tpu.memory_space<vmem>> -> memref<1x100xi32, #tpu.memory_space<vmem>>
    %dma_wait3A_711 = tpu.memref_squeeze %dma_wait3A_710 : memref<1x100xi32, #tpu.memory_space<vmem>> -> memref<100xi32, #tpu.memory_space<vmem>>
    %dma_wait3A_712 = arith.constant 0 : i32
    %dma_wait3A_713 = tpu.memref_slice %arg6[%dma_wait3A_712] : memref<1028096xf32, #tpu.memory_space<vmem_shared>> -> memref<1028096xf32, #tpu.memory_space<vmem_shared>>
    tpu.wait_indirect_dma semaphore(%arg9 : memref<!tpu.dma_semaphore, #tpu.memory_space<semaphore_mem>>) src(%dma_wait3A_708 : memref<100xf32, #tpu.memory_space<vmem>>) dst(%dma_wait3A_713 : memref<1028096xf32, #tpu.memory_space<vmem_shared>>)
    %dma_wait3A_714 = arith.constant 3 : i32
    %dma_wait3A_715 = arith.constant 3 : i32
    %dma_wait3A_716 = arith.constant 0 : i32
    %dma_wait3A_717 = tpu.memref_slice %arg8[%dma_wait3A_714, %dma_wait3A_716] : memref<16x100xf32, #tpu.memory_space<vmem>> -> memref<1x100xf32, #tpu.memory_space<vmem>>
    %dma_wait3A_718 = tpu.memref_squeeze %dma_wait3A_717 : memref<1x100xf32, #tpu.memory_space<vmem>> -> memref<100xf32, #tpu.memory_space<vmem>>
    %dma_wait3A_719 = arith.constant 0 : i32
    %dma_wait3A_720 = tpu.memref_slice %arg7[%dma_wait3A_715, %dma_wait3A_719] : memref<16x100xi32, #tpu.memory_space<vmem>> -> memref<1x100xi32, #tpu.memory_space<vmem>>
    %dma_wait3A_721 = tpu.memref_squeeze %dma_wait3A_720 : memref<1x100xi32, #tpu.memory_space<vmem>> -> memref<100xi32, #tpu.memory_space<vmem>>
    %dma_wait3A_722 = arith.constant 0 : i32
    %dma_wait3A_723 = tpu.memref_slice %arg6[%dma_wait3A_722] : memref<1028096xf32, #tpu.memory_space<vmem_shared>> -> memref<1028096xf32, #tpu.memory_space<vmem_shared>>
    tpu.wait_indirect_dma semaphore(%arg9 : memref<!tpu.dma_semaphore, #tpu.memory_space<semaphore_mem>>) src(%dma_wait3A_718 : memref<100xf32, #tpu.memory_space<vmem>>) dst(%dma_wait3A_723 : memref<1028096xf32, #tpu.memory_space<vmem_shared>>)
    %dma_wait3A_724 = arith.constant 4 : i32
    %dma_wait3A_725 = arith.constant 4 : i32
    %dma_wait3A_726 = arith.constant 0 : i32
    %dma_wait3A_727 = tpu.memref_slice %arg8[%dma_wait3A_724, %dma_wait3A_726] : memref<16x100xf32, #tpu.memory_space<vmem>> -> memref<1x100xf32, #tpu.memory_space<vmem>>
    %dma_wait3A_728 = tpu.memref_squeeze %dma_wait3A_727 : memref<1x100xf32, #tpu.memory_space<vmem>> -> memref<100xf32, #tpu.memory_space<vmem>>
    %dma_wait3A_729 = arith.constant 0 : i32
    %dma_wait3A_730 = tpu.memref_slice %arg7[%dma_wait3A_725, %dma_wait3A_729] : memref<16x100xi32, #tpu.memory_space<vmem>> -> memref<1x100xi32, #tpu.memory_space<vmem>>
    %dma_wait3A_731 = tpu.memref_squeeze %dma_wait3A_730 : memref<1x100xi32, #tpu.memory_space<vmem>> -> memref<100xi32, #tpu.memory_space<vmem>>
    %dma_wait3A_732 = arith.constant 0 : i32
    %dma_wait3A_733 = tpu.memref_slice %arg6[%dma_wait3A_732] : memref<1028096xf32, #tpu.memory_space<vmem_shared>> -> memref<1028096xf32, #tpu.memory_space<vmem_shared>>
    tpu.wait_indirect_dma semaphore(%arg9 : memref<!tpu.dma_semaphore, #tpu.memory_space<semaphore_mem>>) src(%dma_wait3A_728 : memref<100xf32, #tpu.memory_space<vmem>>) dst(%dma_wait3A_733 : memref<1028096xf32, #tpu.memory_space<vmem_shared>>)
    %dma_wait3A_734 = arith.constant 5 : i32
    %dma_wait3A_735 = arith.constant 5 : i32
    %dma_wait3A_736 = arith.constant 0 : i32
    %dma_wait3A_737 = tpu.memref_slice %arg8[%dma_wait3A_734, %dma_wait3A_736] : memref<16x100xf32, #tpu.memory_space<vmem>> -> memref<1x100xf32, #tpu.memory_space<vmem>>
    %dma_wait3A_738 = tpu.memref_squeeze %dma_wait3A_737 : memref<1x100xf32, #tpu.memory_space<vmem>> -> memref<100xf32, #tpu.memory_space<vmem>>
    %dma_wait3A_739 = arith.constant 0 : i32
    %dma_wait3A_740 = tpu.memref_slice %arg7[%dma_wait3A_735, %dma_wait3A_739] : memref<16x100xi32, #tpu.memory_space<vmem>> -> memref<1x100xi32, #tpu.memory_space<vmem>>
    %dma_wait3A_741 = tpu.memref_squeeze %dma_wait3A_740 : memref<1x100xi32, #tpu.memory_space<vmem>> -> memref<100xi32, #tpu.memory_space<vmem>>
    %dma_wait3A_742 = arith.constant 0 : i32
    %dma_wait3A_743 = tpu.memref_slice %arg6[%dma_wait3A_742] : memref<1028096xf32, #tpu.memory_space<vmem_shared>> -> memref<1028096xf32, #tpu.memory_space<vmem_shared>>
    tpu.wait_indirect_dma semaphore(%arg9 : memref<!tpu.dma_semaphore, #tpu.memory_space<semaphore_mem>>) src(%dma_wait3A_738 : memref<100xf32, #tpu.memory_space<vmem>>) dst(%dma_wait3A_743 : memref<1028096xf32, #tpu.memory_space<vmem_shared>>)
    %dma_wait3A_744 = arith.constant 6 : i32
    %dma_wait3A_745 = arith.constant 6 : i32
    %dma_wait3A_746 = arith.constant 0 : i32
    %dma_wait3A_747 = tpu.memref_slice %arg8[%dma_wait3A_744, %dma_wait3A_746] : memref<16x100xf32, #tpu.memory_space<vmem>> -> memref<1x100xf32, #tpu.memory_space<vmem>>
    %dma_wait3A_748 = tpu.memref_squeeze %dma_wait3A_747 : memref<1x100xf32, #tpu.memory_space<vmem>> -> memref<100xf32, #tpu.memory_space<vmem>>
    %dma_wait3A_749 = arith.constant 0 : i32
    %dma_wait3A_750 = tpu.memref_slice %arg7[%dma_wait3A_745, %dma_wait3A_749] : memref<16x100xi32, #tpu.memory_space<vmem>> -> memref<1x100xi32, #tpu.memory_space<vmem>>
    %dma_wait3A_751 = tpu.memref_squeeze %dma_wait3A_750 : memref<1x100xi32, #tpu.memory_space<vmem>> -> memref<100xi32, #tpu.memory_space<vmem>>
    %dma_wait3A_752 = arith.constant 0 : i32
    %dma_wait3A_753 = tpu.memref_slice %arg6[%dma_wait3A_752] : memref<1028096xf32, #tpu.memory_space<vmem_shared>> -> memref<1028096xf32, #tpu.memory_space<vmem_shared>>
    tpu.wait_indirect_dma semaphore(%arg9 : memref<!tpu.dma_semaphore, #tpu.memory_space<semaphore_mem>>) src(%dma_wait3A_748 : memref<100xf32, #tpu.memory_space<vmem>>) dst(%dma_wait3A_753 : memref<1028096xf32, #tpu.memory_space<vmem_shared>>)
    %dma_wait3A_754 = arith.constant 7 : i32
    %dma_wait3A_755 = arith.constant 7 : i32
    %dma_wait3A_756 = arith.constant 0 : i32
    %dma_wait3A_757 = tpu.memref_slice %arg8[%dma_wait3A_754, %dma_wait3A_756] : memref<16x100xf32, #tpu.memory_space<vmem>> -> memref<1x100xf32, #tpu.memory_space<vmem>>
    %dma_wait3A_758 = tpu.memref_squeeze %dma_wait3A_757 : memref<1x100xf32, #tpu.memory_space<vmem>> -> memref<100xf32, #tpu.memory_space<vmem>>
    %dma_wait3A_759 = arith.constant 0 : i32
    %dma_wait3A_760 = tpu.memref_slice %arg7[%dma_wait3A_755, %dma_wait3A_759] : memref<16x100xi32, #tpu.memory_space<vmem>> -> memref<1x100xi32, #tpu.memory_space<vmem>>
    %dma_wait3A_761 = tpu.memref_squeeze %dma_wait3A_760 : memref<1x100xi32, #tpu.memory_space<vmem>> -> memref<100xi32, #tpu.memory_space<vmem>>
    %dma_wait3A_762 = arith.constant 0 : i32
    %dma_wait3A_763 = tpu.memref_slice %arg6[%dma_wait3A_762] : memref<1028096xf32, #tpu.memory_space<vmem_shared>> -> memref<1028096xf32, #tpu.memory_space<vmem_shared>>
    tpu.wait_indirect_dma semaphore(%arg9 : memref<!tpu.dma_semaphore, #tpu.memory_space<semaphore_mem>>) src(%dma_wait3A_758 : memref<100xf32, #tpu.memory_space<vmem>>) dst(%dma_wait3A_763 : memref<1028096xf32, #tpu.memory_space<vmem_shared>>)
    %dma_wait3A_764 = arith.constant 8 : i32
    %dma_wait3A_765 = arith.constant 8 : i32
    %dma_wait3A_766 = arith.constant 0 : i32
    %dma_wait3A_767 = tpu.memref_slice %arg8[%dma_wait3A_764, %dma_wait3A_766] : memref<16x100xf32, #tpu.memory_space<vmem>> -> memref<1x100xf32, #tpu.memory_space<vmem>>
    %dma_wait3A_768 = tpu.memref_squeeze %dma_wait3A_767 : memref<1x100xf32, #tpu.memory_space<vmem>> -> memref<100xf32, #tpu.memory_space<vmem>>
    %dma_wait3A_769 = arith.constant 0 : i32
    %dma_wait3A_770 = tpu.memref_slice %arg7[%dma_wait3A_765, %dma_wait3A_769] : memref<16x100xi32, #tpu.memory_space<vmem>> -> memref<1x100xi32, #tpu.memory_space<vmem>>
    %dma_wait3A_771 = tpu.memref_squeeze %dma_wait3A_770 : memref<1x100xi32, #tpu.memory_space<vmem>> -> memref<100xi32, #tpu.memory_space<vmem>>
    %dma_wait3A_772 = arith.constant 0 : i32
    %dma_wait3A_773 = tpu.memref_slice %arg6[%dma_wait3A_772] : memref<1028096xf32, #tpu.memory_space<vmem_shared>> -> memref<1028096xf32, #tpu.memory_space<vmem_shared>>
    tpu.wait_indirect_dma semaphore(%arg9 : memref<!tpu.dma_semaphore, #tpu.memory_space<semaphore_mem>>) src(%dma_wait3A_768 : memref<100xf32, #tpu.memory_space<vmem>>) dst(%dma_wait3A_773 : memref<1028096xf32, #tpu.memory_space<vmem_shared>>)
    %dma_wait3A_774 = arith.constant 9 : i32
    %dma_wait3A_775 = arith.constant 9 : i32
    %dma_wait3A_776 = arith.constant 0 : i32
    %dma_wait3A_777 = tpu.memref_slice %arg8[%dma_wait3A_774, %dma_wait3A_776] : memref<16x100xf32, #tpu.memory_space<vmem>> -> memref<1x100xf32, #tpu.memory_space<vmem>>
    %dma_wait3A_778 = tpu.memref_squeeze %dma_wait3A_777 : memref<1x100xf32, #tpu.memory_space<vmem>> -> memref<100xf32, #tpu.memory_space<vmem>>
    %dma_wait3A_779 = arith.constant 0 : i32
    %dma_wait3A_780 = tpu.memref_slice %arg7[%dma_wait3A_775, %dma_wait3A_779] : memref<16x100xi32, #tpu.memory_space<vmem>> -> memref<1x100xi32, #tpu.memory_space<vmem>>
    %dma_wait3A_781 = tpu.memref_squeeze %dma_wait3A_780 : memref<1x100xi32, #tpu.memory_space<vmem>> -> memref<100xi32, #tpu.memory_space<vmem>>
    %dma_wait3A_782 = arith.constant 0 : i32
    %dma_wait3A_783 = tpu.memref_slice %arg6[%dma_wait3A_782] : memref<1028096xf32, #tpu.memory_space<vmem_shared>> -> memref<1028096xf32, #tpu.memory_space<vmem_shared>>
    tpu.wait_indirect_dma semaphore(%arg9 : memref<!tpu.dma_semaphore, #tpu.memory_space<semaphore_mem>>) src(%dma_wait3A_778 : memref<100xf32, #tpu.memory_space<vmem>>) dst(%dma_wait3A_783 : memref<1028096xf32, #tpu.memory_space<vmem_shared>>)
    %dma_wait3A_784 = arith.constant 10 : i32
    %dma_wait3A_785 = arith.constant 10 : i32
    %dma_wait3A_786 = arith.constant 0 : i32
    %dma_wait3A_787 = tpu.memref_slice %arg8[%dma_wait3A_784, %dma_wait3A_786] : memref<16x100xf32, #tpu.memory_space<vmem>> -> memref<1x100xf32, #tpu.memory_space<vmem>>
    %dma_wait3A_788 = tpu.memref_squeeze %dma_wait3A_787 : memref<1x100xf32, #tpu.memory_space<vmem>> -> memref<100xf32, #tpu.memory_space<vmem>>
    %dma_wait3A_789 = arith.constant 0 : i32
    %dma_wait3A_790 = tpu.memref_slice %arg7[%dma_wait3A_785, %dma_wait3A_789] : memref<16x100xi32, #tpu.memory_space<vmem>> -> memref<1x100xi32, #tpu.memory_space<vmem>>
    %dma_wait3A_791 = tpu.memref_squeeze %dma_wait3A_790 : memref<1x100xi32, #tpu.memory_space<vmem>> -> memref<100xi32, #tpu.memory_space<vmem>>
    %dma_wait3A_792 = arith.constant 0 : i32
    %dma_wait3A_793 = tpu.memref_slice %arg6[%dma_wait3A_792] : memref<1028096xf32, #tpu.memory_space<vmem_shared>> -> memref<1028096xf32, #tpu.memory_space<vmem_shared>>
    tpu.wait_indirect_dma semaphore(%arg9 : memref<!tpu.dma_semaphore, #tpu.memory_space<semaphore_mem>>) src(%dma_wait3A_788 : memref<100xf32, #tpu.memory_space<vmem>>) dst(%dma_wait3A_793 : memref<1028096xf32, #tpu.memory_space<vmem_shared>>)
    %dma_wait3A_794 = arith.constant 11 : i32
    %dma_wait3A_795 = arith.constant 11 : i32
    %dma_wait3A_796 = arith.constant 0 : i32
    %dma_wait3A_797 = tpu.memref_slice %arg8[%dma_wait3A_794, %dma_wait3A_796] : memref<16x100xf32, #tpu.memory_space<vmem>> -> memref<1x100xf32, #tpu.memory_space<vmem>>
    %dma_wait3A_798 = tpu.memref_squeeze %dma_wait3A_797 : memref<1x100xf32, #tpu.memory_space<vmem>> -> memref<100xf32, #tpu.memory_space<vmem>>
    %dma_wait3A_799 = arith.constant 0 : i32
    %dma_wait3A_800 = tpu.memref_slice %arg7[%dma_wait3A_795, %dma_wait3A_799] : memref<16x100xi32, #tpu.memory_space<vmem>> -> memref<1x100xi32, #tpu.memory_space<vmem>>
    %dma_wait3A_801 = tpu.memref_squeeze %dma_wait3A_800 : memref<1x100xi32, #tpu.memory_space<vmem>> -> memref<100xi32, #tpu.memory_space<vmem>>
    %dma_wait3A_802 = arith.constant 0 : i32
    %dma_wait3A_803 = tpu.memref_slice %arg6[%dma_wait3A_802] : memref<1028096xf32, #tpu.memory_space<vmem_shared>> -> memref<1028096xf32, #tpu.memory_space<vmem_shared>>
    tpu.wait_indirect_dma semaphore(%arg9 : memref<!tpu.dma_semaphore, #tpu.memory_space<semaphore_mem>>) src(%dma_wait3A_798 : memref<100xf32, #tpu.memory_space<vmem>>) dst(%dma_wait3A_803 : memref<1028096xf32, #tpu.memory_space<vmem_shared>>)
    %dma_wait3A_804 = arith.constant 12 : i32
    %dma_wait3A_805 = arith.constant 12 : i32
    %dma_wait3A_806 = arith.constant 0 : i32
    %dma_wait3A_807 = tpu.memref_slice %arg8[%dma_wait3A_804, %dma_wait3A_806] : memref<16x100xf32, #tpu.memory_space<vmem>> -> memref<1x100xf32, #tpu.memory_space<vmem>>
    %dma_wait3A_808 = tpu.memref_squeeze %dma_wait3A_807 : memref<1x100xf32, #tpu.memory_space<vmem>> -> memref<100xf32, #tpu.memory_space<vmem>>
    %dma_wait3A_809 = arith.constant 0 : i32
    %dma_wait3A_810 = tpu.memref_slice %arg7[%dma_wait3A_805, %dma_wait3A_809] : memref<16x100xi32, #tpu.memory_space<vmem>> -> memref<1x100xi32, #tpu.memory_space<vmem>>
    %dma_wait3A_811 = tpu.memref_squeeze %dma_wait3A_810 : memref<1x100xi32, #tpu.memory_space<vmem>> -> memref<100xi32, #tpu.memory_space<vmem>>
    %dma_wait3A_812 = arith.constant 0 : i32
    %dma_wait3A_813 = tpu.memref_slice %arg6[%dma_wait3A_812] : memref<1028096xf32, #tpu.memory_space<vmem_shared>> -> memref<1028096xf32, #tpu.memory_space<vmem_shared>>
    tpu.wait_indirect_dma semaphore(%arg9 : memref<!tpu.dma_semaphore, #tpu.memory_space<semaphore_mem>>) src(%dma_wait3A_808 : memref<100xf32, #tpu.memory_space<vmem>>) dst(%dma_wait3A_813 : memref<1028096xf32, #tpu.memory_space<vmem_shared>>)
    %dma_wait3A_814 = arith.constant 13 : i32
    %dma_wait3A_815 = arith.constant 13 : i32
    %dma_wait3A_816 = arith.constant 0 : i32
    %dma_wait3A_817 = tpu.memref_slice %arg8[%dma_wait3A_814, %dma_wait3A_816] : memref<16x100xf32, #tpu.memory_space<vmem>> -> memref<1x100xf32, #tpu.memory_space<vmem>>
    %dma_wait3A_818 = tpu.memref_squeeze %dma_wait3A_817 : memref<1x100xf32, #tpu.memory_space<vmem>> -> memref<100xf32, #tpu.memory_space<vmem>>
    %dma_wait3A_819 = arith.constant 0 : i32
    %dma_wait3A_820 = tpu.memref_slice %arg7[%dma_wait3A_815, %dma_wait3A_819] : memref<16x100xi32, #tpu.memory_space<vmem>> -> memref<1x100xi32, #tpu.memory_space<vmem>>
    %dma_wait3A_821 = tpu.memref_squeeze %dma_wait3A_820 : memref<1x100xi32, #tpu.memory_space<vmem>> -> memref<100xi32, #tpu.memory_space<vmem>>
    %dma_wait3A_822 = arith.constant 0 : i32
    %dma_wait3A_823 = tpu.memref_slice %arg6[%dma_wait3A_822] : memref<1028096xf32, #tpu.memory_space<vmem_shared>> -> memref<1028096xf32, #tpu.memory_space<vmem_shared>>
    tpu.wait_indirect_dma semaphore(%arg9 : memref<!tpu.dma_semaphore, #tpu.memory_space<semaphore_mem>>) src(%dma_wait3A_818 : memref<100xf32, #tpu.memory_space<vmem>>) dst(%dma_wait3A_823 : memref<1028096xf32, #tpu.memory_space<vmem_shared>>)
    %dma_wait3A_824 = arith.constant 14 : i32
    %dma_wait3A_825 = arith.constant 14 : i32
    %dma_wait3A_826 = arith.constant 0 : i32
    %dma_wait3A_827 = tpu.memref_slice %arg8[%dma_wait3A_824, %dma_wait3A_826] : memref<16x100xf32, #tpu.memory_space<vmem>> -> memref<1x100xf32, #tpu.memory_space<vmem>>
    %dma_wait3A_828 = tpu.memref_squeeze %dma_wait3A_827 : memref<1x100xf32, #tpu.memory_space<vmem>> -> memref<100xf32, #tpu.memory_space<vmem>>
    %dma_wait3A_829 = arith.constant 0 : i32
    %dma_wait3A_830 = tpu.memref_slice %arg7[%dma_wait3A_825, %dma_wait3A_829] : memref<16x100xi32, #tpu.memory_space<vmem>> -> memref<1x100xi32, #tpu.memory_space<vmem>>
    %dma_wait3A_831 = tpu.memref_squeeze %dma_wait3A_830 : memref<1x100xi32, #tpu.memory_space<vmem>> -> memref<100xi32, #tpu.memory_space<vmem>>
    %dma_wait3A_832 = arith.constant 0 : i32
    %dma_wait3A_833 = tpu.memref_slice %arg6[%dma_wait3A_832] : memref<1028096xf32, #tpu.memory_space<vmem_shared>> -> memref<1028096xf32, #tpu.memory_space<vmem_shared>>
    tpu.wait_indirect_dma semaphore(%arg9 : memref<!tpu.dma_semaphore, #tpu.memory_space<semaphore_mem>>) src(%dma_wait3A_828 : memref<100xf32, #tpu.memory_space<vmem>>) dst(%dma_wait3A_833 : memref<1028096xf32, #tpu.memory_space<vmem_shared>>)
    %dma_wait3A_834 = arith.constant 15 : i32
    %dma_wait3A_835 = arith.constant 15 : i32
    %dma_wait3A_836 = arith.constant 0 : i32
    %dma_wait3A_837 = tpu.memref_slice %arg8[%dma_wait3A_834, %dma_wait3A_836] : memref<16x100xf32, #tpu.memory_space<vmem>> -> memref<1x100xf32, #tpu.memory_space<vmem>>
    %dma_wait3A_838 = tpu.memref_squeeze %dma_wait3A_837 : memref<1x100xf32, #tpu.memory_space<vmem>> -> memref<100xf32, #tpu.memory_space<vmem>>
    %dma_wait3A_839 = arith.constant 0 : i32
    %dma_wait3A_840 = tpu.memref_slice %arg7[%dma_wait3A_835, %dma_wait3A_839] : memref<16x100xi32, #tpu.memory_space<vmem>> -> memref<1x100xi32, #tpu.memory_space<vmem>>
    %dma_wait3A_841 = tpu.memref_squeeze %dma_wait3A_840 : memref<1x100xi32, #tpu.memory_space<vmem>> -> memref<100xi32, #tpu.memory_space<vmem>>
    %dma_wait3A_842 = arith.constant 0 : i32
    %dma_wait3A_843 = tpu.memref_slice %arg6[%dma_wait3A_842] : memref<1028096xf32, #tpu.memory_space<vmem_shared>> -> memref<1028096xf32, #tpu.memory_space<vmem_shared>>
    tpu.wait_indirect_dma semaphore(%arg9 : memref<!tpu.dma_semaphore, #tpu.memory_space<semaphore_mem>>) src(%dma_wait3A_838 : memref<100xf32, #tpu.memory_space<vmem>>) dst(%dma_wait3A_843 : memref<1028096xf32, #tpu.memory_space<vmem_shared>>)
    %mul3A_844 = arith.constant 16 : i32
    %mul3A_845 = arith.muli %select_n3A, %mul3A_844 : i32
    %mul3A_846 = arith.constant 2 : i32
    %mul3A_847 = arith.muli %mul3A_846, %select_n3A_28 : i32
    %add3A_848 = arith.addi %mul3A_845, %mul3A_847 : i32
    %add3A_849 = arith.constant 0 : i32
    %add3A_850 = arith.addi %add3A_848, %add3A_849 : i32
    %mul3A_851 = arith.constant 32128 : i32
    %mul3A_852 = arith.muli %add3A_850, %mul3A_851 : i32
    %mul3A_853 = arith.constant 2 : i32
    %mul3A_854 = arith.muli %mul3A_853, %select_n3A_28 : i32
    %add3A_855 = arith.constant 0 : i32
    %add3A_856 = arith.addi %mul3A_854, %add3A_855 : i32
    %dma_start3A_857 = arith.constant 0 : i32
    %dma_start3A_858 = tpu.memref_slice %arg5[%add3A_460, %add3A_856, %dma_start3A_857] : memref<8x16x32128xf32, #tpu.memory_space<hbm>> -> memref<1x1x32128xf32, #tpu.memory_space<hbm>>
    %dma_start3A_859 = tpu.memref_squeeze %dma_start3A_858 : memref<1x1x32128xf32, #tpu.memory_space<hbm>> -> memref<32128xf32, #tpu.memory_space<hbm>>
    %dma_start3A_860 = tpu.memref_slice %arg6[%mul3A_852] : memref<1028096xf32, #tpu.memory_space<vmem_shared>> -> memref<32128xf32, #tpu.memory_space<vmem_shared>>
    tpu.enqueue_dma source(%dma_start3A_860 : memref<32128xf32, #tpu.memory_space<vmem_shared>>) target(%dma_start3A_859 : memref<32128xf32, #tpu.memory_space<hbm>>) target_semaphore(%arg9 : memref<!tpu.dma_semaphore, #tpu.memory_space<semaphore_mem>>)
    %mul3A_861 = arith.constant 16 : i32
    %mul3A_862 = arith.muli %select_n3A, %mul3A_861 : i32
    %mul3A_863 = arith.constant 2 : i32
    %mul3A_864 = arith.muli %mul3A_863, %select_n3A_28 : i32
    %add3A_865 = arith.addi %mul3A_862, %mul3A_864 : i32
    %add3A_866 = arith.constant 1 : i32
    %add3A_867 = arith.addi %add3A_865, %add3A_866 : i32
    %mul3A_868 = arith.constant 32128 : i32
    %mul3A_869 = arith.muli %add3A_867, %mul3A_868 : i32
    %mul3A_870 = arith.constant 2 : i32
    %mul3A_871 = arith.muli %mul3A_870, %select_n3A_28 : i32
    %add3A_872 = arith.constant 1 : i32
    %add3A_873 = arith.addi %mul3A_871, %add3A_872 : i32
    %dma_start3A_874 = arith.constant 0 : i32
    %dma_start3A_875 = tpu.memref_slice %arg5[%add3A_460, %add3A_873, %dma_start3A_874] : memref<8x16x32128xf32, #tpu.memory_space<hbm>> -> memref<1x1x32128xf32, #tpu.memory_space<hbm>>
    %dma_start3A_876 = tpu.memref_squeeze %dma_start3A_875 : memref<1x1x32128xf32, #tpu.memory_space<hbm>> -> memref<32128xf32, #tpu.memory_space<hbm>>
    %dma_start3A_877 = tpu.memref_slice %arg6[%mul3A_869] : memref<1028096xf32, #tpu.memory_space<vmem_shared>> -> memref<32128xf32, #tpu.memory_space<vmem_shared>>
    tpu.enqueue_dma source(%dma_start3A_877 : memref<32128xf32, #tpu.memory_space<vmem_shared>>) target(%dma_start3A_876 : memref<32128xf32, #tpu.memory_space<hbm>>) target_semaphore(%arg9 : memref<!tpu.dma_semaphore, #tpu.memory_space<semaphore_mem>>)
    %dma_wait3A_878 = arith.constant 0 : i32
    %dma_wait3A_879 = tpu.memref_slice %arg5[%add3A_460, %add3A_856, %dma_wait3A_878] : memref<8x16x32128xf32, #tpu.memory_space<hbm>> -> memref<1x1x32128xf32, #tpu.memory_space<hbm>>
    %dma_wait3A_880 = tpu.memref_squeeze %dma_wait3A_879 : memref<1x1x32128xf32, #tpu.memory_space<hbm>> -> memref<32128xf32, #tpu.memory_space<hbm>>
    %dma_wait3A_881 = tpu.memref_slice %arg6[%mul3A_852] : memref<1028096xf32, #tpu.memory_space<vmem_shared>> -> memref<32128xf32, #tpu.memory_space<vmem_shared>>
    tpu.wait_dma2 semaphore(%arg9 : memref<!tpu.dma_semaphore, #tpu.memory_space<semaphore_mem>>) src(%dma_wait3A_881 : memref<32128xf32, #tpu.memory_space<vmem_shared>>) dst(%dma_wait3A_880 : memref<32128xf32, #tpu.memory_space<hbm>>)
    %dma_wait3A_882 = arith.constant 0 : i32
    %dma_wait3A_883 = tpu.memref_slice %arg5[%add3A_460, %add3A_873, %dma_wait3A_882] : memref<8x16x32128xf32, #tpu.memory_space<hbm>> -> memref<1x1x32128xf32, #tpu.memory_space<hbm>>
    %dma_wait3A_884 = tpu.memref_squeeze %dma_wait3A_883 : memref<1x1x32128xf32, #tpu.memory_space<hbm>> -> memref<32128xf32, #tpu.memory_space<hbm>>
    %dma_wait3A_885 = tpu.memref_slice %arg6[%mul3A_869] : memref<1028096xf32, #tpu.memory_space<vmem_shared>> -> memref<32128xf32, #tpu.memory_space<vmem_shared>>
    tpu.wait_dma2 semaphore(%arg9 : memref<!tpu.dma_semaphore, #tpu.memory_space<semaphore_mem>>) src(%dma_wait3A_885 : memref<32128xf32, #tpu.memory_space<vmem_shared>>) dst(%dma_wait3A_884 : memref<32128xf32, #tpu.memory_space<hbm>>)
    return
  }
}

module attributes {stable_mosaic.version = 14 : i64} {
  func.func @_tc_body(%arg0: i32, %arg1: memref<1x16x512xf32, #tpu.memory_space<vmem>>, %arg2: memref<1x4x200x512xf32, #tpu.memory_space<vmem>>, %arg3: memref<1x1x800xi32, #tpu.memory_space<vmem>>, %arg4: memref<1x16x32128xf32, #tpu.memory_space<vmem>>, %arg5: memref<512x512xf32, #tpu.memory_space<vmem>>, %arg6: memref<1x512xf32, #tpu.memory_space<vmem>>, %arg7: memref<512x512xf32, #tpu.memory_space<vmem>>, %arg8: memref<1x512xf32, #tpu.memory_space<vmem>>, %arg9: memref<512x512xf32, #tpu.memory_space<vmem>>, %arg10: memref<1x512xf32, #tpu.memory_space<vmem>>, %arg11: memref<1x512xf32, #tpu.memory_space<vmem>>, %arg12: memref<1x1xf32, #tpu.memory_space<vmem>>, %arg13: memref<1x512xf32, #tpu.memory_space<vmem>>, %arg14: memref<1x16x32128xf32, #tpu.memory_space<vmem>>, %arg15: memref<1x16x8x100xf32, #tpu.memory_space<vmem>>, %arg16: memref<1x16x8x100xi32, #tpu.memory_space<vmem>>, %arg17: memref<512x512xf32, #tpu.memory_space<vmem>>) attributes {dimension_semantics = [#tpu.dimension_semantics<arbitrary>], iteration_bounds = array<i64: 8>, scalar_prefetch = 0 : i64, scratch_operands = 1 : i64, tpu.core_type = #tpu.core_type<tc>, window_params = [{transform_indices = @transform_0, window_bounds = array<i64: 1, 16, 512>}, {transform_indices = @transform_1, window_bounds = array<i64: 1, 4, 200, 512>}, {transform_indices = @transform_2, window_bounds = array<i64: 1, 1, 800>}, {transform_indices = @transform_3, window_bounds = array<i64: 1, 16, 32128>}, {pipeline_mode = #tpu.pipeline_mode<synchronous>, transform_indices = @transform_4, window_bounds = array<i64: 512, 512>}, {pipeline_mode = #tpu.pipeline_mode<synchronous>, transform_indices = @transform_5, window_bounds = array<i64: 1, 512>}, {pipeline_mode = #tpu.pipeline_mode<synchronous>, transform_indices = @transform_6, window_bounds = array<i64: 512, 512>}, {pipeline_mode = #tpu.pipeline_mode<synchronous>, transform_indices = @transform_7, window_bounds = array<i64: 1, 512>}, {pipeline_mode = #tpu.pipeline_mode<synchronous>, transform_indices = @transform_8, window_bounds = array<i64: 512, 512>}, {pipeline_mode = #tpu.pipeline_mode<synchronous>, transform_indices = @transform_9, window_bounds = array<i64: 1, 512>}, {pipeline_mode = #tpu.pipeline_mode<synchronous>, transform_indices = @transform_10, window_bounds = array<i64: 1, 512>}, {pipeline_mode = #tpu.pipeline_mode<synchronous>, transform_indices = @transform_11, window_bounds = array<i64: 1, 1>}, {pipeline_mode = #tpu.pipeline_mode<synchronous>, transform_indices = @transform_12, window_bounds = array<i64: 1, 512>}, {transform_indices = @transform_13, window_bounds = array<i64: 1, 16, 32128>}, {transform_indices = @transform_14, window_bounds = array<i64: 1, 16, 8, 100>}, {transform_indices = @transform_15, window_bounds = array<i64: 1, 16, 8, 100>}]} {
    %eq3A = arith.constant 0 : i32
    %eq3A_0 = arith.cmpi eq, %arg0, %eq3A : i32
    %convert_element_type3A = arith.extui %eq3A_0 : i1 to i32
    %cond3A = arith.constant 0 : i32
    %cond3A_1 = arith.cmpi ne, %convert_element_type3A, %cond3A : i32
    scf.if %cond3A_1 {
      %get3A_542 = arith.constant 0 : index
      %get3A_543 = arith.constant 0 : index
      %get3A_544 = vector.load %arg5[%get3A_542, %get3A_543] : memref<512x512xf32, #tpu.memory_space<vmem>>, vector<512x512xf32>
      %get3A_545 = arith.constant 0 : index
      %get3A_546 = arith.constant 0 : index
      %get3A_547 = vector.load %arg7[%get3A_545, %get3A_546] : memref<512x512xf32, #tpu.memory_space<vmem>>, vector<512x512xf32>
      %dot_general3A_548 = arith.constant dense<0.000000e+00> : vector<512x512xf32>
      %dot_general3A_549 = tpu.matmul %get3A_544, %get3A_547, %dot_general3A_548 {dimension_numbers = #tpu.dot_dimension_numbers<[1], [1], [0], [0], [0, 0, 1, 0], [], []>, transpose_lhs_hint = false} : vector<512x512xf32>, vector<512x512xf32>, vector<512x512xf32> -> vector<512x512xf32>
      %swap3A_550 = arith.constant 0 : index
      %swap3A_551 = arith.constant 0 : index
      %swap3A_552 = vector.load %arg17[%swap3A_550, %swap3A_551] : memref<512x512xf32, #tpu.memory_space<vmem>>, vector<512x512xf32>
      tpu.vector_store %arg17[%swap3A_550, %swap3A_551], %dot_general3A_549 {strides = array<i32>} : memref<512x512xf32, #tpu.memory_space<vmem>>, vector<512x512xf32>,
    } else {
    }
    %get3A = arith.constant 0 : index
    %get3A_2 = arith.constant 0 : index
    %get3A_3 = arith.constant 0 : index
    %get3A_4 = vector.load %arg1[%get3A, %get3A_2, %get3A_3] : memref<1x16x512xf32, #tpu.memory_space<vmem>>, vector<1x16x512xf32>
    %get3A_5 = vector.shape_cast %get3A_4 : vector<1x16x512xf32> to vector<16x512xf32>
    %get3A_6 = arith.constant 0 : index
    %get3A_7 = arith.constant 0 : index
    %get3A_8 = vector.load %arg6[%get3A_6, %get3A_7] : memref<1x512xf32, #tpu.memory_space<vmem>>, vector<1x512xf32>
    %get3A_9 = arith.constant 0 : index
    %get3A_10 = arith.constant 0 : index
    %get3A_11 = vector.load %arg8[%get3A_9, %get3A_10] : memref<1x512xf32, #tpu.memory_space<vmem>>, vector<1x512xf32>
    %get3A_12 = arith.constant 0 : index
    %get3A_13 = arith.constant 0 : index
    %get3A_14 = vector.load %arg10[%get3A_12, %get3A_13] : memref<1x512xf32, #tpu.memory_space<vmem>>, vector<1x512xf32>
    %get3A_15 = arith.constant 0 : index
    %get3A_16 = arith.constant 0 : index
    %get3A_17 = vector.load %arg11[%get3A_15, %get3A_16] : memref<1x512xf32, #tpu.memory_space<vmem>>, vector<1x512xf32>
    %get3A_18 = arith.constant 0 : index
    %get3A_19 = arith.constant 0 : index
    %get3A_20 = vector.load %arg13[%get3A_18, %get3A_19] : memref<1x512xf32, #tpu.memory_space<vmem>>, vector<1x512xf32>
    %get3A_21 = arith.constant 0 : index
    %get3A_22 = arith.constant 0 : index
    %get3A_23 = vector.load %arg5[%get3A_21, %get3A_22] : memref<512x512xf32, #tpu.memory_space<vmem>>, vector<512x512xf32>
    %dot_general3A = arith.constant dense<0.000000e+00> : vector<1x512xf32>
    %dot_general3A_24 = tpu.matmul %get3A_11, %get3A_23, %dot_general3A {dimension_numbers = #tpu.dot_dimension_numbers<[1], [1], [0], [0], [0, 0, 1, 0], [], []>, transpose_lhs_hint = false} : vector<1x512xf32>, vector<512x512xf32>, vector<1x512xf32> -> vector<1x512xf32>
    %get3A_25 = arith.constant 0 : index
    %get3A_26 = arith.constant 0 : index
    %get3A_27 = vector.load %arg7[%get3A_25, %get3A_26] : memref<512x512xf32, #tpu.memory_space<vmem>>, vector<512x512xf32>
    %dot_general3A_28 = arith.constant dense<0.000000e+00> : vector<1x512xf32>
    %dot_general3A_29 = tpu.matmul %get3A_8, %get3A_27, %dot_general3A_28 {dimension_numbers = #tpu.dot_dimension_numbers<[1], [1], [0], [0], [0, 0, 1, 0], [], []>, transpose_lhs_hint = false} : vector<1x512xf32>, vector<512x512xf32>, vector<1x512xf32> -> vector<1x512xf32>
    %get3A_30 = arith.constant 0 : index
    %get3A_31 = arith.constant 0 : index
    %get3A_32 = vector.load %arg9[%get3A_30, %get3A_31] : memref<512x512xf32, #tpu.memory_space<vmem>>, vector<512x512xf32>
    %dot_general3A_33 = arith.constant dense<0.000000e+00> : vector<1x512xf32>
    %dot_general3A_34 = tpu.matmul %get3A_20, %get3A_32, %dot_general3A_33 {dimension_numbers = #tpu.dot_dimension_numbers<[1], [1], [0], [0], [0, 0, 1, 0], [], []>, transpose_lhs_hint = false} : vector<1x512xf32>, vector<512x512xf32>, vector<1x512xf32> -> vector<1x512xf32>
    %mul3A = arith.mulf %get3A_8, %get3A_11 : vector<1x512xf32>
    %reduce_sum3A = vector.shape_cast %mul3A : vector<1x512xf32> to vector<1x1x512xf32>
    %reduce_sum3A_35 = arith.constant dense<0.000000e+00> : vector<1xf32>
    %reduce_sum3A_36 = vector.multi_reduction <add>, %reduce_sum3A, %reduce_sum3A_35 [1, 2] : vector<1x1x512xf32> to vector<1xf32>
    %reduce_sum3A_37 = vector.shape_cast %reduce_sum3A_36 : vector<1xf32> to vector<1x1x1xf32>
    %reduce_sum3A_38 = vector.extract %reduce_sum3A_37[0, 0, 0] : f32 from vector<1x1x1xf32>
    %get3A_39 = arith.constant 0 : index
    %get3A_40 = arith.constant 0 : index
    %get3A_41 = vector.load %arg12[%get3A_39, %get3A_40] : memref<1x1xf32, #tpu.memory_space<vmem>>, vector<1x1xf32>
    %get3A_42 = vector.extract %get3A_41[0, 0] : f32 from vector<1x1xf32>
    %mul3A_43 = arith.mulf %get3A_14, %get3A_20 : vector<1x512xf32>
    %reduce_sum3A_44 = vector.shape_cast %mul3A_43 : vector<1x512xf32> to vector<1x1x512xf32>
    %reduce_sum3A_45 = arith.constant dense<0.000000e+00> : vector<1xf32>
    %reduce_sum3A_46 = vector.multi_reduction <add>, %reduce_sum3A_44, %reduce_sum3A_45 [1, 2] : vector<1x1x512xf32> to vector<1xf32>
    %reduce_sum3A_47 = vector.shape_cast %reduce_sum3A_46 : vector<1xf32> to vector<1x1x1xf32>
    %reduce_sum3A_48 = vector.extract %reduce_sum3A_47[0, 0, 0] : f32 from vector<1x1x1xf32>
    %add3A = arith.addf %get3A_42, %reduce_sum3A_48 : f32
    %get3A_49 = arith.constant 0 : index
    %get3A_50 = arith.constant 0 : index
    %get3A_51 = vector.load %arg17[%get3A_49, %get3A_50] : memref<512x512xf32, #tpu.memory_space<vmem>>, vector<512x512xf32>
    %dot_general3A_52 = arith.constant dense<0.000000e+00> : vector<16x512xf32>
    %dot_general3A_53 = tpu.matmul %get3A_5, %get3A_51, %dot_general3A_52 {dimension_numbers = #tpu.dot_dimension_numbers<[1], [0], [0], [1], [0, 0, 1, 1], [], []>, transpose_lhs_hint = false} : vector<16x512xf32>, vector<512x512xf32>, vector<16x512xf32> -> vector<16x512xf32>
    %dot_general3A_54 = arith.constant dense<0.000000e+00> : vector<16x1xf32>
    %dot_general3A_55 = tpu.matmul %get3A_5, %dot_general3A_24, %dot_general3A_54 {dimension_numbers = #tpu.dot_dimension_numbers<[1], [1], [0], [0], [0, 0, 1, 0], [], []>, transpose_lhs_hint = false} : vector<16x512xf32>, vector<1x512xf32>, vector<16x1xf32> -> vector<16x1xf32>
    %dot_general3A_56 = arith.constant dense<0.000000e+00> : vector<16x1xf32>
    %dot_general3A_57 = tpu.matmul %get3A_5, %get3A_17, %dot_general3A_56 {dimension_numbers = #tpu.dot_dimension_numbers<[1], [1], [0], [0], [0, 0, 1, 0], [], []>, transpose_lhs_hint = false} : vector<16x512xf32>, vector<1x512xf32>, vector<16x1xf32> -> vector<16x1xf32>
    %sqrt3A = arith.constant 5.120000e+02 : f32
    %sqrt3A_58 = math.sqrt %sqrt3A : f32
    %div3A = arith.constant 1.000000e+00 : f32
    %div3A_59 = arith.divf %div3A, %sqrt3A_58 : f32
    %get3A_60 = arith.constant 0 : index
    %get3A_61 = arith.constant 0 : index
    %get3A_62 = arith.constant 0 : index
    %get3A_63 = vector.load %arg3[%get3A_60, %get3A_61, %get3A_62] : memref<1x1x800xi32, #tpu.memory_space<vmem>>, vector<1x1x800xi32>
    %get3A_64 = vector.shape_cast %get3A_63 : vector<1x1x800xi32> to vector<1x800xi32>
    %broadcast_in_dim3A = arith.constant 0.000000e+00 : f32
    %broadcast_in_dim3A_65 = vector.broadcast %broadcast_in_dim3A : f32 to vector<16x1xf32>
    %get3A_66 = arith.constant 0 : index
    %get3A_67 = arith.constant 0 : index
    %get3A_68 = arith.constant 0 : index
    %get3A_69 = arith.constant 0 : index
    %get3A_70 = vector.load %arg2[%get3A_66, %get3A_67, %get3A_68, %get3A_69] : memref<1x4x200x512xf32, #tpu.memory_space<vmem>>, vector<1x1x200x512xf32>
    %get3A_71 = vector.shape_cast %get3A_70 : vector<1x1x200x512xf32> to vector<200x512xf32>
    %slice3A = vector.extract_strided_slice %get3A_64 {offsets = [0, 0], sizes = [1, 200], strides = [1, 1]} : vector<1x800xi32> to vector<1x200xi32>
    %dot_general3A_72 = arith.constant dense<0.000000e+00> : vector<16x200xf32>
    %dot_general3A_73 = tpu.matmul %dot_general3A_53, %get3A_71, %dot_general3A_72 {dimension_numbers = #tpu.dot_dimension_numbers<[1], [1], [0], [0], [0, 0, 1, 0], [], []>, transpose_lhs_hint = false} : vector<16x512xf32>, vector<200x512xf32>, vector<16x200xf32> -> vector<16x200xf32>
    %add3A_74 = vector.broadcast %dot_general3A_55 : vector<16x1xf32> to vector<16x200xf32>
    %add3A_75 = arith.addf %dot_general3A_73, %add3A_74 : vector<16x200xf32>
    %dot_general3A_76 = arith.constant dense<0.000000e+00> : vector<1x200xf32>
    %dot_general3A_77 = tpu.matmul %dot_general3A_29, %get3A_71, %dot_general3A_76 {dimension_numbers = #tpu.dot_dimension_numbers<[1], [1], [0], [0], [0, 0, 1, 0], [], []>, transpose_lhs_hint = false} : vector<1x512xf32>, vector<200x512xf32>, vector<1x200xf32> -> vector<1x200xf32>
    %add3A_78 = vector.broadcast %dot_general3A_77 : vector<1x200xf32> to vector<16x200xf32>
    %add3A_79 = arith.addf %add3A_75, %add3A_78 : vector<16x200xf32>
    %add3A_80 = vector.broadcast %reduce_sum3A_38 : f32 to vector<16x200xf32>
    %add3A_81 = arith.addf %add3A_79, %add3A_80 : vector<16x200xf32>
    %mul3A_82 = vector.broadcast %div3A_59 : f32 to vector<16x200xf32>
    %mul3A_83 = arith.mulf %add3A_81, %mul3A_82 : vector<16x200xf32>
    %eq3A_84 = arith.constant 0 : i32
    %eq3A_85 = vector.broadcast %eq3A_84 : i32 to vector<1x200xi32>
    %eq3A_86 = arith.cmpi eq, %slice3A, %eq3A_85 : vector<1x200xi32>
    %jit3A = arith.constant -1.000000e+09 : f32
    %broadcast_in_dim3A_87 = vector.shape_cast %eq3A_86 : vector<1x200xi1> to vector<1x200xi1>
    %broadcast_in_dim3A_88 = vector.broadcast %broadcast_in_dim3A_87 : vector<1x200xi1> to vector<16x200xi1>
    %broadcast_in_dim3A_89 = vector.broadcast %jit3A : f32 to vector<16x200xf32>
    %select_n3A = arith.select %broadcast_in_dim3A_88, %broadcast_in_dim3A_89, %mul3A_83 : vector<16x200xi1>, vector<16x200xf32>
    %reduce_max3A = arith.constant dense<0xFF800000> : vector<16xf32>
    %reduce_max3A_90 = vector.multi_reduction <maximumf>, %select_n3A, %reduce_max3A [1] : vector<16x200xf32> to vector<16xf32>
    %broadcast_in_dim3A_91 = vector.shape_cast %reduce_max3A_90 : vector<16xf32> to vector<16x1xf32>
    %sub3A = vector.broadcast %broadcast_in_dim3A_91 : vector<16x1xf32> to vector<16x200xf32>
    %sub3A_92 = arith.subf %select_n3A, %sub3A : vector<16x200xf32>
    %exp3A = math.exp %sub3A_92 : vector<16x200xf32>
    %reduce_sum3A_93 = arith.constant dense<0.000000e+00> : vector<16xf32>
    %reduce_sum3A_94 = vector.multi_reduction <add>, %exp3A, %reduce_sum3A_93 [1] : vector<16x200xf32> to vector<16xf32>
    %broadcast_in_dim3A_95 = vector.shape_cast %reduce_sum3A_94 : vector<16xf32> to vector<16x1xf32>
    %div3A_96 = vector.broadcast %broadcast_in_dim3A_95 : vector<16x1xf32> to vector<16x200xf32>
    %div3A_97 = arith.divf %exp3A, %div3A_96 : vector<16x200xf32>
    %dot_general3A_98 = arith.constant dense<0.000000e+00> : vector<1x200xf32>
    %dot_general3A_99 = tpu.matmul %dot_general3A_34, %get3A_71, %dot_general3A_98 {dimension_numbers = #tpu.dot_dimension_numbers<[1], [1], [0], [0], [0, 0, 1, 0], [], []>, transpose_lhs_hint = false} : vector<1x512xf32>, vector<200x512xf32>, vector<1x200xf32> -> vector<1x200xf32>
    %dot_general3A_100 = arith.constant dense<0.000000e+00> : vector<16x1xf32>
    %dot_general3A_101 = tpu.matmul %div3A_97, %dot_general3A_99, %dot_general3A_100 {dimension_numbers = #tpu.dot_dimension_numbers<[1], [1], [0], [0], [0, 0, 1, 0], [], []>, transpose_lhs_hint = false} : vector<16x200xf32>, vector<1x200xf32>, vector<16x1xf32> -> vector<16x1xf32>
    %add3A_102 = arith.addf %dot_general3A_57, %dot_general3A_101 : vector<16x1xf32>
    %add3A_103 = vector.broadcast %add3A : f32 to vector<16x1xf32>
    %add3A_104 = arith.addf %add3A_102, %add3A_103 : vector<16x1xf32>
    %logistic3A = arith.negf %add3A_104 : vector<16x1xf32>
    %logistic3A_105 = math.exp %logistic3A : vector<16x1xf32>
    %logistic3A_106 = arith.constant 1.000000e+00 : f32
    %logistic3A_107 = vector.broadcast %logistic3A_106 : f32 to vector<16x1xf32>
    %logistic3A_108 = arith.addf %logistic3A_107, %logistic3A_105 : vector<16x1xf32>
    %logistic3A_109 = arith.divf %logistic3A_107, %logistic3A_108 : vector<16x1xf32>
    %add3A_110 = arith.addf %broadcast_in_dim3A_65, %logistic3A_109 : vector<16x1xf32>
    %mul3A_111 = arith.constant 2.500000e-01 : f32
    %mul3A_112 = vector.broadcast %mul3A_111 : f32 to vector<16x1xf32>
    %mul3A_113 = arith.mulf %logistic3A_109, %mul3A_112 : vector<16x1xf32>
    %mul3A_114 = vector.broadcast %mul3A_113 : vector<16x1xf32> to vector<16x200xf32>
    %mul3A_115 = arith.mulf %mul3A_114, %div3A_97 : vector<16x200xf32>
    %slice3A_116 = vector.extract_strided_slice %mul3A_115 {offsets = [0, 0], sizes = [16, 100], strides = [1, 1]} : vector<16x200xf32> to vector<16x100xf32>
    %swap3A = arith.constant 0 : index
    %swap3A_117 = arith.constant 0 : index
    %swap3A_118 = arith.constant 0 : index
    %swap3A_119 = arith.constant 0 : index
    %swap3A_120 = vector.load %arg15[%swap3A, %swap3A_117, %swap3A_118, %swap3A_119] : memref<1x16x8x100xf32, #tpu.memory_space<vmem>>, vector<1x16x1x100xf32>
    %swap3A_121 = vector.shape_cast %swap3A_120 : vector<1x16x1x100xf32> to vector<16x100xf32>
    %swap3A_122 = vector.shape_cast %slice3A_116 : vector<16x100xf32> to vector<1x16x1x100xf32>
    tpu.vector_store %arg15[%swap3A, %swap3A_117, %swap3A_118, %swap3A_119], %swap3A_122 {strides = array<i32>} : memref<1x16x8x100xf32, #tpu.memory_space<vmem>>, vector<1x16x1x100xf32>,
    %slice3A_123 = vector.extract_strided_slice %mul3A_115 {offsets = [0, 100], sizes = [16, 100], strides = [1, 1]} : vector<16x200xf32> to vector<16x100xf32>
    %swap3A_124 = arith.constant 0 : index
    %swap3A_125 = arith.constant 0 : index
    %swap3A_126 = arith.constant 1 : index
    %swap3A_127 = arith.constant 0 : index
    %swap3A_128 = vector.load %arg15[%swap3A_124, %swap3A_125, %swap3A_126, %swap3A_127] : memref<1x16x8x100xf32, #tpu.memory_space<vmem>>, vector<1x16x1x100xf32>
    %swap3A_129 = vector.shape_cast %swap3A_128 : vector<1x16x1x100xf32> to vector<16x100xf32>
    %swap3A_130 = vector.shape_cast %slice3A_123 : vector<16x100xf32> to vector<1x16x1x100xf32>
    tpu.vector_store %arg15[%swap3A_124, %swap3A_125, %swap3A_126, %swap3A_127], %swap3A_130 {strides = array<i32>} : memref<1x16x8x100xf32, #tpu.memory_space<vmem>>, vector<1x16x1x100xf32>,
    %iota3A = tpu.iota {dimensions = array<i32: 0>} : vector<16x200xi32>
    %jit3A_131 = arith.constant 2 : i32
    %eq3A_132 = arith.constant 0 : i32
    %eq3A_133 = arith.cmpi eq, %jit3A_131, %eq3A_132 : i32
    %jit3A_134 = arith.constant 1 : i32
    %select_n3A_135 = arith.select %eq3A_133, %jit3A_134, %jit3A_131 : i32
    %rem3A = arith.remsi %arg0, %select_n3A_135 : i32
    %ne3A = arith.constant 0 : i32
    %ne3A_136 = arith.cmpi ne, %rem3A, %ne3A : i32
    %lt3A = arith.constant 0 : i32
    %lt3A_137 = arith.cmpi slt, %rem3A, %lt3A : i32
    %lt3A_138 = arith.constant 0 : i32
    %lt3A_139 = arith.cmpi slt, %select_n3A_135, %lt3A_138 : i32
    %ne3A_140 = arith.xori %lt3A_137, %lt3A_139 : i1
    %and3A = arith.andi %ne3A_140, %ne3A_136 : i1
    %add3A_141 = arith.addi %rem3A, %select_n3A_135 : i32
    %select_n3A_142 = arith.select %and3A, %add3A_141, %rem3A : i32
    %mul3A_143 = arith.constant 514048 : i32
    %mul3A_144 = arith.muli %select_n3A_142, %mul3A_143 : i32
    %mul3A_145 = arith.constant 32128 : i32
    %mul3A_146 = vector.broadcast %mul3A_145 : i32 to vector<16x200xi32>
    %mul3A_147 = arith.muli %iota3A, %mul3A_146 : vector<16x200xi32>
    %add3A_148 = vector.broadcast %mul3A_144 : i32 to vector<16x200xi32>
    %add3A_149 = arith.addi %add3A_148, %mul3A_147 : vector<16x200xi32>
    %add3A_150 = vector.broadcast %slice3A : vector<1x200xi32> to vector<16x200xi32>
    %add3A_151 = arith.addi %add3A_149, %add3A_150 : vector<16x200xi32>
    %slice3A_152 = vector.extract_strided_slice %add3A_151 {offsets = [0, 0], sizes = [16, 100], strides = [1, 1]} : vector<16x200xi32> to vector<16x100xi32>
    %swap3A_153 = arith.constant 0 : index
    %swap3A_154 = arith.constant 0 : index
    %swap3A_155 = arith.constant 0 : index
    %swap3A_156 = arith.constant 0 : index
    %swap3A_157 = vector.load %arg16[%swap3A_153, %swap3A_154, %swap3A_155, %swap3A_156] : memref<1x16x8x100xi32, #tpu.memory_space<vmem>>, vector<1x16x1x100xi32>
    %swap3A_158 = vector.shape_cast %swap3A_157 : vector<1x16x1x100xi32> to vector<16x100xi32>
    %swap3A_159 = vector.shape_cast %slice3A_152 : vector<16x100xi32> to vector<1x16x1x100xi32>
    tpu.vector_store %arg16[%swap3A_153, %swap3A_154, %swap3A_155, %swap3A_156], %swap3A_159 {strides = array<i32>} : memref<1x16x8x100xi32, #tpu.memory_space<vmem>>, vector<1x16x1x100xi32>,
    %slice3A_160 = vector.extract_strided_slice %add3A_151 {offsets = [0, 100], sizes = [16, 100], strides = [1, 1]} : vector<16x200xi32> to vector<16x100xi32>
    %swap3A_161 = arith.constant 0 : index
    %swap3A_162 = arith.constant 0 : index
    %swap3A_163 = arith.constant 1 : index
    %swap3A_164 = arith.constant 0 : index
    %swap3A_165 = vector.load %arg16[%swap3A_161, %swap3A_162, %swap3A_163, %swap3A_164] : memref<1x16x8x100xi32, #tpu.memory_space<vmem>>, vector<1x16x1x100xi32>
    %swap3A_166 = vector.shape_cast %swap3A_165 : vector<1x16x1x100xi32> to vector<16x100xi32>
    %swap3A_167 = vector.shape_cast %slice3A_160 : vector<16x100xi32> to vector<1x16x1x100xi32>
    tpu.vector_store %arg16[%swap3A_161, %swap3A_162, %swap3A_163, %swap3A_164], %swap3A_167 {strides = array<i32>} : memref<1x16x8x100xi32, #tpu.memory_space<vmem>>, vector<1x16x1x100xi32>,
    %get3A_168 = arith.constant 0 : index
    %get3A_169 = arith.constant 1 : index
    %get3A_170 = arith.constant 0 : index
    %get3A_171 = arith.constant 0 : index
    %get3A_172 = vector.load %arg2[%get3A_168, %get3A_169, %get3A_170, %get3A_171] : memref<1x4x200x512xf32, #tpu.memory_space<vmem>>, vector<1x1x200x512xf32>
    %get3A_173 = vector.shape_cast %get3A_172 : vector<1x1x200x512xf32> to vector<200x512xf32>
    %slice3A_174 = vector.extract_strided_slice %get3A_64 {offsets = [0, 200], sizes = [1, 200], strides = [1, 1]} : vector<1x800xi32> to vector<1x200xi32>
    %dot_general3A_175 = arith.constant dense<0.000000e+00> : vector<16x200xf32>
    %dot_general3A_176 = tpu.matmul %dot_general3A_53, %get3A_173, %dot_general3A_175 {dimension_numbers = #tpu.dot_dimension_numbers<[1], [1], [0], [0], [0, 0, 1, 0], [], []>, transpose_lhs_hint = false} : vector<16x512xf32>, vector<200x512xf32>, vector<16x200xf32> -> vector<16x200xf32>
    %add3A_177 = vector.broadcast %dot_general3A_55 : vector<16x1xf32> to vector<16x200xf32>
    %add3A_178 = arith.addf %dot_general3A_176, %add3A_177 : vector<16x200xf32>
    %dot_general3A_179 = arith.constant dense<0.000000e+00> : vector<1x200xf32>
    %dot_general3A_180 = tpu.matmul %dot_general3A_29, %get3A_173, %dot_general3A_179 {dimension_numbers = #tpu.dot_dimension_numbers<[1], [1], [0], [0], [0, 0, 1, 0], [], []>, transpose_lhs_hint = false} : vector<1x512xf32>, vector<200x512xf32>, vector<1x200xf32> -> vector<1x200xf32>
    %add3A_181 = vector.broadcast %dot_general3A_180 : vector<1x200xf32> to vector<16x200xf32>
    %add3A_182 = arith.addf %add3A_178, %add3A_181 : vector<16x200xf32>
    %add3A_183 = vector.broadcast %reduce_sum3A_38 : f32 to vector<16x200xf32>
    %add3A_184 = arith.addf %add3A_182, %add3A_183 : vector<16x200xf32>
    %mul3A_185 = vector.broadcast %div3A_59 : f32 to vector<16x200xf32>
    %mul3A_186 = arith.mulf %add3A_184, %mul3A_185 : vector<16x200xf32>
    %eq3A_187 = arith.constant 0 : i32
    %eq3A_188 = vector.broadcast %eq3A_187 : i32 to vector<1x200xi32>
    %eq3A_189 = arith.cmpi eq, %slice3A_174, %eq3A_188 : vector<1x200xi32>
    %jit3A_190 = arith.constant -1.000000e+09 : f32
    %broadcast_in_dim3A_191 = vector.shape_cast %eq3A_189 : vector<1x200xi1> to vector<1x200xi1>
    %broadcast_in_dim3A_192 = vector.broadcast %broadcast_in_dim3A_191 : vector<1x200xi1> to vector<16x200xi1>
    %broadcast_in_dim3A_193 = vector.broadcast %jit3A_190 : f32 to vector<16x200xf32>
    %select_n3A_194 = arith.select %broadcast_in_dim3A_192, %broadcast_in_dim3A_193, %mul3A_186 : vector<16x200xi1>, vector<16x200xf32>
    %reduce_max3A_195 = arith.constant dense<0xFF800000> : vector<16xf32>
    %reduce_max3A_196 = vector.multi_reduction <maximumf>, %select_n3A_194, %reduce_max3A_195 [1] : vector<16x200xf32> to vector<16xf32>
    %broadcast_in_dim3A_197 = vector.shape_cast %reduce_max3A_196 : vector<16xf32> to vector<16x1xf32>
    %sub3A_198 = vector.broadcast %broadcast_in_dim3A_197 : vector<16x1xf32> to vector<16x200xf32>
    %sub3A_199 = arith.subf %select_n3A_194, %sub3A_198 : vector<16x200xf32>
    %exp3A_200 = math.exp %sub3A_199 : vector<16x200xf32>
    %reduce_sum3A_201 = arith.constant dense<0.000000e+00> : vector<16xf32>
    %reduce_sum3A_202 = vector.multi_reduction <add>, %exp3A_200, %reduce_sum3A_201 [1] : vector<16x200xf32> to vector<16xf32>
    %broadcast_in_dim3A_203 = vector.shape_cast %reduce_sum3A_202 : vector<16xf32> to vector<16x1xf32>
    %div3A_204 = vector.broadcast %broadcast_in_dim3A_203 : vector<16x1xf32> to vector<16x200xf32>
    %div3A_205 = arith.divf %exp3A_200, %div3A_204 : vector<16x200xf32>
    %dot_general3A_206 = arith.constant dense<0.000000e+00> : vector<1x200xf32>
    %dot_general3A_207 = tpu.matmul %dot_general3A_34, %get3A_173, %dot_general3A_206 {dimension_numbers = #tpu.dot_dimension_numbers<[1], [1], [0], [0], [0, 0, 1, 0], [], []>, transpose_lhs_hint = false} : vector<1x512xf32>, vector<200x512xf32>, vector<1x200xf32> -> vector<1x200xf32>
    %dot_general3A_208 = arith.constant dense<0.000000e+00> : vector<16x1xf32>
    %dot_general3A_209 = tpu.matmul %div3A_205, %dot_general3A_207, %dot_general3A_208 {dimension_numbers = #tpu.dot_dimension_numbers<[1], [1], [0], [0], [0, 0, 1, 0], [], []>, transpose_lhs_hint = false} : vector<16x200xf32>, vector<1x200xf32>, vector<16x1xf32> -> vector<16x1xf32>
    %add3A_210 = arith.addf %dot_general3A_57, %dot_general3A_209 : vector<16x1xf32>
    %add3A_211 = vector.broadcast %add3A : f32 to vector<16x1xf32>
    %add3A_212 = arith.addf %add3A_210, %add3A_211 : vector<16x1xf32>
    %logistic3A_213 = arith.negf %add3A_212 : vector<16x1xf32>
    %logistic3A_214 = math.exp %logistic3A_213 : vector<16x1xf32>
    %logistic3A_215 = arith.constant 1.000000e+00 : f32
    %logistic3A_216 = vector.broadcast %logistic3A_215 : f32 to vector<16x1xf32>
    %logistic3A_217 = arith.addf %logistic3A_216, %logistic3A_214 : vector<16x1xf32>
    %logistic3A_218 = arith.divf %logistic3A_216, %logistic3A_217 : vector<16x1xf32>
    %add3A_219 = arith.addf %add3A_110, %logistic3A_218 : vector<16x1xf32>
    %mul3A_220 = arith.constant 2.500000e-01 : f32
    %mul3A_221 = vector.broadcast %mul3A_220 : f32 to vector<16x1xf32>
    %mul3A_222 = arith.mulf %logistic3A_218, %mul3A_221 : vector<16x1xf32>
    %mul3A_223 = vector.broadcast %mul3A_222 : vector<16x1xf32> to vector<16x200xf32>
    %mul3A_224 = arith.mulf %mul3A_223, %div3A_205 : vector<16x200xf32>
    %slice3A_225 = vector.extract_strided_slice %mul3A_224 {offsets = [0, 0], sizes = [16, 100], strides = [1, 1]} : vector<16x200xf32> to vector<16x100xf32>
    %swap3A_226 = arith.constant 0 : index
    %swap3A_227 = arith.constant 0 : index
    %swap3A_228 = arith.constant 2 : index
    %swap3A_229 = arith.constant 0 : index
    %swap3A_230 = vector.load %arg15[%swap3A_226, %swap3A_227, %swap3A_228, %swap3A_229] : memref<1x16x8x100xf32, #tpu.memory_space<vmem>>, vector<1x16x1x100xf32>
    %swap3A_231 = vector.shape_cast %swap3A_230 : vector<1x16x1x100xf32> to vector<16x100xf32>
    %swap3A_232 = vector.shape_cast %slice3A_225 : vector<16x100xf32> to vector<1x16x1x100xf32>
    tpu.vector_store %arg15[%swap3A_226, %swap3A_227, %swap3A_228, %swap3A_229], %swap3A_232 {strides = array<i32>} : memref<1x16x8x100xf32, #tpu.memory_space<vmem>>, vector<1x16x1x100xf32>,
    %slice3A_233 = vector.extract_strided_slice %mul3A_224 {offsets = [0, 100], sizes = [16, 100], strides = [1, 1]} : vector<16x200xf32> to vector<16x100xf32>
    %swap3A_234 = arith.constant 0 : index
    %swap3A_235 = arith.constant 0 : index
    %swap3A_236 = arith.constant 3 : index
    %swap3A_237 = arith.constant 0 : index
    %swap3A_238 = vector.load %arg15[%swap3A_234, %swap3A_235, %swap3A_236, %swap3A_237] : memref<1x16x8x100xf32, #tpu.memory_space<vmem>>, vector<1x16x1x100xf32>
    %swap3A_239 = vector.shape_cast %swap3A_238 : vector<1x16x1x100xf32> to vector<16x100xf32>
    %swap3A_240 = vector.shape_cast %slice3A_233 : vector<16x100xf32> to vector<1x16x1x100xf32>
    tpu.vector_store %arg15[%swap3A_234, %swap3A_235, %swap3A_236, %swap3A_237], %swap3A_240 {strides = array<i32>} : memref<1x16x8x100xf32, #tpu.memory_space<vmem>>, vector<1x16x1x100xf32>,
    %iota3A_241 = tpu.iota {dimensions = array<i32: 0>} : vector<16x200xi32>
    %jit3A_242 = arith.constant 2 : i32
    %eq3A_243 = arith.constant 0 : i32
    %eq3A_244 = arith.cmpi eq, %jit3A_242, %eq3A_243 : i32
    %jit3A_245 = arith.constant 1 : i32
    %select_n3A_246 = arith.select %eq3A_244, %jit3A_245, %jit3A_242 : i32
    %rem3A_247 = arith.remsi %arg0, %select_n3A_246 : i32
    %ne3A_248 = arith.constant 0 : i32
    %ne3A_249 = arith.cmpi ne, %rem3A_247, %ne3A_248 : i32
    %lt3A_250 = arith.constant 0 : i32
    %lt3A_251 = arith.cmpi slt, %rem3A_247, %lt3A_250 : i32
    %lt3A_252 = arith.constant 0 : i32
    %lt3A_253 = arith.cmpi slt, %select_n3A_246, %lt3A_252 : i32
    %ne3A_254 = arith.xori %lt3A_251, %lt3A_253 : i1
    %and3A_255 = arith.andi %ne3A_254, %ne3A_249 : i1
    %add3A_256 = arith.addi %rem3A_247, %select_n3A_246 : i32
    %select_n3A_257 = arith.select %and3A_255, %add3A_256, %rem3A_247 : i32
    %mul3A_258 = arith.constant 514048 : i32
    %mul3A_259 = arith.muli %select_n3A_257, %mul3A_258 : i32
    %mul3A_260 = arith.constant 32128 : i32
    %mul3A_261 = vector.broadcast %mul3A_260 : i32 to vector<16x200xi32>
    %mul3A_262 = arith.muli %iota3A_241, %mul3A_261 : vector<16x200xi32>
    %add3A_263 = vector.broadcast %mul3A_259 : i32 to vector<16x200xi32>
    %add3A_264 = arith.addi %add3A_263, %mul3A_262 : vector<16x200xi32>
    %add3A_265 = vector.broadcast %slice3A_174 : vector<1x200xi32> to vector<16x200xi32>
    %add3A_266 = arith.addi %add3A_264, %add3A_265 : vector<16x200xi32>
    %slice3A_267 = vector.extract_strided_slice %add3A_266 {offsets = [0, 0], sizes = [16, 100], strides = [1, 1]} : vector<16x200xi32> to vector<16x100xi32>
    %swap3A_268 = arith.constant 0 : index
    %swap3A_269 = arith.constant 0 : index
    %swap3A_270 = arith.constant 2 : index
    %swap3A_271 = arith.constant 0 : index
    %swap3A_272 = vector.load %arg16[%swap3A_268, %swap3A_269, %swap3A_270, %swap3A_271] : memref<1x16x8x100xi32, #tpu.memory_space<vmem>>, vector<1x16x1x100xi32>
    %swap3A_273 = vector.shape_cast %swap3A_272 : vector<1x16x1x100xi32> to vector<16x100xi32>
    %swap3A_274 = vector.shape_cast %slice3A_267 : vector<16x100xi32> to vector<1x16x1x100xi32>
    tpu.vector_store %arg16[%swap3A_268, %swap3A_269, %swap3A_270, %swap3A_271], %swap3A_274 {strides = array<i32>} : memref<1x16x8x100xi32, #tpu.memory_space<vmem>>, vector<1x16x1x100xi32>,
    %slice3A_275 = vector.extract_strided_slice %add3A_266 {offsets = [0, 100], sizes = [16, 100], strides = [1, 1]} : vector<16x200xi32> to vector<16x100xi32>
    %swap3A_276 = arith.constant 0 : index
    %swap3A_277 = arith.constant 0 : index
    %swap3A_278 = arith.constant 3 : index
    %swap3A_279 = arith.constant 0 : index
    %swap3A_280 = vector.load %arg16[%swap3A_276, %swap3A_277, %swap3A_278, %swap3A_279] : memref<1x16x8x100xi32, #tpu.memory_space<vmem>>, vector<1x16x1x100xi32>
    %swap3A_281 = vector.shape_cast %swap3A_280 : vector<1x16x1x100xi32> to vector<16x100xi32>
    %swap3A_282 = vector.shape_cast %slice3A_275 : vector<16x100xi32> to vector<1x16x1x100xi32>
    tpu.vector_store %arg16[%swap3A_276, %swap3A_277, %swap3A_278, %swap3A_279], %swap3A_282 {strides = array<i32>} : memref<1x16x8x100xi32, #tpu.memory_space<vmem>>, vector<1x16x1x100xi32>,
    %get3A_283 = arith.constant 0 : index
    %get3A_284 = arith.constant 2 : index
    %get3A_285 = arith.constant 0 : index
    %get3A_286 = arith.constant 0 : index
    %get3A_287 = vector.load %arg2[%get3A_283, %get3A_284, %get3A_285, %get3A_286] : memref<1x4x200x512xf32, #tpu.memory_space<vmem>>, vector<1x1x200x512xf32>
    %get3A_288 = vector.shape_cast %get3A_287 : vector<1x1x200x512xf32> to vector<200x512xf32>
    %slice3A_289 = vector.extract_strided_slice %get3A_64 {offsets = [0, 400], sizes = [1, 200], strides = [1, 1]} : vector<1x800xi32> to vector<1x200xi32>
    %dot_general3A_290 = arith.constant dense<0.000000e+00> : vector<16x200xf32>
    %dot_general3A_291 = tpu.matmul %dot_general3A_53, %get3A_288, %dot_general3A_290 {dimension_numbers = #tpu.dot_dimension_numbers<[1], [1], [0], [0], [0, 0, 1, 0], [], []>, transpose_lhs_hint = false} : vector<16x512xf32>, vector<200x512xf32>, vector<16x200xf32> -> vector<16x200xf32>
    %add3A_292 = vector.broadcast %dot_general3A_55 : vector<16x1xf32> to vector<16x200xf32>
    %add3A_293 = arith.addf %dot_general3A_291, %add3A_292 : vector<16x200xf32>
    %dot_general3A_294 = arith.constant dense<0.000000e+00> : vector<1x200xf32>
    %dot_general3A_295 = tpu.matmul %dot_general3A_29, %get3A_288, %dot_general3A_294 {dimension_numbers = #tpu.dot_dimension_numbers<[1], [1], [0], [0], [0, 0, 1, 0], [], []>, transpose_lhs_hint = false} : vector<1x512xf32>, vector<200x512xf32>, vector<1x200xf32> -> vector<1x200xf32>
    %add3A_296 = vector.broadcast %dot_general3A_295 : vector<1x200xf32> to vector<16x200xf32>
    %add3A_297 = arith.addf %add3A_293, %add3A_296 : vector<16x200xf32>
    %add3A_298 = vector.broadcast %reduce_sum3A_38 : f32 to vector<16x200xf32>
    %add3A_299 = arith.addf %add3A_297, %add3A_298 : vector<16x200xf32>
    %mul3A_300 = vector.broadcast %div3A_59 : f32 to vector<16x200xf32>
    %mul3A_301 = arith.mulf %add3A_299, %mul3A_300 : vector<16x200xf32>
    %eq3A_302 = arith.constant 0 : i32
    %eq3A_303 = vector.broadcast %eq3A_302 : i32 to vector<1x200xi32>
    %eq3A_304 = arith.cmpi eq, %slice3A_289, %eq3A_303 : vector<1x200xi32>
    %jit3A_305 = arith.constant -1.000000e+09 : f32
    %broadcast_in_dim3A_306 = vector.shape_cast %eq3A_304 : vector<1x200xi1> to vector<1x200xi1>
    %broadcast_in_dim3A_307 = vector.broadcast %broadcast_in_dim3A_306 : vector<1x200xi1> to vector<16x200xi1>
    %broadcast_in_dim3A_308 = vector.broadcast %jit3A_305 : f32 to vector<16x200xf32>
    %select_n3A_309 = arith.select %broadcast_in_dim3A_307, %broadcast_in_dim3A_308, %mul3A_301 : vector<16x200xi1>, vector<16x200xf32>
    %reduce_max3A_310 = arith.constant dense<0xFF800000> : vector<16xf32>
    %reduce_max3A_311 = vector.multi_reduction <maximumf>, %select_n3A_309, %reduce_max3A_310 [1] : vector<16x200xf32> to vector<16xf32>
    %broadcast_in_dim3A_312 = vector.shape_cast %reduce_max3A_311 : vector<16xf32> to vector<16x1xf32>
    %sub3A_313 = vector.broadcast %broadcast_in_dim3A_312 : vector<16x1xf32> to vector<16x200xf32>
    %sub3A_314 = arith.subf %select_n3A_309, %sub3A_313 : vector<16x200xf32>
    %exp3A_315 = math.exp %sub3A_314 : vector<16x200xf32>
    %reduce_sum3A_316 = arith.constant dense<0.000000e+00> : vector<16xf32>
    %reduce_sum3A_317 = vector.multi_reduction <add>, %exp3A_315, %reduce_sum3A_316 [1] : vector<16x200xf32> to vector<16xf32>
    %broadcast_in_dim3A_318 = vector.shape_cast %reduce_sum3A_317 : vector<16xf32> to vector<16x1xf32>
    %div3A_319 = vector.broadcast %broadcast_in_dim3A_318 : vector<16x1xf32> to vector<16x200xf32>
    %div3A_320 = arith.divf %exp3A_315, %div3A_319 : vector<16x200xf32>
    %dot_general3A_321 = arith.constant dense<0.000000e+00> : vector<1x200xf32>
    %dot_general3A_322 = tpu.matmul %dot_general3A_34, %get3A_288, %dot_general3A_321 {dimension_numbers = #tpu.dot_dimension_numbers<[1], [1], [0], [0], [0, 0, 1, 0], [], []>, transpose_lhs_hint = false} : vector<1x512xf32>, vector<200x512xf32>, vector<1x200xf32> -> vector<1x200xf32>
    %dot_general3A_323 = arith.constant dense<0.000000e+00> : vector<16x1xf32>
    %dot_general3A_324 = tpu.matmul %div3A_320, %dot_general3A_322, %dot_general3A_323 {dimension_numbers = #tpu.dot_dimension_numbers<[1], [1], [0], [0], [0, 0, 1, 0], [], []>, transpose_lhs_hint = false} : vector<16x200xf32>, vector<1x200xf32>, vector<16x1xf32> -> vector<16x1xf32>
    %add3A_325 = arith.addf %dot_general3A_57, %dot_general3A_324 : vector<16x1xf32>
    %add3A_326 = vector.broadcast %add3A : f32 to vector<16x1xf32>
    %add3A_327 = arith.addf %add3A_325, %add3A_326 : vector<16x1xf32>
    %logistic3A_328 = arith.negf %add3A_327 : vector<16x1xf32>
    %logistic3A_329 = math.exp %logistic3A_328 : vector<16x1xf32>
    %logistic3A_330 = arith.constant 1.000000e+00 : f32
    %logistic3A_331 = vector.broadcast %logistic3A_330 : f32 to vector<16x1xf32>
    %logistic3A_332 = arith.addf %logistic3A_331, %logistic3A_329 : vector<16x1xf32>
    %logistic3A_333 = arith.divf %logistic3A_331, %logistic3A_332 : vector<16x1xf32>
    %add3A_334 = arith.addf %add3A_219, %logistic3A_333 : vector<16x1xf32>
    %mul3A_335 = arith.constant 2.500000e-01 : f32
    %mul3A_336 = vector.broadcast %mul3A_335 : f32 to vector<16x1xf32>
    %mul3A_337 = arith.mulf %logistic3A_333, %mul3A_336 : vector<16x1xf32>
    %mul3A_338 = vector.broadcast %mul3A_337 : vector<16x1xf32> to vector<16x200xf32>
    %mul3A_339 = arith.mulf %mul3A_338, %div3A_320 : vector<16x200xf32>
    %slice3A_340 = vector.extract_strided_slice %mul3A_339 {offsets = [0, 0], sizes = [16, 100], strides = [1, 1]} : vector<16x200xf32> to vector<16x100xf32>
    %swap3A_341 = arith.constant 0 : index
    %swap3A_342 = arith.constant 0 : index
    %swap3A_343 = arith.constant 4 : index
    %swap3A_344 = arith.constant 0 : index
    %swap3A_345 = vector.load %arg15[%swap3A_341, %swap3A_342, %swap3A_343, %swap3A_344] : memref<1x16x8x100xf32, #tpu.memory_space<vmem>>, vector<1x16x1x100xf32>
    %swap3A_346 = vector.shape_cast %swap3A_345 : vector<1x16x1x100xf32> to vector<16x100xf32>
    %swap3A_347 = vector.shape_cast %slice3A_340 : vector<16x100xf32> to vector<1x16x1x100xf32>
    tpu.vector_store %arg15[%swap3A_341, %swap3A_342, %swap3A_343, %swap3A_344], %swap3A_347 {strides = array<i32>} : memref<1x16x8x100xf32, #tpu.memory_space<vmem>>, vector<1x16x1x100xf32>,
    %slice3A_348 = vector.extract_strided_slice %mul3A_339 {offsets = [0, 100], sizes = [16, 100], strides = [1, 1]} : vector<16x200xf32> to vector<16x100xf32>
    %swap3A_349 = arith.constant 0 : index
    %swap3A_350 = arith.constant 0 : index
    %swap3A_351 = arith.constant 5 : index
    %swap3A_352 = arith.constant 0 : index
    %swap3A_353 = vector.load %arg15[%swap3A_349, %swap3A_350, %swap3A_351, %swap3A_352] : memref<1x16x8x100xf32, #tpu.memory_space<vmem>>, vector<1x16x1x100xf32>
    %swap3A_354 = vector.shape_cast %swap3A_353 : vector<1x16x1x100xf32> to vector<16x100xf32>
    %swap3A_355 = vector.shape_cast %slice3A_348 : vector<16x100xf32> to vector<1x16x1x100xf32>
    tpu.vector_store %arg15[%swap3A_349, %swap3A_350, %swap3A_351, %swap3A_352], %swap3A_355 {strides = array<i32>} : memref<1x16x8x100xf32, #tpu.memory_space<vmem>>, vector<1x16x1x100xf32>,
    %iota3A_356 = tpu.iota {dimensions = array<i32: 0>} : vector<16x200xi32>
    %jit3A_357 = arith.constant 2 : i32
    %eq3A_358 = arith.constant 0 : i32
    %eq3A_359 = arith.cmpi eq, %jit3A_357, %eq3A_358 : i32
    %jit3A_360 = arith.constant 1 : i32
    %select_n3A_361 = arith.select %eq3A_359, %jit3A_360, %jit3A_357 : i32
    %rem3A_362 = arith.remsi %arg0, %select_n3A_361 : i32
    %ne3A_363 = arith.constant 0 : i32
    %ne3A_364 = arith.cmpi ne, %rem3A_362, %ne3A_363 : i32
    %lt3A_365 = arith.constant 0 : i32
    %lt3A_366 = arith.cmpi slt, %rem3A_362, %lt3A_365 : i32
    %lt3A_367 = arith.constant 0 : i32
    %lt3A_368 = arith.cmpi slt, %select_n3A_361, %lt3A_367 : i32
    %ne3A_369 = arith.xori %lt3A_366, %lt3A_368 : i1
    %and3A_370 = arith.andi %ne3A_369, %ne3A_364 : i1
    %add3A_371 = arith.addi %rem3A_362, %select_n3A_361 : i32
    %select_n3A_372 = arith.select %and3A_370, %add3A_371, %rem3A_362 : i32
    %mul3A_373 = arith.constant 514048 : i32
    %mul3A_374 = arith.muli %select_n3A_372, %mul3A_373 : i32
    %mul3A_375 = arith.constant 32128 : i32
    %mul3A_376 = vector.broadcast %mul3A_375 : i32 to vector<16x200xi32>
    %mul3A_377 = arith.muli %iota3A_356, %mul3A_376 : vector<16x200xi32>
    %add3A_378 = vector.broadcast %mul3A_374 : i32 to vector<16x200xi32>
    %add3A_379 = arith.addi %add3A_378, %mul3A_377 : vector<16x200xi32>
    %add3A_380 = vector.broadcast %slice3A_289 : vector<1x200xi32> to vector<16x200xi32>
    %add3A_381 = arith.addi %add3A_379, %add3A_380 : vector<16x200xi32>
    %slice3A_382 = vector.extract_strided_slice %add3A_381 {offsets = [0, 0], sizes = [16, 100], strides = [1, 1]} : vector<16x200xi32> to vector<16x100xi32>
    %swap3A_383 = arith.constant 0 : index
    %swap3A_384 = arith.constant 0 : index
    %swap3A_385 = arith.constant 4 : index
    %swap3A_386 = arith.constant 0 : index
    %swap3A_387 = vector.load %arg16[%swap3A_383, %swap3A_384, %swap3A_385, %swap3A_386] : memref<1x16x8x100xi32, #tpu.memory_space<vmem>>, vector<1x16x1x100xi32>
    %swap3A_388 = vector.shape_cast %swap3A_387 : vector<1x16x1x100xi32> to vector<16x100xi32>
    %swap3A_389 = vector.shape_cast %slice3A_382 : vector<16x100xi32> to vector<1x16x1x100xi32>
    tpu.vector_store %arg16[%swap3A_383, %swap3A_384, %swap3A_385, %swap3A_386], %swap3A_389 {strides = array<i32>} : memref<1x16x8x100xi32, #tpu.memory_space<vmem>>, vector<1x16x1x100xi32>,
    %slice3A_390 = vector.extract_strided_slice %add3A_381 {offsets = [0, 100], sizes = [16, 100], strides = [1, 1]} : vector<16x200xi32> to vector<16x100xi32>
    %swap3A_391 = arith.constant 0 : index
    %swap3A_392 = arith.constant 0 : index
    %swap3A_393 = arith.constant 5 : index
    %swap3A_394 = arith.constant 0 : index
    %swap3A_395 = vector.load %arg16[%swap3A_391, %swap3A_392, %swap3A_393, %swap3A_394] : memref<1x16x8x100xi32, #tpu.memory_space<vmem>>, vector<1x16x1x100xi32>
    %swap3A_396 = vector.shape_cast %swap3A_395 : vector<1x16x1x100xi32> to vector<16x100xi32>
    %swap3A_397 = vector.shape_cast %slice3A_390 : vector<16x100xi32> to vector<1x16x1x100xi32>
    tpu.vector_store %arg16[%swap3A_391, %swap3A_392, %swap3A_393, %swap3A_394], %swap3A_397 {strides = array<i32>} : memref<1x16x8x100xi32, #tpu.memory_space<vmem>>, vector<1x16x1x100xi32>,
    %get3A_398 = arith.constant 0 : index
    %get3A_399 = arith.constant 3 : index
    %get3A_400 = arith.constant 0 : index
    %get3A_401 = arith.constant 0 : index
    %get3A_402 = vector.load %arg2[%get3A_398, %get3A_399, %get3A_400, %get3A_401] : memref<1x4x200x512xf32, #tpu.memory_space<vmem>>, vector<1x1x200x512xf32>
    %get3A_403 = vector.shape_cast %get3A_402 : vector<1x1x200x512xf32> to vector<200x512xf32>
    %slice3A_404 = vector.extract_strided_slice %get3A_64 {offsets = [0, 600], sizes = [1, 200], strides = [1, 1]} : vector<1x800xi32> to vector<1x200xi32>
    %dot_general3A_405 = arith.constant dense<0.000000e+00> : vector<16x200xf32>
    %dot_general3A_406 = tpu.matmul %dot_general3A_53, %get3A_403, %dot_general3A_405 {dimension_numbers = #tpu.dot_dimension_numbers<[1], [1], [0], [0], [0, 0, 1, 0], [], []>, transpose_lhs_hint = false} : vector<16x512xf32>, vector<200x512xf32>, vector<16x200xf32> -> vector<16x200xf32>
    %add3A_407 = vector.broadcast %dot_general3A_55 : vector<16x1xf32> to vector<16x200xf32>
    %add3A_408 = arith.addf %dot_general3A_406, %add3A_407 : vector<16x200xf32>
    %dot_general3A_409 = arith.constant dense<0.000000e+00> : vector<1x200xf32>
    %dot_general3A_410 = tpu.matmul %dot_general3A_29, %get3A_403, %dot_general3A_409 {dimension_numbers = #tpu.dot_dimension_numbers<[1], [1], [0], [0], [0, 0, 1, 0], [], []>, transpose_lhs_hint = false} : vector<1x512xf32>, vector<200x512xf32>, vector<1x200xf32> -> vector<1x200xf32>
    %add3A_411 = vector.broadcast %dot_general3A_410 : vector<1x200xf32> to vector<16x200xf32>
    %add3A_412 = arith.addf %add3A_408, %add3A_411 : vector<16x200xf32>
    %add3A_413 = vector.broadcast %reduce_sum3A_38 : f32 to vector<16x200xf32>
    %add3A_414 = arith.addf %add3A_412, %add3A_413 : vector<16x200xf32>
    %mul3A_415 = vector.broadcast %div3A_59 : f32 to vector<16x200xf32>
    %mul3A_416 = arith.mulf %add3A_414, %mul3A_415 : vector<16x200xf32>
    %eq3A_417 = arith.constant 0 : i32
    %eq3A_418 = vector.broadcast %eq3A_417 : i32 to vector<1x200xi32>
    %eq3A_419 = arith.cmpi eq, %slice3A_404, %eq3A_418 : vector<1x200xi32>
    %jit3A_420 = arith.constant -1.000000e+09 : f32
    %broadcast_in_dim3A_421 = vector.shape_cast %eq3A_419 : vector<1x200xi1> to vector<1x200xi1>
    %broadcast_in_dim3A_422 = vector.broadcast %broadcast_in_dim3A_421 : vector<1x200xi1> to vector<16x200xi1>
    %broadcast_in_dim3A_423 = vector.broadcast %jit3A_420 : f32 to vector<16x200xf32>
    %select_n3A_424 = arith.select %broadcast_in_dim3A_422, %broadcast_in_dim3A_423, %mul3A_416 : vector<16x200xi1>, vector<16x200xf32>
    %reduce_max3A_425 = arith.constant dense<0xFF800000> : vector<16xf32>
    %reduce_max3A_426 = vector.multi_reduction <maximumf>, %select_n3A_424, %reduce_max3A_425 [1] : vector<16x200xf32> to vector<16xf32>
    %broadcast_in_dim3A_427 = vector.shape_cast %reduce_max3A_426 : vector<16xf32> to vector<16x1xf32>
    %sub3A_428 = vector.broadcast %broadcast_in_dim3A_427 : vector<16x1xf32> to vector<16x200xf32>
    %sub3A_429 = arith.subf %select_n3A_424, %sub3A_428 : vector<16x200xf32>
    %exp3A_430 = math.exp %sub3A_429 : vector<16x200xf32>
    %reduce_sum3A_431 = arith.constant dense<0.000000e+00> : vector<16xf32>
    %reduce_sum3A_432 = vector.multi_reduction <add>, %exp3A_430, %reduce_sum3A_431 [1] : vector<16x200xf32> to vector<16xf32>
    %broadcast_in_dim3A_433 = vector.shape_cast %reduce_sum3A_432 : vector<16xf32> to vector<16x1xf32>
    %div3A_434 = vector.broadcast %broadcast_in_dim3A_433 : vector<16x1xf32> to vector<16x200xf32>
    %div3A_435 = arith.divf %exp3A_430, %div3A_434 : vector<16x200xf32>
    %dot_general3A_436 = arith.constant dense<0.000000e+00> : vector<1x200xf32>
    %dot_general3A_437 = tpu.matmul %dot_general3A_34, %get3A_403, %dot_general3A_436 {dimension_numbers = #tpu.dot_dimension_numbers<[1], [1], [0], [0], [0, 0, 1, 0], [], []>, transpose_lhs_hint = false} : vector<1x512xf32>, vector<200x512xf32>, vector<1x200xf32> -> vector<1x200xf32>
    %dot_general3A_438 = arith.constant dense<0.000000e+00> : vector<16x1xf32>
    %dot_general3A_439 = tpu.matmul %div3A_435, %dot_general3A_437, %dot_general3A_438 {dimension_numbers = #tpu.dot_dimension_numbers<[1], [1], [0], [0], [0, 0, 1, 0], [], []>, transpose_lhs_hint = false} : vector<16x200xf32>, vector<1x200xf32>, vector<16x1xf32> -> vector<16x1xf32>
    %add3A_440 = arith.addf %dot_general3A_57, %dot_general3A_439 : vector<16x1xf32>
    %add3A_441 = vector.broadcast %add3A : f32 to vector<16x1xf32>
    %add3A_442 = arith.addf %add3A_440, %add3A_441 : vector<16x1xf32>
    %logistic3A_443 = arith.negf %add3A_442 : vector<16x1xf32>
    %logistic3A_444 = math.exp %logistic3A_443 : vector<16x1xf32>
    %logistic3A_445 = arith.constant 1.000000e+00 : f32
    %logistic3A_446 = vector.broadcast %logistic3A_445 : f32 to vector<16x1xf32>
    %logistic3A_447 = arith.addf %logistic3A_446, %logistic3A_444 : vector<16x1xf32>
    %logistic3A_448 = arith.divf %logistic3A_446, %logistic3A_447 : vector<16x1xf32>
    %add3A_449 = arith.addf %add3A_334, %logistic3A_448 : vector<16x1xf32>
    %mul3A_450 = arith.constant 2.500000e-01 : f32
    %mul3A_451 = vector.broadcast %mul3A_450 : f32 to vector<16x1xf32>
    %mul3A_452 = arith.mulf %logistic3A_448, %mul3A_451 : vector<16x1xf32>
    %mul3A_453 = vector.broadcast %mul3A_452 : vector<16x1xf32> to vector<16x200xf32>
    %mul3A_454 = arith.mulf %mul3A_453, %div3A_435 : vector<16x200xf32>
    %slice3A_455 = vector.extract_strided_slice %mul3A_454 {offsets = [0, 0], sizes = [16, 100], strides = [1, 1]} : vector<16x200xf32> to vector<16x100xf32>
    %swap3A_456 = arith.constant 0 : index
    %swap3A_457 = arith.constant 0 : index
    %swap3A_458 = arith.constant 6 : index
    %swap3A_459 = arith.constant 0 : index
    %swap3A_460 = vector.load %arg15[%swap3A_456, %swap3A_457, %swap3A_458, %swap3A_459] : memref<1x16x8x100xf32, #tpu.memory_space<vmem>>, vector<1x16x1x100xf32>
    %swap3A_461 = vector.shape_cast %swap3A_460 : vector<1x16x1x100xf32> to vector<16x100xf32>
    %swap3A_462 = vector.shape_cast %slice3A_455 : vector<16x100xf32> to vector<1x16x1x100xf32>
    tpu.vector_store %arg15[%swap3A_456, %swap3A_457, %swap3A_458, %swap3A_459], %swap3A_462 {strides = array<i32>} : memref<1x16x8x100xf32, #tpu.memory_space<vmem>>, vector<1x16x1x100xf32>,
    %slice3A_463 = vector.extract_strided_slice %mul3A_454 {offsets = [0, 100], sizes = [16, 100], strides = [1, 1]} : vector<16x200xf32> to vector<16x100xf32>
    %swap3A_464 = arith.constant 0 : index
    %swap3A_465 = arith.constant 0 : index
    %swap3A_466 = arith.constant 7 : index
    %swap3A_467 = arith.constant 0 : index
    %swap3A_468 = vector.load %arg15[%swap3A_464, %swap3A_465, %swap3A_466, %swap3A_467] : memref<1x16x8x100xf32, #tpu.memory_space<vmem>>, vector<1x16x1x100xf32>
    %swap3A_469 = vector.shape_cast %swap3A_468 : vector<1x16x1x100xf32> to vector<16x100xf32>
    %swap3A_470 = vector.shape_cast %slice3A_463 : vector<16x100xf32> to vector<1x16x1x100xf32>
    tpu.vector_store %arg15[%swap3A_464, %swap3A_465, %swap3A_466, %swap3A_467], %swap3A_470 {strides = array<i32>} : memref<1x16x8x100xf32, #tpu.memory_space<vmem>>, vector<1x16x1x100xf32>,
    %iota3A_471 = tpu.iota {dimensions = array<i32: 0>} : vector<16x200xi32>
    %jit3A_472 = arith.constant 2 : i32
    %eq3A_473 = arith.constant 0 : i32
    %eq3A_474 = arith.cmpi eq, %jit3A_472, %eq3A_473 : i32
    %jit3A_475 = arith.constant 1 : i32
    %select_n3A_476 = arith.select %eq3A_474, %jit3A_475, %jit3A_472 : i32
    %rem3A_477 = arith.remsi %arg0, %select_n3A_476 : i32
    %ne3A_478 = arith.constant 0 : i32
    %ne3A_479 = arith.cmpi ne, %rem3A_477, %ne3A_478 : i32
    %lt3A_480 = arith.constant 0 : i32
    %lt3A_481 = arith.cmpi slt, %rem3A_477, %lt3A_480 : i32
    %lt3A_482 = arith.constant 0 : i32
    %lt3A_483 = arith.cmpi slt, %select_n3A_476, %lt3A_482 : i32
    %ne3A_484 = arith.xori %lt3A_481, %lt3A_483 : i1
    %and3A_485 = arith.andi %ne3A_484, %ne3A_479 : i1
    %add3A_486 = arith.addi %rem3A_477, %select_n3A_476 : i32
    %select_n3A_487 = arith.select %and3A_485, %add3A_486, %rem3A_477 : i32
    %mul3A_488 = arith.constant 514048 : i32
    %mul3A_489 = arith.muli %select_n3A_487, %mul3A_488 : i32
    %mul3A_490 = arith.constant 32128 : i32
    %mul3A_491 = vector.broadcast %mul3A_490 : i32 to vector<16x200xi32>
    %mul3A_492 = arith.muli %iota3A_471, %mul3A_491 : vector<16x200xi32>
    %add3A_493 = vector.broadcast %mul3A_489 : i32 to vector<16x200xi32>
    %add3A_494 = arith.addi %add3A_493, %mul3A_492 : vector<16x200xi32>
    %add3A_495 = vector.broadcast %slice3A_404 : vector<1x200xi32> to vector<16x200xi32>
    %add3A_496 = arith.addi %add3A_494, %add3A_495 : vector<16x200xi32>
    %slice3A_497 = vector.extract_strided_slice %add3A_496 {offsets = [0, 0], sizes = [16, 100], strides = [1, 1]} : vector<16x200xi32> to vector<16x100xi32>
    %swap3A_498 = arith.constant 0 : index
    %swap3A_499 = arith.constant 0 : index
    %swap3A_500 = arith.constant 6 : index
    %swap3A_501 = arith.constant 0 : index
    %swap3A_502 = vector.load %arg16[%swap3A_498, %swap3A_499, %swap3A_500, %swap3A_501] : memref<1x16x8x100xi32, #tpu.memory_space<vmem>>, vector<1x16x1x100xi32>
    %swap3A_503 = vector.shape_cast %swap3A_502 : vector<1x16x1x100xi32> to vector<16x100xi32>
    %swap3A_504 = vector.shape_cast %slice3A_497 : vector<16x100xi32> to vector<1x16x1x100xi32>
    tpu.vector_store %arg16[%swap3A_498, %swap3A_499, %swap3A_500, %swap3A_501], %swap3A_504 {strides = array<i32>} : memref<1x16x8x100xi32, #tpu.memory_space<vmem>>, vector<1x16x1x100xi32>,
    %slice3A_505 = vector.extract_strided_slice %add3A_496 {offsets = [0, 100], sizes = [16, 100], strides = [1, 1]} : vector<16x200xi32> to vector<16x100xi32>
    %swap3A_506 = arith.constant 0 : index
    %swap3A_507 = arith.constant 0 : index
    %swap3A_508 = arith.constant 7 : index
    %swap3A_509 = arith.constant 0 : index
    %swap3A_510 = vector.load %arg16[%swap3A_506, %swap3A_507, %swap3A_508, %swap3A_509] : memref<1x16x8x100xi32, #tpu.memory_space<vmem>>, vector<1x16x1x100xi32>
    %swap3A_511 = vector.shape_cast %swap3A_510 : vector<1x16x1x100xi32> to vector<16x100xi32>
    %swap3A_512 = vector.shape_cast %slice3A_505 : vector<16x100xi32> to vector<1x16x1x100xi32>
    tpu.vector_store %arg16[%swap3A_506, %swap3A_507, %swap3A_508, %swap3A_509], %swap3A_512 {strides = array<i32>} : memref<1x16x8x100xi32, #tpu.memory_space<vmem>>, vector<1x16x1x100xi32>,
    %mul3A_513 = arith.constant 2.500000e-01 : f32
    %mul3A_514 = vector.broadcast %mul3A_513 : f32 to vector<16x1xf32>
    %mul3A_515 = arith.mulf %add3A_449, %mul3A_514 : vector<16x1xf32>
    %sub3A_516 = arith.constant 1.000000e+00 : f32
    %sub3A_517 = vector.broadcast %sub3A_516 : f32 to vector<16x1xf32>
    %sub3A_518 = arith.subf %sub3A_517, %mul3A_515 : vector<16x1xf32>
    %get3A_519 = arith.constant 0 : index
    %get3A_520 = arith.constant 0 : index
    %get3A_521 = arith.constant 0 : index
    %get3A_522 = vector.load %arg4[%get3A_519, %get3A_520, %get3A_521] : memref<1x16x32128xf32, #tpu.memory_space<vmem>>, vector<1x16x32128xf32>
    %get3A_523 = vector.shape_cast %get3A_522 : vector<1x16x32128xf32> to vector<16x32128xf32>
    %reduce_max3A_524 = arith.constant dense<0xFF800000> : vector<16xf32>
    %reduce_max3A_525 = vector.multi_reduction <maximumf>, %get3A_523, %reduce_max3A_524 [1] : vector<16x32128xf32> to vector<16xf32>
    %broadcast_in_dim3A_526 = vector.shape_cast %reduce_max3A_525 : vector<16xf32> to vector<16x1xf32>
    %sub3A_527 = vector.broadcast %broadcast_in_dim3A_526 : vector<16x1xf32> to vector<16x32128xf32>
    %sub3A_528 = arith.subf %get3A_523, %sub3A_527 : vector<16x32128xf32>
    %exp3A_529 = math.exp %sub3A_528 : vector<16x32128xf32>
    %reduce_sum3A_530 = arith.constant dense<0.000000e+00> : vector<16xf32>
    %reduce_sum3A_531 = vector.multi_reduction <add>, %exp3A_529, %reduce_sum3A_530 [1] : vector<16x32128xf32> to vector<16xf32>
    %broadcast_in_dim3A_532 = vector.shape_cast %reduce_sum3A_531 : vector<16xf32> to vector<16x1xf32>
    %div3A_533 = arith.divf %sub3A_518, %broadcast_in_dim3A_532 : vector<16x1xf32>
    %mul3A_534 = vector.broadcast %div3A_533 : vector<16x1xf32> to vector<16x32128xf32>
    %mul3A_535 = arith.mulf %mul3A_534, %exp3A_529 : vector<16x32128xf32>
    %swap3A_536 = arith.constant 0 : index
    %swap3A_537 = arith.constant 0 : index
    %swap3A_538 = arith.constant 0 : index
    %swap3A_539 = vector.load %arg14[%swap3A_536, %swap3A_537, %swap3A_538] : memref<1x16x32128xf32, #tpu.memory_space<vmem>>, vector<1x16x32128xf32>
    %swap3A_540 = vector.shape_cast %swap3A_539 : vector<1x16x32128xf32> to vector<16x32128xf32>
    %swap3A_541 = vector.shape_cast %mul3A_535 : vector<16x32128xf32> to vector<1x16x32128xf32>
    tpu.vector_store %arg14[%swap3A_536, %swap3A_537, %swap3A_538], %swap3A_541 {strides = array<i32>} : memref<1x16x32128xf32, #tpu.memory_space<vmem>>, vector<1x16x32128xf32>,
    return
  }
  func.func @transform_0(%arg0: i32) -> (i32, i32, i32) {
    %c0_i32 = arith.constant 0 : i32
    %c0_i32_0 = arith.constant 0 : i32
    %c0_i32_1 = arith.constant 0 : i32
    return %arg0, %c0_i32, %c0_i32_0 : i32, i32, i32
  }
  func.func @transform_1(%arg0: i32) -> (i32, i32, i32, i32) {
    %c0_i32 = arith.constant 0 : i32
    %c0_i32_0 = arith.constant 0 : i32
    %c0_i32_1 = arith.constant 0 : i32
    %c0_i32_2 = arith.constant 0 : i32
    return %arg0, %c0_i32, %c0_i32_0, %c0_i32_1 : i32, i32, i32, i32
  }
  func.func @transform_2(%arg0: i32) -> (i32, i32, i32) {
    %c0_i32 = arith.constant 0 : i32
    %c0_i32_0 = arith.constant 0 : i32
    %c0_i32_1 = arith.constant 0 : i32
    return %arg0, %c0_i32, %c0_i32_0 : i32, i32, i32
  }
  func.func @transform_3(%arg0: i32) -> (i32, i32, i32) {
    %c0_i32 = arith.constant 0 : i32
    %c0_i32_0 = arith.constant 0 : i32
    %c0_i32_1 = arith.constant 0 : i32
    return %arg0, %c0_i32, %c0_i32_0 : i32, i32, i32
  }
  func.func @transform_4(%arg0: i32) -> (i32, i32) {
    %c0_i32 = arith.constant 0 : i32
    %c0_i32_0 = arith.constant 0 : i32
    %c0_i32_1 = arith.constant 0 : i32
    return %c0_i32, %c0_i32_0 : i32, i32
  }
  func.func @transform_5(%arg0: i32) -> (i32, i32) {
    %c0_i32 = arith.constant 0 : i32
    %c0_i32_0 = arith.constant 0 : i32
    %c0_i32_1 = arith.constant 0 : i32
    return %c0_i32, %c0_i32_0 : i32, i32
  }
  func.func @transform_6(%arg0: i32) -> (i32, i32) {
    %c0_i32 = arith.constant 0 : i32
    %c0_i32_0 = arith.constant 0 : i32
    %c0_i32_1 = arith.constant 0 : i32
    return %c0_i32, %c0_i32_0 : i32, i32
  }
  func.func @transform_7(%arg0: i32) -> (i32, i32) {
    %c0_i32 = arith.constant 0 : i32
    %c0_i32_0 = arith.constant 0 : i32
    %c0_i32_1 = arith.constant 0 : i32
    return %c0_i32, %c0_i32_0 : i32, i32
  }
  func.func @transform_8(%arg0: i32) -> (i32, i32) {
    %c0_i32 = arith.constant 0 : i32
    %c0_i32_0 = arith.constant 0 : i32
    %c0_i32_1 = arith.constant 0 : i32
    return %c0_i32, %c0_i32_0 : i32, i32
  }
  func.func @transform_9(%arg0: i32) -> (i32, i32) {
    %c0_i32 = arith.constant 0 : i32
    %c0_i32_0 = arith.constant 0 : i32
    %c0_i32_1 = arith.constant 0 : i32
    return %c0_i32, %c0_i32_0 : i32, i32
  }
  func.func @transform_10(%arg0: i32) -> (i32, i32) {
    %c0_i32 = arith.constant 0 : i32
    %c0_i32_0 = arith.constant 0 : i32
    %c0_i32_1 = arith.constant 0 : i32
    return %c0_i32, %c0_i32_0 : i32, i32
  }
  func.func @transform_11(%arg0: i32) -> (i32, i32) {
    %c0_i32 = arith.constant 0 : i32
    %c0_i32_0 = arith.constant 0 : i32
    %c0_i32_1 = arith.constant 0 : i32
    return %c0_i32, %c0_i32_0 : i32, i32
  }
  func.func @transform_12(%arg0: i32) -> (i32, i32) {
    %c0_i32 = arith.constant 0 : i32
    %c0_i32_0 = arith.constant 0 : i32
    %c0_i32_1 = arith.constant 0 : i32
    return %c0_i32, %c0_i32_0 : i32, i32
  }
  func.func @transform_13(%arg0: i32) -> (i32, i32, i32) {
    %c0_i32 = arith.constant 0 : i32
    %c0_i32_0 = arith.constant 0 : i32
    %c0_i32_1 = arith.constant 0 : i32
    return %arg0, %c0_i32, %c0_i32_0 : i32, i32, i32
  }
  func.func @transform_14(%arg0: i32) -> (i32, i32, i32, i32) {
    %c0_i32 = arith.constant 0 : i32
    %c0_i32_0 = arith.constant 0 : i32
    %c0_i32_1 = arith.constant 0 : i32
    %c0_i32_2 = arith.constant 0 : i32
    return %arg0, %c0_i32, %c0_i32_0, %c0_i32_1 : i32, i32, i32, i32
  }
  func.func @transform_15(%arg0: i32) -> (i32, i32, i32, i32) {
    %c0_i32 = arith.constant 0 : i32
    %c0_i32_0 = arith.constant 0 : i32
    %c0_i32_1 = arith.constant 0 : i32
    %c0_i32_2 = arith.constant 0 : i32
    return %arg0, %c0_i32, %c0_i32_0, %c0_i32_1 : i32, i32, i32, i32
  }
}

</mosaic_0001>

<sc_bundles>
// kernel: sc_scatter.3.cloned.1.call-start
scs
__scs_entry_jumppad:
0x0: {  	(pc) =	sbr.rel $0x88, $3  }
0x1: {  	(tag) =	ssettag $0x0;
	lr =	simm.s32 $0x1  }
0x2: {  	[smem:$0x3F93] =	sst lr;
	_ =	strace $0xD0000000  }
0x3: {  	_ = 	snop  }
0x4: {  	_ = 	snop  }
0x5: {  	_ = 	snop  }
0x6: {  	_ = 	snop  }
0x7: {  	_ = 	snop  }
__scs_overlays_trampoline_lowered:
0x8: {  	[smem:$0x3FA2] =	sst s0  }
0x9: {  	[smem:$0x3FA3] =	sst s1  }
0xa: {  	[smem:$0x3FA4] =	sst s2  }
0xb: {  	[smem:$0x3FA5] =	sst s3  }
0xc: {  	[smem:$0x3FA6] =	sst s4  }
0xd: {  	[smem:$0x3FA7] =	sst s5  }
0xe: {  	[smem:$0x3FA8] =	sst s6  }
0xf: {  	[smem:$0x3FA9] =	sst s7  }
0x10: {  	[smem:$0x3FAA] =	sst s8  }
0x11: {  	[smem:$0x3FAB] =	sst s9;
	s0 =	simm.s32 @!p0 $0x0  }
0x12: {  	s1 =	sld [smem:$0x3F91];
	s0 =	simm.s32 @p0 $0x1  }
0x13: {  	[smem:$0x3FAC] =	sst s0;
	s0 =	simm.s32 @!p1 $0x0  }
0x14: {  	s2 =	sld [smem:$0x3F90];
	s0 =	simm.s32 @p1 $0x1  }
0x15: {  	[smem:$0x3FAD] =	sst s0;
	s0 =	simm.s32 @!p2 $0x0  }
0x16: {  	s3 =	sld [smem:$0x3FDB];
	s0 =	simm.s32 @p2 $0x1  }
0x17: {  	s4 =	simm.s32 $0x1BF5;
	[smem:$0x3FAF] =	sst s0  }
0x18: {  	s0 =	sld [smem:$0x3F92];
	_ =	swait.ge [sflag:s4], $0x0  }
0x19: {  	s7 =	sld [smem:$0x3F93]  }
0x1a: {  	s8 =	sadd.s32 $0xFFFFE003, lr  }
0x1b: {  	s9 =	sadd.s32 $0xFFFFFEF7, lr;
	s5 =	simm.s32 $0xFFFFFFFF;
	p2 =	slt.u32 s8, $0xFFFFF086  }
0x1c: {  	p1 =	slt.u32 s9, $0xF7A;
	s5 =	simm.s32 @!p2 $0x0  }
0x1d: {  	s5 =	simm.s32 @p1 $0x1;
	p0 =	seq.s32 s7, s2  }
0x1e: {  	s7 =	smul.u32 @!p0 $0xF7A, s2;
	p2 =	seq.s32 @!p0 s5, $0x0  }
0x1f: {  	s9 =	smul.u32 $0xF7A, s1;
	s8 =	simm.s32 @!p0 $0x1BF5;
	p2 =	por !p2, p0  }
0x20: {  	[sflag:s8] =	ssyncset.s32 @!p0 $0xFFFFF086;
	s6 =	sadd.s32 @!p0 s3, s7;
	s7 =	simm.s32 @!p0 $0x108  }
0x21: {  	s3 =	sadd.s32 s3, s9;
	s6 =	sadd.s32 @!p0 $0x88, s6;
	s7 =	simm.s32 @p2 $0x1082  }
0x22: {  	[simem:s7], [sflag:s8] =	dma.local @!p0 [hbm:s6], $0xF7A  }
0x23: {  	s9 =	sor.u32 $0xD0000000, s2;
	s6 =	simm.s32 $0x108;
	_ =	swait.ge @!p0 [sflag:s8], $0x0  }
0x24: {  	s3 =	sadd.s32 $0x88, s3;
	s6 =	simm.s32 @!p1 $0x1082;
	[sflag:s4] =	ssyncset.s32 $0xFFFFF086  }
0x25: {  	[simem:s6], [sflag:s4] =	dma.local [hbm:s3], $0xF7A  }
0x26: {  	[smem:$0x3F93] =	sst s1;
	(tag) =	ssettag s2;
	_ =	strace s9  }
0x27: {  	s1 =	sld [smem:$0x3FA3]  }
0x28: {  	s2 =	sld [smem:$0x3FA4]  }
0x29: {  	s4 =	sld [smem:$0x3FA6]  }
0x2a: {  	p0 =	seq.s32 s5, $0x0;
	s5 =	sld [smem:$0x3FA7]  }
0x2b: {  	s6 =	sld [smem:$0x3FA8]  }
0x2c: {  	s7 =	sld [smem:$0x3FA9]  }
0x2d: {  	s3 =	simm.s32 $0x108;
	s8 =	sld [smem:$0x3FAA]  }
0x2e: {  	s3 =	simm.s32 @!p0 $0x1082;
	s9 =	sld [smem:$0x3FAB]  }
0x2f: {  	lr =	sadd.s32 s0, s3;
	s0 =	sld [smem:$0x3FA2]  }
0x30: {  	s3 =	sld [smem:$0x3FA5]  }
0x31: {  	[smem:$0x3FAE] =	sst s10  }
0x32: {  	s10 =	sld [smem:$0x3FAC];
	_ =	sdelay $0x3  }
0x33: {  	p0 =	seq.s32 s10, $0x1;
	s10 =	sld [smem:$0x3FAE];
	_ =	sdelay $0x3  }
0x34: {  	[smem:$0x3FAE] =	sst s10  }
0x35: {  	s10 =	sld [smem:$0x3FAD];
	_ =	sdelay $0x3  }
0x36: {  	p1 =	seq.s32 s10, $0x1;
	s10 =	sld [smem:$0x3FAE];
	_ =	sdelay $0x3  }
0x37: {  	[smem:$0x3FAE] =	sst s10  }
0x38: {  	s10 =	sld [smem:$0x3FAF]  }
0x39: {  	_ = 	snop;
	(pc) =	sbr.ind lr, $3  }
0x3a: {  	_ = 	snop  }
0x3b: {  	_ = 	snop  }
0x3c: {  	p2 =	seq.s32 s10, $0x1;
	s10 =	sld [smem:$0x3FAE]  }
0x3d: {  	_ =	shalt  }
0x3e: {  	_ =	shalt  }
0x3f: {  	_ =	shalt  }
0x40: {  	_ =	shalt  }
0x41: {  	_ =	shalt  }
0x42: {  	_ =	shalt  }
0x43: {  	_ =	shalt  }
0x44: {  	_ =	shalt  }
0x45: {  	_ =	shalt  }
0x46: {  	_ =	shalt  }
0x47: {  	_ =	shalt  }
0x48: {  	_ =	shalt  }
0x49: {  	_ =	shalt  }
0x4a: {  	_ =	shalt  }
0x4b: {  	_ =	shalt  }
0x4c: {  	_ =	shalt  }
0x4d: {  	_ =	shalt  }
0x4e: {  	_ =	shalt  }
0x4f: {  	_ =	shalt  }
0x50: {  	_ =	shalt  }
0x51: {  	_ =	shalt  }
0x52: {  	_ =	shalt  }
0x53: {  	_ =	shalt  }
0x54: {  	_ =	shalt  }
0x55: {  	_ =	shalt  }
0x56: {  	_ =	shalt  }
0x57: {  	_ =	shalt  }
0x58: {  	_ =	shalt  }
0x59: {  	_ =	shalt  }
0x5a: {  	_ =	shalt  }
0x5b: {  	_ =	shalt  }
0x5c: {  	_ =	shalt  }
0x5d: {  	_ =	shalt  }
0x5e: {  	_ =	shalt  }
0x5f: {  	_ =	shalt  }
0x60: {  	_ =	shalt  }
0x61: {  	_ =	shalt  }
0x62: {  	_ =	shalt  }
0x63: {  	_ =	shalt  }
0x64: {  	_ =	shalt  }
0x65: {  	_ =	shalt  }
0x66: {  	_ =	shalt  }
0x67: {  	_ =	shalt  }
0x68: {  	_ =	shalt  }
0x69: {  	_ =	shalt  }
0x6a: {  	_ =	shalt  }
0x6b: {  	_ =	shalt  }
0x6c: {  	_ =	shalt  }
0x6d: {  	_ =	shalt  }
0x6e: {  	_ =	shalt  }
0x6f: {  	_ =	shalt  }
0x70: {  	_ =	shalt  }
0x71: {  	_ =	shalt  }
0x72: {  	_ =	shalt  }
0x73: {  	_ =	shalt  }
0x74: {  	_ =	shalt  }
0x75: {  	_ =	shalt  }
0x76: {  	_ =	shalt  }
0x77: {  	_ =	shalt  }
0x78: {  	_ =	shalt  }
0x79: {  	_ =	shalt  }
0x7a: {  	_ =	shalt  }
0x7b: {  	_ =	shalt  }
0x7c: {  	_ =	shalt  }
0x7d: {  	_ =	shalt  }
0x7e: {  	_ =	shalt  }
0x7f: {  	_ =	shalt  }
0x80: {  	_ =	shalt  }
0x81: {  	_ =	shalt  }
0x82: {  	_ =	shalt  }
0x83: {  	_ =	shalt  }
0x84: {  	_ =	shalt  }
0x85: {  	_ =	shalt  }
0x86: {  	_ =	shalt  }
0x87: {  	_ =	shalt  }
.Lfunc_end0:
.L_simem_size_0:
called_computation_lowered:
.L_overlay_start_0:
0x88: {  	s2 =	sld [smem:$0x3FD9]  }
0x89: {  	s3 =	sld [smem:$0x3FFE];
	_ =	sdelay $0x1  }
0x8a: {  	s1 =	srdreg.scid  }
0x8b: {  	s0 =	sand.u32 $0x1, s1  }
0x8c: {  	s17 =	sshll.u32 s0, $0xA;
	s2 =	sadd.s32 s3, s2  }
0x8d: {  	s2 =	sadd.s32 s2, s17  }
0x8e: {  	[smem:$0x3FBA] =	sst s2  }
0x8f: {  	_ = 	snop  }
0x90: {  	s2 =	sld [smem:$0x3FD0];
	(tm) =	ssettm $0x1  }
0x91: {  	s18 =	sld [smem:$0x3FFB];
	_ =	sdelay $0x3  }
0x92: {  	_ =	strace s18  }
0x93: {  	s3 =	sld [smem:$0x3FFC];
	_ =	sdelay $0x3  }
0x94: {  	_ =	strace s3  }
0x95: {  	s3 =	sld [smem:$0x3FFD];
	_ =	sdelay $0x3  }
0x96: {  	_ =	strace s3  }
0x97: {  	_ =	strace $0x8FFFFFFF  }
0x98: {  	s19 =	sld [smem:$0x3FDB];
	_ =	sdelay $0x1  }
0x99: {  	s4 =	simm.s32 $_scs_section_size  }
0x9a: {  	s5 =	simm.s32 $_size__tile_overlayer_lowered;
	s6 =	simm.s32 $_tile_overlayer_lowered  }
0x9b: {  	s22 =	simm.s32 $0x1BFF;
	s21 =	sshll.u32 s6, $0x1;
	s3 =	sadd.s32 s4, s19  }
0x9c: {  	s7 =	simm.s32 $0x0;
	s20 =	sshll.u32 s5, $0x1;
	s5 =	sadd.s32 s21, s3  }
0x9d: {  	[timem:s7], [sflag:s22] =	dma.local [hbm:s5], s20  }
0x9e: {  	_ =	swait.ge [sflag:s22], s20  }
0x9f: {  	s4 =	ssub.s32 $0x0, s20;
	[sflag:s22] =	ssyncset.done $0x0  }
0xa0: {  	[sflag:s22] =	ssyncadd.s32 s4;
	_ =	sdelay $0x1  }
0xa1: {  	s23 =	simm.s32 $0x1B8B  }
0xa2: {  	_ =	swait.ge [sflag:s23], $0x1  }
0xa3: {  	[sflag:s23] =	ssyncset.done $0x0  }
0xa4: {  	s25 =	simm.s32 $0x1B8E;
	s24 =	sld [smem:$0x3FFE];
	[sflag:s23] =	ssyncadd.s32 $0xFFFFFFFF  }
0xa5: {  	s26 =	simm.s32 $execute0_lowered;
	[smem:$0x3FD2] =	sst s25  }
0xa6: {  	s5 =	sshll.u32 s26, $0x1;
	_ =	strace $0x80000046;
	[dreg:$0x1] =	wrdreg $0xFFFFFFFF  }
0xa7: {  	s28 =	simm.s32 $_size_execute0_lowered;
	s3 =	sadd.s32 s3, s5;
	[dreg:$0x0] =	wrdreg $0x0  }
0xa8: {  	s5 =	sshll.u32 s28, $0x1;
	[dreg:$0x2] =	wrdreg s3  }
0xa9: {  	[dreg:$0x3] =	wrdreg s5  }
0xaa: {  	[dreg:$0x4] =	wrdreg $0xC0  }
0xab: {  	_ =	task [dreg:s7], $0x5FFFF  }
0xac: {  	[dreg:$0x1] =	wrdreg $0xFFFFFFFF  }
0xad: {  	[dreg:$0x0] =	wrdreg $0x60  }
0xae: {  	[dreg:$0x2] =	wrdreg s24  }
0xaf: {  	[dreg:$0x3] =	wrdreg s2  }
0xb0: {  	[dreg:$0x4] =	wrdreg $0x0  }
0xb1: {  	[dreg:$0x5] =	wrdreg $0x9  }
0xb2: {  	_ =	task.clear_ibuf [dreg:s7], $0x6FFFF;
	_ =	strace $0x90000046  }
0xb3: {  	s29 =	simm.s32 $0x9;
	_ =	strace $0x80000048  }
0xb4: {  	_ =	swait.ge [sflag:s29], $0x1  }
0xb5: {  	[sflag:s29] =	ssyncadd.s32 $0xFFFFFFFF  }
0xb6: {  	_ =	strace $0x90000048  }
0xb7: {  	_ =	sfence  }
0xb8: {  	s30 =	sld [smem:$0x0];
	_ =	sdelay $0x2  }
0xb9: {  	s31 =	sshll.u32 s1, $0xD;
	s1 =	sshrl.u32 s1, $0x2  }
0xba: {  	s3 =	sand.u32 $0x4000, s31;
	s1 =	sadd.s32 s1, s30  }
0xbb: {  	s0 =	sor.u32 s3, s0;
	s1 =	sshll.u32 s1, $0x11  }
0xbc: {  	s0 =	sor.u32 s1, s0  }
0xbd: {  	s0 =	sadd.s32 $0x8F2B, s0  }
0xbe: {  	[sflag:s0] =	ssyncadd.remote.s32 $0x1  }
0xbf: {  	_ =	sfence.sel $0xFFFF  }
0xc0: {  	[dreg:$0x0] =	wrdreg $0xFFFFFFFF;
	(pc) =	sbr.abs _section_cstart, $3  }
0xc1: {  	[dreg:$0x1] =	wrdreg $0xFFFFFFFF  }
0xc2: {  	_ =	task.clear_ibuf [dreg:s7], $0x2FFFF;
	_ =	strace $0x9FFFFFFF  }
0xc3: {  	(tm) =	ssettm $0x7FFFFFFF  }
tec
execute0_lowered:
.L_overlay_start_1:
0x0: {  	(tag) =	ssettag $0x1  }
0x1: {  	s1 =	rddreg [dreg:$0x0]  }
0x2: {  	s0 =	rddreg [dreg:$0x1]  }
0x3: {  	s2 =	rddreg [dreg:$0x2];
	s8 =	simm.s32 $0x0  }
0x4: {  	s4 =	srdreg.scid;
	s18 =	stileid.u32;
	p0 =	por $0x0, $0x0  }
0x5: {  	[smem:$0x7FF] =	sst s8;
	s3 =	sadd.s32 $0x1E00, s1;
	s5 =	sadd.s32 $0x83600, s1  }
0x6: {  	s4 =	sand.u32 $0x1, s4;
	s6 =	sand.u32 $0x7, s18;
	s7 =	sshrl.u32 s18, $0x3  }
0x7: {  	s1 =	sadd.s32 $0x7F600, s1;
	s13 =	sshll.u32 s18, $0x8;
	s28 =	sshll.u32 s18, $0x6  }
0x8: {  	_ =	strace $0x80000047;
	s9 =	sshll.u32 s4, $0x2;
	s10 =	sshrl.u32 s6, $0x2  }
0x9: {  	s4 =	ssub.s32 $0x2, s4;
	s31 =	sshll.u32 s6, $0xB;
	s6 =	sshll.u32 s6, $0x1  }
0xa: {  	s13 =	sand.u32 $0x300, s13;
	s9 =	sor.u32 s7, s9;
	s10 =	smul.u32 $0x3EC00, s10  }
0xb: {  	s11 =	sshrl.u32 s4, $0x1;
	s7 =	sshll.u32 s7, $0x4;
	s15 =	sor.u32 $0x80, s13  }
0xc: {  	s12 =	smul.u32 $0x7D800, s9;
	s16 =	sshll.u32 s9, $0xE;
	s9 =	sor.u32 $0x2, s9  }
0xd: {  	s4 =	ssub.s32 s4, s11;
	s6 =	sor.u32 s6, s7;
	s21 =	smul.u32 $0x7D800, s9  }
0xe: {  	s16 =	sor.u32 s31, s16;
	s6 =	smul.u32 $0x1F600, s6;
	s9 =	sshll.u32 s9, $0xE  }
0xf: {  	s12 =	sadd.s32 s10, s12;
	s16 =	sshrl.u32 s16, $0x3;
	s9 =	sor.u32 s31, s9  }
0x10: {  	s31 =	smax.u32 s4, $0x1;
	s4 =	simm.s32 $0x1;
	s14 =	sor.u32 s13, s12  }
0x11: {  	s12 =	sor.u32 s15, s12;
	s20 =	sadd.s32 s5, s16;
	s16 =	sadd.s32 s1, s16  }
0x12: {  	s10 =	sadd.s32 s10, s21;
	s9 =	sshrl.u32 s9, $0x3;
	s6 =	sshrl.u32 s6, $0x2  }
0x13: {  	p1 =	sne.s32 s31, $0x1;
	s14 =	sshrl.u32 s14, $0x3;
	[dreg:$0x6] =	wrdreg s20  }
0x14: {  	s12 =	sshrl.u32 s12, $0x3;
	[dreg:$0x7] =	wrdreg s16;
	s26 =	sadd.s32 s5, s9  }
0x15: {  	s24 =	sor.u32 s13, s10;
	s1 =	sadd.s32 s1, s9;
	[dreg:$0xc] =	wrdreg s26  }
0x16: {  	s10 =	sor.u32 s15, s10;
	s17 =	sadd.s32 s3, s14;
	[dreg:$0xd] =	wrdreg s1  }
0x17: {  	s5 =	simm.s32 $0x10;
	s19 =	sadd.s32 s3, s12;
	[dreg:$0x4] =	wrdreg s17  }
0x18: {  	s22 =	sadd.s32 s0, s14;
	s23 =	sadd.s32 s0, s12;
	[dreg:$0x5] =	wrdreg s19  }
0x19: {  	s7 =	sshrl.u32 s24, $0x3;
	s10 =	sshrl.u32 s10, $0x3;
	[dreg:$0x8] =	wrdreg s22  }
0x1a: {  	s12 =	simm.s32 $0x10300;
	[dreg:$0x9] =	wrdreg s23;
	s25 =	sadd.s32 s3, s7  }
0x1b: {  	s3 =	sadd.s32 s3, s10;
	s19 =	sadd.s32 s6, s2;
	s29 =	sadd.s32 s0, s7  }
.Ltmp0:
0x1c: {  	s0 =	sadd.s32 s0, s10;
	[dreg:$0xa] =	wrdreg s25;
	(pc) =	sbr.rel @!p1 .LBB2_5-.Ltmp0, $4  }
0x1d: {  	s6 =	simm.s32 $0x80;
	s10 =	simm.s32 $0x64;
	[dreg:$0xb] =	wrdreg s3  }
0x1e: {  	s17 =	sadd.s32 $0xFFFFFFFF, s31;
	s3 =	sor.u32 $0x1C01, s28;
	[dreg:$0xe] =	wrdreg s29  }
0x1f: {  	s30 =	sadd.s32 $0x7D80, s19;
	[dreg:$0xf] =	wrdreg s0;
	s0 =	simm.s32 $0xFB00  }
0x20: {  	s9 =	sshrl.u32 s19, $0x3;
	s24 =	rddreg [dreg:$0x4];
	s7 =	sshrl.u32 s30, $0x3  }
0x21: {  	[spmem:s9@s5], [sflag:s3] =	dma.strided [hbm:s24@s6], $0xFB0, s4, $0x10   }
0x22: {  	s24 =	rddreg [dreg:$0x5]  }
0x23: {  	[spmem:s7@s5], [sflag:s3] =	dma.strided [hbm:s24@s6], $0xFB0, s4, $0x10   }
0x24: {  	s24 =	rddreg [dreg:$0x6]  }
0x25: {  	[tilespmem:s0], [sflag:$0x1] =	stream.linear.gather [hbm4b:s24+s8], $0x800, $0x38;
	[tilespmem:$0x10B00] =	vst v63  }
0x26: {  	s23 =	rddreg [dreg:$0x7]  }
0x27: {  	[tilespmem:s12], [sflag:$0x1] =	stream.linear.gather [hbm4b:s23+s8], $0x800, $0x38;
	[tilespmem:$0x10B00] =	vst v63  }
0x28: {  	_ =	swait.ge [sflag:s4], $0xFB0  }
0x29: {  	[sflag:s4] =	ssyncset.done $0x0  }
0x2a: {  	[sflag:s4] =	ssyncadd.s32 $0xFFFFF050  }
0x2b: {  	_ =	swait.ge [sflag:s4], $0xFB0  }
0x2c: {  	[sflag:s4] =	ssyncset.done $0x0  }
0x2d: {  	[sflag:s4] =	ssyncadd.s32 $0xFFFFF050  }
0x2e: {  	_ =	swait.ge [sflag:s4], $0x800  }
0x2f: {  	[sflag:s4] =	ssyncset.done $0x0  }
0x30: {  	[sflag:s4] =	ssyncadd.s32 $0xFFFFF800  }
0x31: {  	_ =	swait.ge [sflag:s4], $0x800  }
0x32: {  	[sflag:s4] =	ssyncset.done $0x0  }
0x33: {  	[sflag:s4] =	ssyncadd.s32 $0xFFFFF800  }
0x34: {  	[spmem:s2] =	stream.indirect.scatter.add.f32 [tilespmem:s12], [sflag:$0x1], $0x1, s0, s10, $0xb8;
	[tilespmem:$0x10B00] =	vst v63  }
0x35: {  	s13 =	simm.s32 $0xFB80;
	s1 =	simm.s32 $0x10380  }
0x36: {  	[spmem:s2] =	stream.indirect.scatter.add.f32 [tilespmem:s1], [sflag:$0x1], $0x1, s13, s10, $0xb8;
	[tilespmem:$0x10B00] =	vst v63  }
0x37: {  	s14 =	simm.s32 $0xFC00;
	s15 =	simm.s32 $0x10400  }
0x38: {  	[spmem:s2] =	stream.indirect.scatter.add.f32 [tilespmem:s15], [sflag:$0x1], $0x1, s14, s10, $0xb8;
	[tilespmem:$0x10B00] =	vst v63  }
0x39: {  	s16 =	simm.s32 $0xFC80;
	s18 =	simm.s32 $0x10480  }
0x3a: {  	[spmem:s2] =	stream.indirect.scatter.add.f32 [tilespmem:s18], [sflag:$0x1], $0x1, s16, s10, $0xb8;
	[tilespmem:$0x10B00] =	vst v63  }
0x3b: {  	s19 =	simm.s32 $0xFD00;
	s20 =	simm.s32 $0x10500  }
0x3c: {  	[spmem:s2] =	stream.indirect.scatter.add.f32 [tilespmem:s20], [sflag:$0x1], $0x1, s19, s10, $0xb8;
	[tilespmem:$0x10B00] =	vst v63  }
0x3d: {  	s21 =	simm.s32 $0xFD80;
	s30 =	simm.s32 $0x10580  }
0x3e: {  	[spmem:s2] =	stream.indirect.scatter.add.f32 [tilespmem:s30], [sflag:$0x1], $0x1, s21, s10, $0xb8;
	[tilespmem:$0x10B00] =	vst v63  }
0x3f: {  	s22 =	simm.s32 $0xFE00;
	s28 =	simm.s32 $0x10600  }
0x40: {  	[spmem:s2] =	stream.indirect.scatter.add.f32 [tilespmem:s28], [sflag:$0x1], $0x1, s22, s10, $0xb8;
	[tilespmem:$0x10B00] =	vst v63  }
0x41: {  	s31 =	simm.s32 $0xFE80;
	s25 =	simm.s32 $0x10680  }
0x42: {  	[spmem:s2] =	stream.indirect.scatter.add.f32 [tilespmem:s25], [sflag:$0x1], $0x1, s31, s10, $0xb8;
	[tilespmem:$0x10B00] =	vst v63  }
0x43: {  	s29 =	simm.s32 $0xFF00;
	s22 =	simm.s32 $0x10700  }
0x44: {  	[spmem:s2] =	stream.indirect.scatter.add.f32 [tilespmem:s22], [sflag:$0x1], $0x1, s29, s10, $0xb8;
	[tilespmem:$0x10B00] =	vst v63  }
0x45: {  	s26 =	simm.s32 $0xFF80;
	s21 =	simm.s32 $0x10780  }
0x46: {  	[spmem:s2] =	stream.indirect.scatter.add.f32 [tilespmem:s21], [sflag:$0x1], $0x1, s26, s10, $0xb8;
	[tilespmem:$0x10B00] =	vst v63  }
0x47: {  	s15 =	simm.s32 $0x10800;
	s16 =	simm.s32 $0x10000  }
0x48: {  	[spmem:s2] =	stream.indirect.scatter.add.f32 [tilespmem:s15], [sflag:$0x1], $0x1, s16, s10, $0xb8;
	[tilespmem:$0x10B00] =	vst v63  }
0x49: {  	s13 =	simm.s32 $0x10880;
	s14 =	simm.s32 $0x10080  }
0x4a: {  	[spmem:s2] =	stream.indirect.scatter.add.f32 [tilespmem:s13], [sflag:$0x1], $0x1, s14, s10, $0xb8;
	[tilespmem:$0x10B00] =	vst v63  }
0x4b: {  	s11 =	simm.s32 $0x10900;
	s12 =	simm.s32 $0x10100  }
0x4c: {  	[spmem:s2] =	stream.indirect.scatter.add.f32 [tilespmem:s11], [sflag:$0x1], $0x1, s12, s10, $0xb8;
	[tilespmem:$0x10B00] =	vst v63  }
0x4d: {  	s5 =	simm.s32 $0x10980;
	s8 =	simm.s32 $0x10180  }
0x4e: {  	[spmem:s2] =	stream.indirect.scatter.add.f32 [tilespmem:s5], [sflag:$0x1], $0x1, s8, s10, $0xb8;
	[tilespmem:$0x10B00] =	vst v63  }
0x4f: {  	s24 =	simm.s32 $0x10200;
	s1 =	simm.s32 $0x10A00  }
0x50: {  	[spmem:s2] =	stream.indirect.scatter.add.f32 [tilespmem:s1], [sflag:$0x1], $0x1, s24, s10, $0xb8;
	[tilespmem:$0x10B00] =	vst v63  }
0x51: {  	s23 =	simm.s32 $0x10280;
	[dreg:$0x10] =	wrdreg s7;
	s0 =	simm.s32 $0x10A80  }
0x52: {  	[spmem:s2] =	stream.indirect.scatter.add.f32 [tilespmem:s0], [sflag:$0x1], $0x1, s23, s10, $0xb8;
	[tilespmem:$0x10B00] =	vst v63  }
0x53: {  	_ =	swait.ge [sflag:s4], $0x64  }
0x54: {  	[sflag:s4] =	ssyncset.done $0x0  }
0x55: {  	[sflag:s4] =	ssyncadd.s32 $0xFFFFFF9C  }
0x56: {  	_ =	swait.ge [sflag:s4], $0x64  }
0x57: {  	[sflag:s4] =	ssyncset.done $0x0  }
0x58: {  	[sflag:s4] =	ssyncadd.s32 $0xFFFFFF9C  }
0x59: {  	_ =	swait.ge [sflag:s4], $0x64  }
0x5a: {  	[sflag:s4] =	ssyncset.done $0x0  }
0x5b: {  	[sflag:s4] =	ssyncadd.s32 $0xFFFFFF9C  }
0x5c: {  	_ =	swait.ge [sflag:s4], $0x64  }
0x5d: {  	[sflag:s4] =	ssyncset.done $0x0  }
0x5e: {  	[sflag:s4] =	ssyncadd.s32 $0xFFFFFF9C  }
0x5f: {  	_ =	swait.ge [sflag:s4], $0x64  }
0x60: {  	[sflag:s4] =	ssyncset.done $0x0  }
0x61: {  	[sflag:s4] =	ssyncadd.s32 $0xFFFFFF9C  }
0x62: {  	_ =	swait.ge [sflag:s4], $0x64  }
0x63: {  	[sflag:s4] =	ssyncset.done $0x0  }
0x64: {  	[sflag:s4] =	ssyncadd.s32 $0xFFFFFF9C  }
0x65: {  	_ =	swait.ge [sflag:s4], $0x64  }
0x66: {  	[sflag:s4] =	ssyncset.done $0x0  }
0x67: {  	[sflag:s4] =	ssyncadd.s32 $0xFFFFFF9C  }
0x68: {  	_ =	swait.ge [sflag:s4], $0x64  }
0x69: {  	[sflag:s4] =	ssyncset.done $0x0  }
0x6a: {  	[sflag:s4] =	ssyncadd.s32 $0xFFFFFF9C  }
0x6b: {  	_ =	swait.ge [sflag:s4], $0x64  }
0x6c: {  	[sflag:s4] =	ssyncset.done $0x0  }
0x6d: {  	[sflag:s4] =	ssyncadd.s32 $0xFFFFFF9C  }
0x6e: {  	_ =	swait.ge [sflag:s4], $0x64  }
0x6f: {  	[sflag:s4] =	ssyncset.done $0x0  }
0x70: {  	[sflag:s4] =	ssyncadd.s32 $0xFFFFFF9C  }
0x71: {  	_ =	swait.ge [sflag:s4], $0x64  }
0x72: {  	[sflag:s4] =	ssyncset.done $0x0  }
0x73: {  	[sflag:s4] =	ssyncadd.s32 $0xFFFFFF9C  }
0x74: {  	_ =	swait.ge [sflag:s4], $0x64  }
0x75: {  	[sflag:s4] =	ssyncset.done $0x0  }
0x76: {  	[sflag:s4] =	ssyncadd.s32 $0xFFFFFF9C  }
0x77: {  	_ =	swait.ge [sflag:s4], $0x64  }
0x78: {  	[sflag:s4] =	ssyncset.done $0x0  }
0x79: {  	[sflag:s4] =	ssyncadd.s32 $0xFFFFFF9C  }
0x7a: {  	_ =	swait.ge [sflag:s4], $0x64  }
0x7b: {  	[sflag:s4] =	ssyncset.done $0x0  }
0x7c: {  	[sflag:s4] =	ssyncadd.s32 $0xFFFFFF9C  }
0x7d: {  	_ =	swait.ge [sflag:s4], $0x64  }
0x7e: {  	[sflag:s4] =	ssyncset.done $0x0  }
0x7f: {  	[sflag:s4] =	ssyncadd.s32 $0xFFFFFF9C  }
0x80: {  	_ =	swait.ge [sflag:s4], $0x64  }
0x81: {  	s6 =	simm.s32 $0x10;
	[sflag:s4] =	ssyncset.done $0x0  }
0x82: {  	s7 =	simm.s32 $0x80;
	s24 =	rddreg [dreg:$0x8];
	[sflag:s4] =	ssyncadd.s32 $0xFFFFFF9C  }
0x83: {  	[hbm:s24@s7], [sflag:s3] =	dma.strided [spmem:s9@s6], $0xFB0, s4, $0x10   }
0x84: {  	s23 =	rddreg [dreg:$0x9]  }
0x85: {  	s0 =	rddreg [dreg:$0x10]  }
0x86: {  	[hbm:s23@s7], [sflag:s3] =	dma.strided [spmem:s0@s6], $0xFB0, s4, $0x10   }
0x87: {  	_ =	swait.ge [sflag:s4], $0xFB0  }
0x88: {  	[sflag:s4] =	ssyncset.done $0x0  }
0x89: {  	[sflag:s4] =	ssyncadd.s32 $0xFFFFF050  }
0x8a: {  	_ =	swait.ge [sflag:s4], $0xFB0  }
0x8b: {  	[sflag:s4] =	ssyncset.done $0x0  }
0x8c: {  	s5 =	rddreg [dreg:$0xa];
	[sflag:s4] =	ssyncadd.s32 $0xFFFFF050  }
0x8d: {  	[spmem:s9@s6], [sflag:s3] =	dma.strided [hbm:s5@s7], $0xFB0, s4, $0x10   }
0x8e: {  	s23 =	rddreg [dreg:$0xb]  }
0x8f: {  	s12 =	rddreg [dreg:$0x10]  }
0x90: {  	[spmem:s12@s6], [sflag:s3] =	dma.strided [hbm:s23@s7], $0xFB0, s4, $0x10   }
0x91: {  	s18 =	simm.s32 $0x0;
	s19 =	simm.s32 $0xFB00;
	s23 =	rddreg [dreg:$0xc]  }
0x92: {  	[tilespmem:s19], [sflag:$0x1] =	stream.linear.gather [hbm4b:s23+s18], $0x800, $0x38;
	[tilespmem:$0x10B00] =	vst v63  }
0x93: {  	s20 =	simm.s32 $0x10300;
	s24 =	rddreg [dreg:$0xd]  }
0x94: {  	[tilespmem:s20], [sflag:$0x1] =	stream.linear.gather [hbm4b:s24+s18], $0x800, $0x38;
	[tilespmem:$0x10B00] =	vst v63  }
0x95: {  	s7 =	rddreg [dreg:$0x10];
	_ =	swait.ge [sflag:s4], $0xFB0  }
0x96: {  	[sflag:s4] =	ssyncset.done $0x0  }
0x97: {  	[sflag:s4] =	ssyncadd.s32 $0xFFFFF050  }
0x98: {  	_ =	swait.ge [sflag:s4], $0xFB0  }
0x99: {  	[sflag:s4] =	ssyncset.done $0x0  }
0x9a: {  	[sflag:s4] =	ssyncadd.s32 $0xFFFFF050  }
0x9b: {  	_ =	swait.ge [sflag:s4], $0x800  }
0x9c: {  	[sflag:s4] =	ssyncset.done $0x0  }
0x9d: {  	[sflag:s4] =	ssyncadd.s32 $0xFFFFF800  }
0x9e: {  	_ =	swait.ge [sflag:s4], $0x800  }
0x9f: {  	[sflag:s4] =	ssyncset.done $0x0  }
0xa0: {  	[sflag:s4] =	ssyncadd.s32 $0xFFFFF800  }
0xa1: {  	[spmem:s2] =	stream.indirect.scatter.add.f32 [tilespmem:s20], [sflag:$0x1], $0x1, s19, s10, $0xb8;
	[tilespmem:$0x10B00] =	vst v63  }
0xa2: {  	s19 =	simm.s32 $0x10380;
	s20 =	simm.s32 $0xFB80  }
0xa3: {  	[spmem:s2] =	stream.indirect.scatter.add.f32 [tilespmem:s19], [sflag:$0x1], $0x1, s20, s10, $0xb8;
	[tilespmem:$0x10B00] =	vst v63  }
0xa4: {  	s23 =	simm.s32 $0xFC00;
	s24 =	simm.s32 $0x10400  }
0xa5: {  	[spmem:s2] =	stream.indirect.scatter.add.f32 [tilespmem:s24], [sflag:$0x1], $0x1, s23, s10, $0xb8;
	[tilespmem:$0x10B00] =	vst v63  }
0xa6: {  	s12 =	simm.s32 $0xFC80;
	s18 =	simm.s32 $0x10480  }
0xa7: {  	[spmem:s2] =	stream.indirect.scatter.add.f32 [tilespmem:s18], [sflag:$0x1], $0x1, s12, s10, $0xb8;
	[tilespmem:$0x10B00] =	vst v63  }
0xa8: {  	s19 =	simm.s32 $0xFD00;
	s20 =	simm.s32 $0x10500  }
0xa9: {  	[spmem:s2] =	stream.indirect.scatter.add.f32 [tilespmem:s20], [sflag:$0x1], $0x1, s19, s10, $0xb8;
	[tilespmem:$0x10B00] =	vst v63  }
0xaa: {  	s23 =	simm.s32 $0xFD80  }
0xab: {  	[spmem:s2] =	stream.indirect.scatter.add.f32 [tilespmem:s30], [sflag:$0x1], $0x1, s23, s10, $0xb8;
	[tilespmem:$0x10B00] =	vst v63  }
0xac: {  	s24 =	simm.s32 $0xFE00  }
0xad: {  	[spmem:s2] =	stream.indirect.scatter.add.f32 [tilespmem:s28], [sflag:$0x1], $0x1, s24, s10, $0xb8;
	[tilespmem:$0x10B00] =	vst v63  }
0xae: {  	_ = 	snop  }
0xaf: {  	[spmem:s2] =	stream.indirect.scatter.add.f32 [tilespmem:s25], [sflag:$0x1], $0x1, s31, s10, $0xb8;
	[tilespmem:$0x10B00] =	vst v63  }
0xb0: {  	_ = 	snop  }
0xb1: {  	[spmem:s2] =	stream.indirect.scatter.add.f32 [tilespmem:s22], [sflag:$0x1], $0x1, s29, s10, $0xb8;
	[tilespmem:$0x10B00] =	vst v63  }
0xb2: {  	_ = 	snop  }
0xb3: {  	[spmem:s2] =	stream.indirect.scatter.add.f32 [tilespmem:s21], [sflag:$0x1], $0x1, s26, s10, $0xb8;
	[tilespmem:$0x10B00] =	vst v63  }
0xb4: {  	s15 =	simm.s32 $0x10800;
	s25 =	simm.s32 $0x10000  }
0xb5: {  	[spmem:s2] =	stream.indirect.scatter.add.f32 [tilespmem:s15], [sflag:$0x1], $0x1, s25, s10, $0xb8;
	[tilespmem:$0x10B00] =	vst v63  }
0xb6: {  	s13 =	simm.s32 $0x10880;
	s26 =	simm.s32 $0x10080  }
0xb7: {  	[spmem:s2] =	stream.indirect.scatter.add.f32 [tilespmem:s13], [sflag:$0x1], $0x1, s26, s10, $0xb8;
	[tilespmem:$0x10B00] =	vst v63  }
0xb8: {  	s11 =	simm.s32 $0x10900;
	s28 =	simm.s32 $0x10100  }
0xb9: {  	[spmem:s2] =	stream.indirect.scatter.add.f32 [tilespmem:s11], [sflag:$0x1], $0x1, s28, s10, $0xb8;
	[tilespmem:$0x10B00] =	vst v63  }
0xba: {  	s8 =	simm.s32 $0x10980;
	s29 =	simm.s32 $0x10180  }
0xbb: {  	[spmem:s2] =	stream.indirect.scatter.add.f32 [tilespmem:s8], [sflag:$0x1], $0x1, s29, s10, $0xb8;
	[tilespmem:$0x10B00] =	vst v63  }
0xbc: {  	s1 =	simm.s32 $0x10A00;
	s30 =	simm.s32 $0x10200  }
0xbd: {  	[spmem:s2] =	stream.indirect.scatter.add.f32 [tilespmem:s1], [sflag:$0x1], $0x1, s30, s10, $0xb8;
	[tilespmem:$0x10B00] =	vst v63  }
0xbe: {  	s16 =	simm.s32 $0x10A80;
	s14 =	simm.s32 $0x10280  }
0xbf: {  	[spmem:s2] =	stream.indirect.scatter.add.f32 [tilespmem:s16], [sflag:$0x1], $0x1, s14, s10, $0xb8;
	[tilespmem:$0x10B00] =	vst v63  }
0xc0: {  	_ =	swait.ge [sflag:s4], $0x64  }
0xc1: {  	[sflag:s4] =	ssyncset.done $0x0  }
0xc2: {  	[sflag:s4] =	ssyncadd.s32 $0xFFFFFF9C  }
0xc3: {  	_ =	swait.ge [sflag:s4], $0x64  }
0xc4: {  	[sflag:s4] =	ssyncset.done $0x0  }
0xc5: {  	[sflag:s4] =	ssyncadd.s32 $0xFFFFFF9C  }
0xc6: {  	_ =	swait.ge [sflag:s4], $0x64  }
0xc7: {  	[sflag:s4] =	ssyncset.done $0x0  }
0xc8: {  	[sflag:s4] =	ssyncadd.s32 $0xFFFFFF9C  }
0xc9: {  	_ =	swait.ge [sflag:s4], $0x64  }
0xca: {  	[sflag:s4] =	ssyncset.done $0x0  }
0xcb: {  	[sflag:s4] =	ssyncadd.s32 $0xFFFFFF9C  }
0xcc: {  	_ =	swait.ge [sflag:s4], $0x64  }
0xcd: {  	[sflag:s4] =	ssyncset.done $0x0  }
0xce: {  	[sflag:s4] =	ssyncadd.s32 $0xFFFFFF9C  }
0xcf: {  	_ =	swait.ge [sflag:s4], $0x64  }
0xd0: {  	[sflag:s4] =	ssyncset.done $0x0  }
0xd1: {  	[sflag:s4] =	ssyncadd.s32 $0xFFFFFF9C  }
0xd2: {  	_ =	swait.ge [sflag:s4], $0x64  }
0xd3: {  	[sflag:s4] =	ssyncset.done $0x0  }
0xd4: {  	[sflag:s4] =	ssyncadd.s32 $0xFFFFFF9C  }
0xd5: {  	_ =	swait.ge [sflag:s4], $0x64  }
0xd6: {  	[sflag:s4] =	ssyncset.done $0x0  }
0xd7: {  	[sflag:s4] =	ssyncadd.s32 $0xFFFFFF9C  }
0xd8: {  	_ =	swait.ge [sflag:s4], $0x64  }
0xd9: {  	[sflag:s4] =	ssyncset.done $0x0  }
0xda: {  	[sflag:s4] =	ssyncadd.s32 $0xFFFFFF9C  }
0xdb: {  	_ =	swait.ge [sflag:s4], $0x64  }
0xdc: {  	[sflag:s4] =	ssyncset.done $0x0  }
0xdd: {  	[sflag:s4] =	ssyncadd.s32 $0xFFFFFF9C  }
0xde: {  	_ =	swait.ge [sflag:s4], $0x64  }
0xdf: {  	[sflag:s4] =	ssyncset.done $0x0  }
0xe0: {  	[sflag:s4] =	ssyncadd.s32 $0xFFFFFF9C  }
0xe1: {  	_ =	swait.ge [sflag:s4], $0x64  }
0xe2: {  	[sflag:s4] =	ssyncset.done $0x0  }
0xe3: {  	[sflag:s4] =	ssyncadd.s32 $0xFFFFFF9C  }
0xe4: {  	_ =	swait.ge [sflag:s4], $0x64  }
0xe5: {  	[sflag:s4] =	ssyncset.done $0x0  }
0xe6: {  	[sflag:s4] =	ssyncadd.s32 $0xFFFFFF9C  }
0xe7: {  	_ =	swait.ge [sflag:s4], $0x64  }
0xe8: {  	[sflag:s4] =	ssyncset.done $0x0  }
0xe9: {  	[sflag:s4] =	ssyncadd.s32 $0xFFFFFF9C  }
0xea: {  	_ =	swait.ge [sflag:s4], $0x64  }
0xeb: {  	[sflag:s4] =	ssyncset.done $0x0  }
0xec: {  	[sflag:s4] =	ssyncadd.s32 $0xFFFFFF9C  }
0xed: {  	_ =	swait.ge [sflag:s4], $0x64  }
0xee: {  	s5 =	simm.s32 $0x10;
	[sflag:s4] =	ssyncset.done $0x0  }
0xef: {  	s6 =	simm.s32 $0x80;
	s31 =	rddreg [dreg:$0xe];
	[sflag:s4] =	ssyncadd.s32 $0xFFFFFF9C  }
0xf0: {  	[hbm:s31@s6], [sflag:s3] =	dma.strided [spmem:s9@s5], $0xFB0, s4, $0x10   }
0xf1: {  	p1 =	sne.s32 s17, $0x1;
	s23 =	rddreg [dreg:$0xf]  }
0xf2: {  	[hbm:s23@s6], [sflag:s3] =	dma.strided [spmem:s7@s5], $0xFB0, s4, $0x10   }
.Ltmp1:
0xf3: {  	_ =	swait.ge [sflag:s4], $0xFB0;
	(pc) =	sbr.rel @!p1 .LBB2_6-.Ltmp1, $4  }
0xf4: {  	[sflag:s4] =	ssyncset.done $0x0  }
0xf5: {  	[sflag:s4] =	ssyncadd.s32 $0xFFFFF050  }
0xf6: {  	p0 =	por $0x1, $0x1;
	_ =	swait.ge [sflag:s4], $0xFB0  }
0xf7: {  	s23 =	sadd.s32 $0xFFFFFFFF, s17;
	s24 =	rddreg [dreg:$0x4];
	[sflag:s4] =	ssyncset.done $0x0  }
0xf8: {  	s18 =	simm.s32 $0xFB00;
	s20 =	simm.s32 $0x10380;
	s21 =	simm.s32 $0xFC00  }
0xf9: {  	s22 =	simm.s32 $0x10400;
	s26 =	simm.s32 $0xFC80;
	s29 =	simm.s32 $0x10480  }
0xfa: {  	s28 =	simm.s32 $0xFD00;
	s30 =	simm.s32 $0x10500;
	s31 =	simm.s32 $0x10580  }
0xfb: {  	s13 =	simm.s32 $0x10600;
	s15 =	simm.s32 $0x10680;
	s17 =	simm.s32 $0x10700  }
0xfc: {  	s19 =	simm.s32 $0x10000;
	s16 =	simm.s32 $0x10080;
	s14 =	simm.s32 $0x10100  }
.LBB2_3:
0xfd: {  	[sflag:s4] =	ssyncadd.s32 $0xFFFFF050  }
0xfe: {  	[spmem:s9@s5], [sflag:s3] =	dma.strided [hbm:s24@s6], $0xFB0, s4, $0x10   }
0xff: {  	s24 =	rddreg [dreg:$0x5]  }
0x100: {  	[spmem:s7@s5], [sflag:s3] =	dma.strided [hbm:s24@s6], $0xFB0, s4, $0x10   }
0x101: {  	s12 =	simm.s32 $0x0;
	s24 =	rddreg [dreg:$0x6]  }
0x102: {  	[tilespmem:s18], [sflag:$0x1] =	stream.linear.gather [hbm4b:s24+s12], $0x800, $0x38;
	[tilespmem:$0x10B00] =	vst v63  }
0x103: {  	s5 =	simm.s32 $0x10300;
	s25 =	rddreg [dreg:$0x7]  }
0x104: {  	[tilespmem:s5], [sflag:$0x1] =	stream.linear.gather [hbm4b:s25+s12], $0x800, $0x38;
	[tilespmem:$0x10B00] =	vst v63  }
0x105: {  	_ =	swait.ge [sflag:s4], $0xFB0  }
0x106: {  	[sflag:s4] =	ssyncset.done $0x0  }
0x107: {  	[sflag:s4] =	ssyncadd.s32 $0xFFFFF050  }
0x108: {  	_ =	swait.ge [sflag:s4], $0xFB0  }
0x109: {  	[sflag:s4] =	ssyncset.done $0x0  }
0x10a: {  	[sflag:s4] =	ssyncadd.s32 $0xFFFFF050  }
0x10b: {  	_ =	swait.ge [sflag:s4], $0x800  }
0x10c: {  	[sflag:s4] =	ssyncset.done $0x0  }
0x10d: {  	[sflag:s4] =	ssyncadd.s32 $0xFFFFF800  }
0x10e: {  	_ =	swait.ge [sflag:s4], $0x800  }
0x10f: {  	[sflag:s4] =	ssyncset.done $0x0  }
0x110: {  	[sflag:s4] =	ssyncadd.s32 $0xFFFFF800  }
0x111: {  	[spmem:s2] =	stream.indirect.scatter.add.f32 [tilespmem:s5], [sflag:$0x1], $0x1, s18, s10, $0xb8;
	[tilespmem:$0x10B00] =	vst v63  }
0x112: {  	s0 =	simm.s32 $0xFB80  }
0x113: {  	[spmem:s2] =	stream.indirect.scatter.add.f32 [tilespmem:s20], [sflag:$0x1], $0x1, s0, s10, $0xb8;
	[tilespmem:$0x10B00] =	vst v63  }
0x114: {  	_ = 	snop  }
0x115: {  	[spmem:s2] =	stream.indirect.scatter.add.f32 [tilespmem:s22], [sflag:$0x1], $0x1, s21, s10, $0xb8;
	[tilespmem:$0x10B00] =	vst v63  }
0x116: {  	_ = 	snop  }
0x117: {  	[spmem:s2] =	stream.indirect.scatter.add.f32 [tilespmem:s29], [sflag:$0x1], $0x1, s26, s10, $0xb8;
	[tilespmem:$0x10B00] =	vst v63  }
0x118: {  	_ = 	snop  }
0x119: {  	[spmem:s2] =	stream.indirect.scatter.add.f32 [tilespmem:s30], [sflag:$0x1], $0x1, s28, s10, $0xb8;
	[tilespmem:$0x10B00] =	vst v63  }
0x11a: {  	s1 =	simm.s32 $0xFD80  }
0x11b: {  	[spmem:s2] =	stream.indirect.scatter.add.f32 [tilespmem:s31], [sflag:$0x1], $0x1, s1, s10, $0xb8;
	[tilespmem:$0x10B00] =	vst v63  }
0x11c: {  	s8 =	simm.s32 $0xFE00  }
0x11d: {  	[spmem:s2] =	stream.indirect.scatter.add.f32 [tilespmem:s13], [sflag:$0x1], $0x1, s8, s10, $0xb8;
	[tilespmem:$0x10B00] =	vst v63  }
0x11e: {  	s11 =	simm.s32 $0xFE80  }
0x11f: {  	[spmem:s2] =	stream.indirect.scatter.add.f32 [tilespmem:s15], [sflag:$0x1], $0x1, s11, s10, $0xb8;
	[tilespmem:$0x10B00] =	vst v63  }
0x120: {  	s24 =	simm.s32 $0xFF00  }
0x121: {  	[spmem:s2] =	stream.indirect.scatter.add.f32 [tilespmem:s17], [sflag:$0x1], $0x1, s24, s10, $0xb8;
	[tilespmem:$0x10B00] =	vst v63  }
0x122: {  	s25 =	simm.s32 $0xFF80;
	s11 =	simm.s32 $0x10780  }
0x123: {  	[spmem:s2] =	stream.indirect.scatter.add.f32 [tilespmem:s11], [sflag:$0x1], $0x1, s25, s10, $0xb8;
	[tilespmem:$0x10B00] =	vst v63  }
0x124: {  	s1 =	simm.s32 $0x10800  }
0x125: {  	[spmem:s2] =	stream.indirect.scatter.add.f32 [tilespmem:s1], [sflag:$0x1], $0x1, s19, s10, $0xb8;
	[tilespmem:$0x10B00] =	vst v63  }
0x126: {  	s8 =	simm.s32 $0x10880  }
0x127: {  	[spmem:s2] =	stream.indirect.scatter.add.f32 [tilespmem:s8], [sflag:$0x1], $0x1, s16, s10, $0xb8;
	[tilespmem:$0x10B00] =	vst v63  }
0x128: {  	s24 =	simm.s32 $0x10900  }
0x129: {  	[spmem:s2] =	stream.indirect.scatter.add.f32 [tilespmem:s24], [sflag:$0x1], $0x1, s14, s10, $0xb8;
	[tilespmem:$0x10B00] =	vst v63  }
0x12a: {  	s0 =	simm.s32 $0x10980;
	s1 =	simm.s32 $0x10180  }
0x12b: {  	[spmem:s2] =	stream.indirect.scatter.add.f32 [tilespmem:s0], [sflag:$0x1], $0x1, s1, s10, $0xb8;
	[tilespmem:$0x10B00] =	vst v63  }
0x12c: {  	s8 =	simm.s32 $0x10200;
	s1 =	simm.s32 $0x10A00  }
0x12d: {  	[spmem:s2] =	stream.indirect.scatter.add.f32 [tilespmem:s1], [sflag:$0x1], $0x1, s8, s10, $0xb8;
	[tilespmem:$0x10B00] =	vst v63  }
0x12e: {  	s25 =	simm.s32 $0x10280;
	s8 =	simm.s32 $0x10A80  }
0x12f: {  	[spmem:s2] =	stream.indirect.scatter.add.f32 [tilespmem:s8], [sflag:$0x1], $0x1, s25, s10, $0xb8;
	[tilespmem:$0x10B00] =	vst v63  }
0x130: {  	_ =	swait.ge [sflag:s4], $0x64  }
0x131: {  	[sflag:s4] =	ssyncset.done $0x0  }
0x132: {  	[sflag:s4] =	ssyncadd.s32 $0xFFFFFF9C  }
0x133: {  	_ =	swait.ge [sflag:s4], $0x64  }
0x134: {  	[sflag:s4] =	ssyncset.done $0x0  }
0x135: {  	[sflag:s4] =	ssyncadd.s32 $0xFFFFFF9C  }
0x136: {  	_ =	swait.ge [sflag:s4], $0x64  }
0x137: {  	[sflag:s4] =	ssyncset.done $0x0  }
0x138: {  	[sflag:s4] =	ssyncadd.s32 $0xFFFFFF9C  }
0x139: {  	_ =	swait.ge [sflag:s4], $0x64  }
0x13a: {  	[sflag:s4] =	ssyncset.done $0x0  }
0x13b: {  	[sflag:s4] =	ssyncadd.s32 $0xFFFFFF9C  }
0x13c: {  	_ =	swait.ge [sflag:s4], $0x64  }
0x13d: {  	[sflag:s4] =	ssyncset.done $0x0  }
0x13e: {  	[sflag:s4] =	ssyncadd.s32 $0xFFFFFF9C  }
0x13f: {  	_ =	swait.ge [sflag:s4], $0x64  }
0x140: {  	[sflag:s4] =	ssyncset.done $0x0  }
0x141: {  	[sflag:s4] =	ssyncadd.s32 $0xFFFFFF9C  }
0x142: {  	_ =	swait.ge [sflag:s4], $0x64  }
0x143: {  	[sflag:s4] =	ssyncset.done $0x0  }
0x144: {  	[sflag:s4] =	ssyncadd.s32 $0xFFFFFF9C  }
0x145: {  	_ =	swait.ge [sflag:s4], $0x64  }
0x146: {  	[sflag:s4] =	ssyncset.done $0x0  }
0x147: {  	[sflag:s4] =	ssyncadd.s32 $0xFFFFFF9C  }
0x148: {  	_ =	swait.ge [sflag:s4], $0x64  }
0x149: {  	[sflag:s4] =	ssyncset.done $0x0  }
0x14a: {  	[sflag:s4] =	ssyncadd.s32 $0xFFFFFF9C  }
0x14b: {  	_ =	swait.ge [sflag:s4], $0x64  }
0x14c: {  	[sflag:s4] =	ssyncset.done $0x0  }
0x14d: {  	[sflag:s4] =	ssyncadd.s32 $0xFFFFFF9C  }
0x14e: {  	_ =	swait.ge [sflag:s4], $0x64  }
0x14f: {  	[sflag:s4] =	ssyncset.done $0x0  }
0x150: {  	[sflag:s4] =	ssyncadd.s32 $0xFFFFFF9C  }
0x151: {  	_ =	swait.ge [sflag:s4], $0x64  }
0x152: {  	[sflag:s4] =	ssyncset.done $0x0  }
0x153: {  	[sflag:s4] =	ssyncadd.s32 $0xFFFFFF9C  }
0x154: {  	_ =	swait.ge [sflag:s4], $0x64  }
0x155: {  	[sflag:s4] =	ssyncset.done $0x0  }
0x156: {  	[sflag:s4] =	ssyncadd.s32 $0xFFFFFF9C  }
0x157: {  	_ =	swait.ge [sflag:s4], $0x64  }
0x158: {  	[sflag:s4] =	ssyncset.done $0x0  }
0x159: {  	[sflag:s4] =	ssyncadd.s32 $0xFFFFFF9C  }
0x15a: {  	_ =	swait.ge [sflag:s4], $0x64  }
0x15b: {  	[sflag:s4] =	ssyncset.done $0x0  }
0x15c: {  	[sflag:s4] =	ssyncadd.s32 $0xFFFFFF9C  }
0x15d: {  	_ =	swait.ge [sflag:s4], $0x64  }
0x15e: {  	s7 =	simm.s32 $0x80;
	[sflag:s4] =	ssyncset.done $0x0  }
0x15f: {  	s6 =	simm.s32 $0x10;
	s25 =	rddreg [dreg:$0x8];
	[sflag:s4] =	ssyncadd.s32 $0xFFFFFF9C  }
0x160: {  	[hbm:s25@s7], [sflag:s3] =	dma.strided [spmem:s9@s6], $0xFB0, s4, $0x10   }
0x161: {  	s24 =	rddreg [dreg:$0x9]  }
0x162: {  	s25 =	rddreg [dreg:$0x10]  }
0x163: {  	[hbm:s24@s7], [sflag:s3] =	dma.strided [spmem:s25@s6], $0xFB0, s4, $0x10   }
0x164: {  	_ =	swait.ge [sflag:s4], $0xFB0  }
0x165: {  	[sflag:s4] =	ssyncset.done $0x0  }
0x166: {  	[sflag:s4] =	ssyncadd.s32 $0xFFFFF050  }
0x167: {  	_ =	swait.ge [sflag:s4], $0xFB0  }
0x168: {  	[sflag:s4] =	ssyncset.done $0x0  }
0x169: {  	s25 =	rddreg [dreg:$0xa];
	[sflag:s4] =	ssyncadd.s32 $0xFFFFF050  }
0x16a: {  	[spmem:s9@s6], [sflag:s3] =	dma.strided [hbm:s25@s7], $0xFB0, s4, $0x10   }
0x16b: {  	s24 =	rddreg [dreg:$0xb]  }
0x16c: {  	s25 =	rddreg [dreg:$0x10]  }
0x16d: {  	[spmem:s25@s6], [sflag:s3] =	dma.strided [hbm:s24@s7], $0xFB0, s4, $0x10   }
0x16e: {  	s24 =	rddreg [dreg:$0xc]  }
0x16f: {  	[tilespmem:s18], [sflag:$0x1] =	stream.linear.gather [hbm4b:s24+s12], $0x800, $0x38;
	[tilespmem:$0x10B00] =	vst v63  }
0x170: {  	s25 =	rddreg [dreg:$0xd]  }
0x171: {  	[tilespmem:s5], [sflag:$0x1] =	stream.linear.gather [hbm4b:s25+s12], $0x800, $0x38;
	[tilespmem:$0x10B00] =	vst v63  }
0x172: {  	s7 =	rddreg [dreg:$0x10];
	_ =	swait.ge [sflag:s4], $0xFB0  }
0x173: {  	[sflag:s4] =	ssyncset.done $0x0  }
0x174: {  	[sflag:s4] =	ssyncadd.s32 $0xFFFFF050  }
0x175: {  	_ =	swait.ge [sflag:s4], $0xFB0  }
0x176: {  	[sflag:s4] =	ssyncset.done $0x0  }
0x177: {  	[sflag:s4] =	ssyncadd.s32 $0xFFFFF050  }
0x178: {  	_ =	swait.ge [sflag:s4], $0x800  }
0x179: {  	[sflag:s4] =	ssyncset.done $0x0  }
0x17a: {  	[sflag:s4] =	ssyncadd.s32 $0xFFFFF800  }
0x17b: {  	_ =	swait.ge [sflag:s4], $0x800  }
0x17c: {  	[sflag:s4] =	ssyncset.done $0x0  }
0x17d: {  	[sflag:s4] =	ssyncadd.s32 $0xFFFFF800  }
0x17e: {  	[spmem:s2] =	stream.indirect.scatter.add.f32 [tilespmem:s5], [sflag:$0x1], $0x1, s18, s10, $0xb8;
	[tilespmem:$0x10B00] =	vst v63  }
0x17f: {  	s25 =	simm.s32 $0xFB80  }
0x180: {  	[spmem:s2] =	stream.indirect.scatter.add.f32 [tilespmem:s20], [sflag:$0x1], $0x1, s25, s10, $0xb8;
	[tilespmem:$0x10B00] =	vst v63  }
0x181: {  	_ = 	snop  }
0x182: {  	[spmem:s2] =	stream.indirect.scatter.add.f32 [tilespmem:s22], [sflag:$0x1], $0x1, s21, s10, $0xb8;
	[tilespmem:$0x10B00] =	vst v63  }
0x183: {  	_ = 	snop  }
0x184: {  	[spmem:s2] =	stream.indirect.scatter.add.f32 [tilespmem:s29], [sflag:$0x1], $0x1, s26, s10, $0xb8;
	[tilespmem:$0x10B00] =	vst v63  }
0x185: {  	_ = 	snop  }
0x186: {  	[spmem:s2] =	stream.indirect.scatter.add.f32 [tilespmem:s30], [sflag:$0x1], $0x1, s28, s10, $0xb8;
	[tilespmem:$0x10B00] =	vst v63  }
0x187: {  	s24 =	simm.s32 $0xFD80  }
0x188: {  	[spmem:s2] =	stream.indirect.scatter.add.f32 [tilespmem:s31], [sflag:$0x1], $0x1, s24, s10, $0xb8;
	[tilespmem:$0x10B00] =	vst v63  }
0x189: {  	s25 =	simm.s32 $0xFE00  }
0x18a: {  	[spmem:s2] =	stream.indirect.scatter.add.f32 [tilespmem:s13], [sflag:$0x1], $0x1, s25, s10, $0xb8;
	[tilespmem:$0x10B00] =	vst v63  }
0x18b: {  	s24 =	simm.s32 $0xFE80  }
0x18c: {  	[spmem:s2] =	stream.indirect.scatter.add.f32 [tilespmem:s15], [sflag:$0x1], $0x1, s24, s10, $0xb8;
	[tilespmem:$0x10B00] =	vst v63  }
0x18d: {  	s25 =	simm.s32 $0xFF00  }
0x18e: {  	[spmem:s2] =	stream.indirect.scatter.add.f32 [tilespmem:s17], [sflag:$0x1], $0x1, s25, s10, $0xb8;
	[tilespmem:$0x10B00] =	vst v63  }
0x18f: {  	s24 =	simm.s32 $0xFF80  }
0x190: {  	[spmem:s2] =	stream.indirect.scatter.add.f32 [tilespmem:s11], [sflag:$0x1], $0x1, s24, s10, $0xb8;
	[tilespmem:$0x10B00] =	vst v63  }
0x191: {  	s25 =	simm.s32 $0x10800  }
0x192: {  	[spmem:s2] =	stream.indirect.scatter.add.f32 [tilespmem:s25], [sflag:$0x1], $0x1, s19, s10, $0xb8;
	[tilespmem:$0x10B00] =	vst v63  }
0x193: {  	s12 =	simm.s32 $0x10880  }
0x194: {  	[spmem:s2] =	stream.indirect.scatter.add.f32 [tilespmem:s12], [sflag:$0x1], $0x1, s16, s10, $0xb8;
	[tilespmem:$0x10B00] =	vst v63  }
0x195: {  	s24 =	simm.s32 $0x10900  }
0x196: {  	[spmem:s2] =	stream.indirect.scatter.add.f32 [tilespmem:s24], [sflag:$0x1], $0x1, s14, s10, $0xb8;
	[tilespmem:$0x10B00] =	vst v63  }
0x197: {  	s25 =	simm.s32 $0x10180  }
0x198: {  	[spmem:s2] =	stream.indirect.scatter.add.f32 [tilespmem:s0], [sflag:$0x1], $0x1, s25, s10, $0xb8;
	[tilespmem:$0x10B00] =	vst v63  }
0x199: {  	s12 =	simm.s32 $0x10200  }
0x19a: {  	[spmem:s2] =	stream.indirect.scatter.add.f32 [tilespmem:s1], [sflag:$0x1], $0x1, s12, s10, $0xb8;
	[tilespmem:$0x10B00] =	vst v63  }
0x19b: {  	s24 =	simm.s32 $0x10280  }
0x19c: {  	[spmem:s2] =	stream.indirect.scatter.add.f32 [tilespmem:s8], [sflag:$0x1], $0x1, s24, s10, $0xb8;
	[tilespmem:$0x10B00] =	vst v63  }
0x19d: {  	_ =	swait.ge [sflag:s4], $0x64  }
0x19e: {  	[sflag:s4] =	ssyncset.done $0x0  }
0x19f: {  	[sflag:s4] =	ssyncadd.s32 $0xFFFFFF9C  }
0x1a0: {  	_ =	swait.ge [sflag:s4], $0x64  }
0x1a1: {  	[sflag:s4] =	ssyncset.done $0x0  }
0x1a2: {  	[sflag:s4] =	ssyncadd.s32 $0xFFFFFF9C  }
0x1a3: {  	_ =	swait.ge [sflag:s4], $0x64  }
0x1a4: {  	[sflag:s4] =	ssyncset.done $0x0  }
0x1a5: {  	[sflag:s4] =	ssyncadd.s32 $0xFFFFFF9C  }
0x1a6: {  	_ =	swait.ge [sflag:s4], $0x64  }
0x1a7: {  	[sflag:s4] =	ssyncset.done $0x0  }
0x1a8: {  	[sflag:s4] =	ssyncadd.s32 $0xFFFFFF9C  }
0x1a9: {  	_ =	swait.ge [sflag:s4], $0x64  }
0x1aa: {  	[sflag:s4] =	ssyncset.done $0x0  }
0x1ab: {  	[sflag:s4] =	ssyncadd.s32 $0xFFFFFF9C  }
0x1ac: {  	_ =	swait.ge [sflag:s4], $0x64  }
0x1ad: {  	[sflag:s4] =	ssyncset.done $0x0  }
0x1ae: {  	[sflag:s4] =	ssyncadd.s32 $0xFFFFFF9C  }
0x1af: {  	_ =	swait.ge [sflag:s4], $0x64  }
0x1b0: {  	[sflag:s4] =	ssyncset.done $0x0  }
0x1b1: {  	[sflag:s4] =	ssyncadd.s32 $0xFFFFFF9C  }
0x1b2: {  	_ =	swait.ge [sflag:s4], $0x64  }
0x1b3: {  	[sflag:s4] =	ssyncset.done $0x0  }
0x1b4: {  	[sflag:s4] =	ssyncadd.s32 $0xFFFFFF9C  }
0x1b5: {  	_ =	swait.ge [sflag:s4], $0x64  }
0x1b6: {  	[sflag:s4] =	ssyncset.done $0x0  }
0x1b7: {  	[sflag:s4] =	ssyncadd.s32 $0xFFFFFF9C  }
0x1b8: {  	_ =	swait.ge [sflag:s4], $0x64  }
0x1b9: {  	[sflag:s4] =	ssyncset.done $0x0  }
0x1ba: {  	[sflag:s4] =	ssyncadd.s32 $0xFFFFFF9C  }
0x1bb: {  	_ =	swait.ge [sflag:s4], $0x64  }
0x1bc: {  	[sflag:s4] =	ssyncset.done $0x0  }
0x1bd: {  	[sflag:s4] =	ssyncadd.s32 $0xFFFFFF9C  }
0x1be: {  	_ =	swait.ge [sflag:s4], $0x64  }
0x1bf: {  	[sflag:s4] =	ssyncset.done $0x0  }
0x1c0: {  	[sflag:s4] =	ssyncadd.s32 $0xFFFFFF9C  }
0x1c1: {  	_ =	swait.ge [sflag:s4], $0x64  }
0x1c2: {  	[sflag:s4] =	ssyncset.done $0x0  }
0x1c3: {  	[sflag:s4] =	ssyncadd.s32 $0xFFFFFF9C  }
0x1c4: {  	_ =	swait.ge [sflag:s4], $0x64  }
0x1c5: {  	[sflag:s4] =	ssyncset.done $0x0  }
0x1c6: {  	[sflag:s4] =	ssyncadd.s32 $0xFFFFFF9C  }
0x1c7: {  	_ =	swait.ge [sflag:s4], $0x64  }
0x1c8: {  	[sflag:s4] =	ssyncset.done $0x0  }
0x1c9: {  	[sflag:s4] =	ssyncadd.s32 $0xFFFFFF9C  }
0x1ca: {  	_ =	swait.ge [sflag:s4], $0x64  }
0x1cb: {  	s6 =	simm.s32 $0x80;
	[sflag:s4] =	ssyncset.done $0x0  }
0x1cc: {  	s5 =	simm.s32 $0x10;
	s25 =	rddreg [dreg:$0xe];
	[sflag:s4] =	ssyncadd.s32 $0xFFFFFF9C  }
0x1cd: {  	[hbm:s25@s6], [sflag:s3] =	dma.strided [spmem:s9@s5], $0xFB0, s4, $0x10   }
0x1ce: {  	p1 =	sne.s32 s23, $0x1;
	s24 =	rddreg [dreg:$0xf]  }
0x1cf: {  	[hbm:s24@s6], [sflag:s3] =	dma.strided [spmem:s7@s5], $0xFB0, s4, $0x10   }
.Ltmp2:
0x1d0: {  	_ =	swait.ge [sflag:s4], $0xFB0;
	(pc) =	sbr.rel @p1 .LBB2_3-.Ltmp2, $4  }
0x1d1: {  	[sflag:s4] =	ssyncset.done $0x0  }
0x1d2: {  	[sflag:s4] =	ssyncadd.s32 $0xFFFFF050  }
0x1d3: {  	_ =	swait.ge [sflag:s4], $0xFB0  }
0x1d4: {  	s23 =	sadd.s32 $0xFFFFFFFF, s23;
	s24 =	rddreg [dreg:$0x4];
	[sflag:s4] =	ssyncset.done $0x0  }
0x1d5: {  	s8 =	simm.s32 $0x0;
	s0 =	simm.s32 $0xFB00;
	s12 =	simm.s32 $0x10300  }
.LBB2_5:
0x1d6: {  	[sflag:s4] =	ssyncadd.s32 @p0 $0xFFFFF050  }
0x1d7: {  	[spmem:s9@s5], [sflag:s3] =	dma.strided [hbm:s24@s6], $0xFB0, s4, $0x10   }
0x1d8: {  	s23 =	rddreg [dreg:$0x5]  }
0x1d9: {  	[spmem:s7@s5], [sflag:s3] =	dma.strided [hbm:s23@s6], $0xFB0, s4, $0x10   }
0x1da: {  	s23 =	rddreg [dreg:$0x6]  }
0x1db: {  	[tilespmem:s0], [sflag:$0x1] =	stream.linear.gather [hbm4b:s23+s8], $0x800, $0x38;
	[tilespmem:$0x10B00] =	vst v63  }
0x1dc: {  	s31 =	rddreg [dreg:$0x7]  }
0x1dd: {  	[tilespmem:s12], [sflag:$0x1] =	stream.linear.gather [hbm4b:s31+s8], $0x800, $0x38;
	[tilespmem:$0x10B00] =	vst v63  }
0x1de: {  	_ =	swait.ge [sflag:s4], $0xFB0  }
0x1df: {  	[sflag:s4] =	ssyncset.done $0x0  }
0x1e0: {  	[sflag:s4] =	ssyncadd.s32 $0xFFFFF050  }
0x1e1: {  	_ =	swait.ge [sflag:s4], $0xFB0  }
0x1e2: {  	[sflag:s4] =	ssyncset.done $0x0  }
0x1e3: {  	[sflag:s4] =	ssyncadd.s32 $0xFFFFF050  }
0x1e4: {  	_ =	swait.ge [sflag:s4], $0x800  }
0x1e5: {  	[sflag:s4] =	ssyncset.done $0x0  }
0x1e6: {  	[sflag:s4] =	ssyncadd.s32 $0xFFFFF800  }
0x1e7: {  	_ =	swait.ge [sflag:s4], $0x800  }
0x1e8: {  	[sflag:s4] =	ssyncset.done $0x0  }
0x1e9: {  	[sflag:s4] =	ssyncadd.s32 $0xFFFFF800  }
0x1ea: {  	[spmem:s2] =	stream.indirect.scatter.add.f32 [tilespmem:s12], [sflag:$0x1], $0x1, s0, s10, $0xb8;
	[tilespmem:$0x10B00] =	vst v63  }
0x1eb: {  	s1 =	simm.s32 $0xFB80;
	s28 =	simm.s32 $0x10380  }
0x1ec: {  	[spmem:s2] =	stream.indirect.scatter.add.f32 [tilespmem:s28], [sflag:$0x1], $0x1, s1, s10, $0xb8;
	[tilespmem:$0x10B00] =	vst v63  }
0x1ed: {  	s11 =	simm.s32 $0xFC00;
	s30 =	simm.s32 $0x10400  }
0x1ee: {  	[spmem:s2] =	stream.indirect.scatter.add.f32 [tilespmem:s30], [sflag:$0x1], $0x1, s11, s10, $0xb8;
	[tilespmem:$0x10B00] =	vst v63  }
0x1ef: {  	s13 =	simm.s32 $0xFC80;
	s31 =	simm.s32 $0x10480  }
0x1f0: {  	[spmem:s2] =	stream.indirect.scatter.add.f32 [tilespmem:s31], [sflag:$0x1], $0x1, s13, s10, $0xb8;
	[tilespmem:$0x10B00] =	vst v63  }
0x1f1: {  	s14 =	simm.s32 $0xFD00;
	s22 =	simm.s32 $0x10500  }
0x1f2: {  	[spmem:s2] =	stream.indirect.scatter.add.f32 [tilespmem:s22], [sflag:$0x1], $0x1, s14, s10, $0xb8;
	[tilespmem:$0x10B00] =	vst v63  }
0x1f3: {  	s15 =	simm.s32 $0xFD80;
	s1 =	simm.s32 $0x10580  }
0x1f4: {  	[spmem:s2] =	stream.indirect.scatter.add.f32 [tilespmem:s1], [sflag:$0x1], $0x1, s15, s10, $0xb8;
	[tilespmem:$0x10B00] =	vst v63  }
0x1f5: {  	s16 =	simm.s32 $0xFE00;
	s26 =	simm.s32 $0x10600  }
0x1f6: {  	[spmem:s2] =	stream.indirect.scatter.add.f32 [tilespmem:s26], [sflag:$0x1], $0x1, s16, s10, $0xb8;
	[tilespmem:$0x10B00] =	vst v63  }
0x1f7: {  	s17 =	simm.s32 $0xFE80;
	s18 =	simm.s32 $0x10680  }
0x1f8: {  	[spmem:s2] =	stream.indirect.scatter.add.f32 [tilespmem:s18], [sflag:$0x1], $0x1, s17, s10, $0xb8;
	[tilespmem:$0x10B00] =	vst v63  }
0x1f9: {  	s19 =	simm.s32 $0xFF00;
	s21 =	simm.s32 $0x10700  }
0x1fa: {  	[spmem:s2] =	stream.indirect.scatter.add.f32 [tilespmem:s21], [sflag:$0x1], $0x1, s19, s10, $0xb8;
	[tilespmem:$0x10B00] =	vst v63  }
0x1fb: {  	s20 =	simm.s32 $0xFF80;
	s25 =	simm.s32 $0x10780  }
0x1fc: {  	[spmem:s2] =	stream.indirect.scatter.add.f32 [tilespmem:s25], [sflag:$0x1], $0x1, s20, s10, $0xb8;
	[tilespmem:$0x10B00] =	vst v63  }
0x1fd: {  	s29 =	simm.s32 $0x10800;
	s23 =	simm.s32 $0x10000  }
0x1fe: {  	[spmem:s2] =	stream.indirect.scatter.add.f32 [tilespmem:s29], [sflag:$0x1], $0x1, s23, s10, $0xb8;
	[tilespmem:$0x10B00] =	vst v63  }
0x1ff: {  	s19 =	simm.s32 $0x10880;
	s20 =	simm.s32 $0x10080  }
0x200: {  	[spmem:s2] =	stream.indirect.scatter.add.f32 [tilespmem:s19], [sflag:$0x1], $0x1, s20, s10, $0xb8;
	[tilespmem:$0x10B00] =	vst v63  }
0x201: {  	s18 =	simm.s32 $0x10100;
	s17 =	simm.s32 $0x10900  }
0x202: {  	[spmem:s2] =	stream.indirect.scatter.add.f32 [tilespmem:s17], [sflag:$0x1], $0x1, s18, s10, $0xb8;
	[tilespmem:$0x10B00] =	vst v63  }
0x203: {  	s15 =	simm.s32 $0x10980;
	s16 =	simm.s32 $0x10180  }
0x204: {  	[spmem:s2] =	stream.indirect.scatter.add.f32 [tilespmem:s15], [sflag:$0x1], $0x1, s16, s10, $0xb8;
	[tilespmem:$0x10B00] =	vst v63  }
0x205: {  	s13 =	simm.s32 $0x10A00;
	s14 =	simm.s32 $0x10200  }
0x206: {  	[spmem:s2] =	stream.indirect.scatter.add.f32 [tilespmem:s13], [sflag:$0x1], $0x1, s14, s10, $0xb8;
	[tilespmem:$0x10B00] =	vst v63  }
0x207: {  	s0 =	simm.s32 $0x10A80;
	s1 =	simm.s32 $0x10280  }
0x208: {  	[spmem:s2] =	stream.indirect.scatter.add.f32 [tilespmem:s0], [sflag:$0x1], $0x1, s1, s10, $0xb8;
	[tilespmem:$0x10B00] =	vst v63  }
0x209: {  	_ =	swait.ge [sflag:s4], $0x64  }
0x20a: {  	[sflag:s4] =	ssyncset.done $0x0  }
0x20b: {  	[sflag:s4] =	ssyncadd.s32 $0xFFFFFF9C  }
0x20c: {  	_ =	swait.ge [sflag:s4], $0x64  }
0x20d: {  	[sflag:s4] =	ssyncset.done $0x0  }
0x20e: {  	[sflag:s4] =	ssyncadd.s32 $0xFFFFFF9C  }
0x20f: {  	_ =	swait.ge [sflag:s4], $0x64  }
0x210: {  	[sflag:s4] =	ssyncset.done $0x0  }
0x211: {  	[sflag:s4] =	ssyncadd.s32 $0xFFFFFF9C  }
0x212: {  	_ =	swait.ge [sflag:s4], $0x64  }
0x213: {  	[sflag:s4] =	ssyncset.done $0x0  }
0x214: {  	[sflag:s4] =	ssyncadd.s32 $0xFFFFFF9C  }
0x215: {  	_ =	swait.ge [sflag:s4], $0x64  }
0x216: {  	[sflag:s4] =	ssyncset.done $0x0  }
0x217: {  	[sflag:s4] =	ssyncadd.s32 $0xFFFFFF9C  }
0x218: {  	_ =	swait.ge [sflag:s4], $0x64  }
0x219: {  	[sflag:s4] =	ssyncset.done $0x0  }
0x21a: {  	[sflag:s4] =	ssyncadd.s32 $0xFFFFFF9C  }
0x21b: {  	_ =	swait.ge [sflag:s4], $0x64  }
0x21c: {  	[sflag:s4] =	ssyncset.done $0x0  }
0x21d: {  	[sflag:s4] =	ssyncadd.s32 $0xFFFFFF9C  }
0x21e: {  	_ =	swait.ge [sflag:s4], $0x64  }
0x21f: {  	[sflag:s4] =	ssyncset.done $0x0  }
0x220: {  	[sflag:s4] =	ssyncadd.s32 $0xFFFFFF9C  }
0x221: {  	_ =	swait.ge [sflag:s4], $0x64  }
0x222: {  	[sflag:s4] =	ssyncset.done $0x0  }
0x223: {  	[sflag:s4] =	ssyncadd.s32 $0xFFFFFF9C  }
0x224: {  	_ =	swait.ge [sflag:s4], $0x64  }
0x225: {  	[sflag:s4] =	ssyncset.done $0x0  }
0x226: {  	[sflag:s4] =	ssyncadd.s32 $0xFFFFFF9C  }
0x227: {  	_ =	swait.ge [sflag:s4], $0x64  }
0x228: {  	[sflag:s4] =	ssyncset.done $0x0  }
0x229: {  	[sflag:s4] =	ssyncadd.s32 $0xFFFFFF9C  }
0x22a: {  	_ =	swait.ge [sflag:s4], $0x64  }
0x22b: {  	[sflag:s4] =	ssyncset.done $0x0  }
0x22c: {  	[sflag:s4] =	ssyncadd.s32 $0xFFFFFF9C  }
0x22d: {  	_ =	swait.ge [sflag:s4], $0x64  }
0x22e: {  	[sflag:s4] =	ssyncset.done $0x0  }
0x22f: {  	[sflag:s4] =	ssyncadd.s32 $0xFFFFFF9C  }
0x230: {  	_ =	swait.ge [sflag:s4], $0x64  }
0x231: {  	[sflag:s4] =	ssyncset.done $0x0  }
0x232: {  	[sflag:s4] =	ssyncadd.s32 $0xFFFFFF9C  }
0x233: {  	_ =	swait.ge [sflag:s4], $0x64  }
0x234: {  	[sflag:s4] =	ssyncset.done $0x0  }
0x235: {  	[sflag:s4] =	ssyncadd.s32 $0xFFFFFF9C  }
0x236: {  	_ =	swait.ge [sflag:s4], $0x64  }
0x237: {  	[sflag:s4] =	ssyncset.done $0x0  }
0x238: {  	s24 =	rddreg [dreg:$0x8];
	[sflag:s4] =	ssyncadd.s32 $0xFFFFFF9C  }
0x239: {  	[hbm:s24@s6], [sflag:s3] =	dma.strided [spmem:s9@s5], $0xFB0, s4, $0x10   }
0x23a: {  	s23 =	rddreg [dreg:$0x9]  }
0x23b: {  	[hbm:s23@s6], [sflag:s3] =	dma.strided [spmem:s7@s5], $0xFB0, s4, $0x10   }
0x23c: {  	_ =	swait.ge [sflag:s4], $0xFB0  }
0x23d: {  	[sflag:s4] =	ssyncset.done $0x0  }
0x23e: {  	[sflag:s4] =	ssyncadd.s32 $0xFFFFF050  }
0x23f: {  	_ =	swait.ge [sflag:s4], $0xFB0  }
0x240: {  	[sflag:s4] =	ssyncset.done $0x0  }
0x241: {  	s24 =	rddreg [dreg:$0xa];
	[sflag:s4] =	ssyncadd.s32 $0xFFFFF050  }
0x242: {  	[spmem:s9@s5], [sflag:s3] =	dma.strided [hbm:s24@s6], $0xFB0, s4, $0x10   }
0x243: {  	s23 =	rddreg [dreg:$0xb]  }
0x244: {  	[spmem:s7@s5], [sflag:s3] =	dma.strided [hbm:s23@s6], $0xFB0, s4, $0x10   }
0x245: {  	s11 =	simm.s32 $0xFB00;
	s23 =	rddreg [dreg:$0xc]  }
0x246: {  	[tilespmem:s11], [sflag:$0x1] =	stream.linear.gather [hbm4b:s23+s8], $0x800, $0x38;
	[tilespmem:$0x10B00] =	vst v63  }
0x247: {  	s24 =	rddreg [dreg:$0xd]  }
0x248: {  	[tilespmem:s12], [sflag:$0x1] =	stream.linear.gather [hbm4b:s24+s8], $0x800, $0x38;
	[tilespmem:$0x10B00] =	vst v63  }
0x249: {  	_ =	swait.ge [sflag:s4], $0xFB0  }
0x24a: {  	[sflag:s4] =	ssyncset.done $0x0  }
0x24b: {  	[sflag:s4] =	ssyncadd.s32 $0xFFFFF050  }
0x24c: {  	_ =	swait.ge [sflag:s4], $0xFB0  }
0x24d: {  	[sflag:s4] =	ssyncset.done $0x0  }
0x24e: {  	[sflag:s4] =	ssyncadd.s32 $0xFFFFF050  }
0x24f: {  	_ =	swait.ge [sflag:s4], $0x800  }
0x250: {  	[sflag:s4] =	ssyncset.done $0x0  }
0x251: {  	[sflag:s4] =	ssyncadd.s32 $0xFFFFF800  }
0x252: {  	_ =	swait.ge [sflag:s4], $0x800  }
0x253: {  	[sflag:s4] =	ssyncset.done $0x0  }
0x254: {  	[sflag:s4] =	ssyncadd.s32 $0xFFFFF800  }
0x255: {  	[spmem:s2] =	stream.indirect.scatter.add.f32 [tilespmem:s12], [sflag:$0x1], $0x1, s11, s10, $0xb8;
	[tilespmem:$0x10B00] =	vst v63  }
0x256: {  	s12 =	simm.s32 $0xFB80  }
0x257: {  	[spmem:s2] =	stream.indirect.scatter.add.f32 [tilespmem:s28], [sflag:$0x1], $0x1, s12, s10, $0xb8;
	[tilespmem:$0x10B00] =	vst v63  }
0x258: {  	s23 =	simm.s32 $0xFC00  }
0x259: {  	[spmem:s2] =	stream.indirect.scatter.add.f32 [tilespmem:s30], [sflag:$0x1], $0x1, s23, s10, $0xb8;
	[tilespmem:$0x10B00] =	vst v63  }
0x25a: {  	s24 =	simm.s32 $0xFC80  }
0x25b: {  	[spmem:s2] =	stream.indirect.scatter.add.f32 [tilespmem:s31], [sflag:$0x1], $0x1, s24, s10, $0xb8;
	[tilespmem:$0x10B00] =	vst v63  }
0x25c: {  	s28 =	simm.s32 $0xFD00  }
0x25d: {  	[spmem:s2] =	stream.indirect.scatter.add.f32 [tilespmem:s22], [sflag:$0x1], $0x1, s28, s10, $0xb8;
	[tilespmem:$0x10B00] =	vst v63  }
0x25e: {  	s30 =	simm.s32 $0xFD80;
	s31 =	simm.s32 $0x10580  }
0x25f: {  	[spmem:s2] =	stream.indirect.scatter.add.f32 [tilespmem:s31], [sflag:$0x1], $0x1, s30, s10, $0xb8;
	[tilespmem:$0x10B00] =	vst v63  }
0x260: {  	s12 =	simm.s32 $0xFE00  }
0x261: {  	[spmem:s2] =	stream.indirect.scatter.add.f32 [tilespmem:s26], [sflag:$0x1], $0x1, s12, s10, $0xb8;
	[tilespmem:$0x10B00] =	vst v63  }
0x262: {  	s23 =	simm.s32 $0x10680;
	s22 =	simm.s32 $0xFE80  }
0x263: {  	[spmem:s2] =	stream.indirect.scatter.add.f32 [tilespmem:s23], [sflag:$0x1], $0x1, s22, s10, $0xb8;
	[tilespmem:$0x10B00] =	vst v63  }
0x264: {  	s24 =	simm.s32 $0xFF00  }
0x265: {  	[spmem:s2] =	stream.indirect.scatter.add.f32 [tilespmem:s21], [sflag:$0x1], $0x1, s24, s10, $0xb8;
	[tilespmem:$0x10B00] =	vst v63  }
0x266: {  	s26 =	simm.s32 $0xFF80  }
0x267: {  	[spmem:s2] =	stream.indirect.scatter.add.f32 [tilespmem:s25], [sflag:$0x1], $0x1, s26, s10, $0xb8;
	[tilespmem:$0x10B00] =	vst v63  }
0x268: {  	s28 =	simm.s32 $0x10000  }
0x269: {  	[spmem:s2] =	stream.indirect.scatter.add.f32 [tilespmem:s29], [sflag:$0x1], $0x1, s28, s10, $0xb8;
	[tilespmem:$0x10B00] =	vst v63  }
0x26a: {  	_ = 	snop  }
0x26b: {  	[spmem:s2] =	stream.indirect.scatter.add.f32 [tilespmem:s19], [sflag:$0x1], $0x1, s20, s10, $0xb8;
	[tilespmem:$0x10B00] =	vst v63  }
0x26c: {  	_ = 	snop  }
0x26d: {  	[spmem:s2] =	stream.indirect.scatter.add.f32 [tilespmem:s17], [sflag:$0x1], $0x1, s18, s10, $0xb8;
	[tilespmem:$0x10B00] =	vst v63  }
0x26e: {  	_ = 	snop  }
0x26f: {  	[spmem:s2] =	stream.indirect.scatter.add.f32 [tilespmem:s15], [sflag:$0x1], $0x1, s16, s10, $0xb8;
	[tilespmem:$0x10B00] =	vst v63  }
0x270: {  	_ = 	snop  }
0x271: {  	[spmem:s2] =	stream.indirect.scatter.add.f32 [tilespmem:s13], [sflag:$0x1], $0x1, s14, s10, $0xb8;
	[tilespmem:$0x10B00] =	vst v63  }
0x272: {  	_ = 	snop  }
0x273: {  	[spmem:s2] =	stream.indirect.scatter.add.f32 [tilespmem:s0], [sflag:$0x1], $0x1, s1, s10, $0xb8;
	[tilespmem:$0x10B00] =	vst v63  }
0x274: {  	_ =	swait.ge [sflag:s4], $0x64  }
0x275: {  	[sflag:s4] =	ssyncset.done $0x0  }
0x276: {  	[sflag:s4] =	ssyncadd.s32 $0xFFFFFF9C  }
0x277: {  	_ =	swait.ge [sflag:s4], $0x64  }
0x278: {  	[sflag:s4] =	ssyncset.done $0x0  }
0x279: {  	[sflag:s4] =	ssyncadd.s32 $0xFFFFFF9C  }
0x27a: {  	_ =	swait.ge [sflag:s4], $0x64  }
0x27b: {  	[sflag:s4] =	ssyncset.done $0x0  }
0x27c: {  	[sflag:s4] =	ssyncadd.s32 $0xFFFFFF9C  }
0x27d: {  	_ =	swait.ge [sflag:s4], $0x64  }
0x27e: {  	[sflag:s4] =	ssyncset.done $0x0  }
0x27f: {  	[sflag:s4] =	ssyncadd.s32 $0xFFFFFF9C  }
0x280: {  	_ =	swait.ge [sflag:s4], $0x64  }
0x281: {  	[sflag:s4] =	ssyncset.done $0x0  }
0x282: {  	[sflag:s4] =	ssyncadd.s32 $0xFFFFFF9C  }
0x283: {  	_ =	swait.ge [sflag:s4], $0x64  }
0x284: {  	[sflag:s4] =	ssyncset.done $0x0  }
0x285: {  	[sflag:s4] =	ssyncadd.s32 $0xFFFFFF9C  }
0x286: {  	_ =	swait.ge [sflag:s4], $0x64  }
0x287: {  	[sflag:s4] =	ssyncset.done $0x0  }
0x288: {  	[sflag:s4] =	ssyncadd.s32 $0xFFFFFF9C  }
0x289: {  	_ =	swait.ge [sflag:s4], $0x64  }
0x28a: {  	[sflag:s4] =	ssyncset.done $0x0  }
0x28b: {  	[sflag:s4] =	ssyncadd.s32 $0xFFFFFF9C  }
0x28c: {  	_ =	swait.ge [sflag:s4], $0x64  }
0x28d: {  	[sflag:s4] =	ssyncset.done $0x0  }
0x28e: {  	[sflag:s4] =	ssyncadd.s32 $0xFFFFFF9C  }
0x28f: {  	_ =	swait.ge [sflag:s4], $0x64  }
0x290: {  	[sflag:s4] =	ssyncset.done $0x0  }
0x291: {  	[sflag:s4] =	ssyncadd.s32 $0xFFFFFF9C  }
0x292: {  	_ =	swait.ge [sflag:s4], $0x64  }
0x293: {  	[sflag:s4] =	ssyncset.done $0x0  }
0x294: {  	[sflag:s4] =	ssyncadd.s32 $0xFFFFFF9C  }
0x295: {  	_ =	swait.ge [sflag:s4], $0x64  }
0x296: {  	[sflag:s4] =	ssyncset.done $0x0  }
0x297: {  	[sflag:s4] =	ssyncadd.s32 $0xFFFFFF9C  }
0x298: {  	_ =	swait.ge [sflag:s4], $0x64  }
0x299: {  	[sflag:s4] =	ssyncset.done $0x0  }
0x29a: {  	[sflag:s4] =	ssyncadd.s32 $0xFFFFFF9C  }
0x29b: {  	_ =	swait.ge [sflag:s4], $0x64  }
0x29c: {  	[sflag:s4] =	ssyncset.done $0x0  }
0x29d: {  	[sflag:s4] =	ssyncadd.s32 $0xFFFFFF9C  }
0x29e: {  	_ =	swait.ge [sflag:s4], $0x64  }
0x29f: {  	[sflag:s4] =	ssyncset.done $0x0  }
0x2a0: {  	[sflag:s4] =	ssyncadd.s32 $0xFFFFFF9C  }
0x2a1: {  	_ =	swait.ge [sflag:s4], $0x64  }
0x2a2: {  	[sflag:s4] =	ssyncset.done $0x0  }
0x2a3: {  	s30 =	rddreg [dreg:$0xe];
	[sflag:s4] =	ssyncadd.s32 $0xFFFFFF9C  }
0x2a4: {  	[hbm:s30@s6], [sflag:s3] =	dma.strided [spmem:s9@s5], $0xFB0, s4, $0x10   }
0x2a5: {  	s0 =	rddreg [dreg:$0xf]  }
0x2a6: {  	[hbm:s0@s6], [sflag:s3] =	dma.strided [spmem:s7@s5], $0xFB0, s4, $0x10   }
0x2a7: {  	_ =	swait.ge [sflag:s4], $0xFB0  }
0x2a8: {  	[sflag:s4] =	ssyncset.done $0x0  }
0x2a9: {  	[sflag:s4] =	ssyncadd.s32 $0xFFFFF050  }
0x2aa: {  	_ =	swait.ge [sflag:s4], $0xFB0  }
0x2ab: {  	[sflag:s4] =	ssyncset.done $0x0  }
0x2ac: {  	[sflag:s4] =	ssyncadd.s32 $0xFFFFF050  }
0x2ad: {  	_ =	sfence.sel $0x180000  }
0x2ae: {  	[bflag:$0x0] =	sbarrier.arrive $0xFFFF  }
0x2af: {  	_ =	strace $0x90000047  }
0x2b0: {  	s31 =	stileid.u32;
	[bflag:$0x2] =	sbarrier.arrive $0xFFFF  }
0x2b1: {  	p0 =	sne.s32 s31, $0x0;
	s0 =	rddreg [dreg:$0x3]  }
0x2b2: {  	s0 =	sadd.s32 @!p0 $0x100000, s0  }
0x2b3: {  	[sflag:s0] =	ssyncadd.tile.s32 @!p0 $0x1;
	_ =	shalt  }
.LBB2_6:
.Ltmp3:
0x2b4: {  	(pc) =	sbr.rel .LBB2_5-.Ltmp3, $2  }
0x2b5: {  	_ =	sdelay $0x2  }
0x2b6: {  	s8 =	simm.s32 $0x0;
	s0 =	simm.s32 $0xFB00;
	s12 =	simm.s32 $0x10300  }
.Lfunc_end2:
_tile_overlayer_lowered:
.L_overlay_start_2:
0x2b7: {  	(tag) =	ssettag $0x2  }
0x2b8: {  	s0 =	rddreg [dreg:$0x0];
	s2 =	stileid.u32  }
0x2b9: {  	s1 =	rddreg [dreg:$0x1];
	p0 =	sne.s32 s2, $0x0  }
0x2ba: {  	s3 =	rddreg [dreg:$0x2];
	[bflag:$0x3] =	sbarrier.arrive $0xFFFF;
	s2 =	simm.s32 @!p0 $0x1C02  }
0x2bb: {  	[timem:s3], [sflag:s2] =	dma.local @!p0 [hbm:s0], s1  }
0x2bc: {  	s0 =	simm.s32 @!p0 $0x2  }
0x2bd: {  	_ =	swait.ge @!p0 [sflag:s0], s1  }
0x2be: {  	s1 =	ssub.s32 @!p0 $0x0, s1;
	[sflag:s0] =	ssyncset.done @!p0 $0x0  }
0x2bf: {  	[sflag:s0] =	ssyncadd.s32 @!p0 s1  }
0x2c0: {  	[bflag:$0x3] =	sbarrier.arrive $0xFFFF  }
0x2c1: {  	_ =	shalt  }

</sc_bundles>
